<compile_context>
chip_gen: v7x
topology: tpu7x:2x2x1
jax: 0.10.2.dev20260603
libtpu: 0.0.44.dev20260713+nightly
codegen_flags: <defaults>
</compile_context>

<pallas_src>
import functools

import jax
import jax.numpy as jnp
from jax import lax
from jax.experimental import pallas as pl
from jax.experimental.pallas import tpu as pltpu
from jax.experimental.pallas import tpu_sc as plsc

EPS = 1e-5
T = 256
LANES = 16


TA = 512


def _assign_body(x_ref, c_ref, o_ref, h_ref):
    nexp = c_ref.shape[0]
    nch = h_ref.shape[1]
    csz = TA // nch
    aff = lax.dot_general(x_ref[...], c_ref[...], (((1,), (1,)), ((), ())),
                          preferred_element_type=jnp.float32)
    mx = jnp.max(aff, axis=1, keepdims=True)
    ids = lax.broadcasted_iota(jnp.int32, aff.shape, 1)
    cand = jnp.where(aff >= mx, ids, nexp)
    idx = jnp.min(cand, axis=1).astype(jnp.int32)
    o_ref[0, 0, :] = idx
    ids2d = idx.reshape(nch, csz)
    lanes = lax.broadcasted_iota(jnp.int32, (nch, LANES), 1)
    hist = jnp.zeros((nch, LANES), jnp.int32)
    for e in range(nexp):
        cnt_e = jnp.sum(jnp.where(ids2d == e, 1, 0), axis=1,
                        keepdims=True)
        hist = hist + jnp.where(lanes == e, cnt_e, 0)
    h_ref[0] = hist


def _assign(feats, centroids):
    n, d = feats.shape
    nexp = centroids.shape[0]
    nt = n // TA
    nch = TA * NW // n
    t2e, hist = pl.pallas_call(
        _assign_body,
        grid=(nt,),
        in_specs=[pl.BlockSpec((TA, d), lambda i: (i, 0)),
                  pl.BlockSpec((nexp, d), lambda i: (0, 0))],
        out_specs=[pl.BlockSpec((1, 1, TA), lambda i: (i, 0, 0)),
                   pl.BlockSpec((1, nch, LANES), lambda i: (i, 0, 0))],
        out_shape=[jax.ShapeDtypeStruct((nt, 1, TA), jnp.int32),
                   jax.ShapeDtypeStruct((nt, nch, LANES), jnp.int32)],
    )(feats, centroids)
    return t2e.reshape(n), hist.reshape(NW, LANES)


NW = 32


def _wid():
    return lax.axis_index("s") * 2 + lax.axis_index("c")


def _scatter_body(nexp, chunk, t2e_hbm, feats_hbm, cnt_hbm, pos_hbm,
                  routed_hbm, ex_hbm, tt_hbm, vd_hbm, eids_v, cntall_v,
                  pos_v, rows_v, tmp_v, sem):
    wid = _wid()
    base = wid * chunk
    pltpu.sync_copy(t2e_hbm.at[pl.ds(base, chunk)], eids_v)
    pltpu.sync_copy(cnt_hbm, cntall_v)
    lanes = lax.iota(jnp.int32, LANES)

    totals = jnp.zeros((LANES,), jnp.int32)
    before = jnp.zeros((LANES,), jnp.int32)
    for i in range(NW):
        row = cntall_v[i]
        keep = jnp.where(i < wid, 1, 0)
        totals = totals + row
        before = before + row * keep

    acnt = ((totals + (T - 1)) >> 8) << 8
    aincl = plsc.cumsum(acnt)
    base_v = (aincl - acnt) + before

    @pl.when(wid == 0)
    def _():
        ntile = acnt >> 8
        tbase = (aincl - acnt) >> 8
        total_w = jnp.sum(ntile)
        wc = jnp.minimum(lanes, total_w - 1)
        exv = jnp.zeros((LANES,), jnp.int32)
        for e in range(nexp):
            tb = jnp.sum(jnp.where(lanes == e, tbase, 0))
            nt_e = jnp.sum(jnp.where(lanes == e, ntile, 0))
            sel = (wc >= tb) & (wc < tb + nt_e)
            exv = jnp.where(sel, e, exv)
        tmp_v[...] = exv
        pltpu.sync_copy(tmp_v, ex_hbm)
        tmp_v[...] = wc
        pltpu.sync_copy(tmp_v, tt_hbm)
        tmp_v[...] = jnp.where(lanes < total_w, 1, 0)
        pltpu.sync_copy(tmp_v, vd_hbm)

    counters = [jnp.sum(jnp.where(lanes == e, base_v, 0)) for e in range(nexp)]
    for s in range(chunk // LANES):
        ev = eids_v[pl.ds(s * LANES, LANES)]
        pos_vec = jnp.zeros((LANES,), jnp.int32)
        for e in range(nexp):
            m = ev == e
            mi = jnp.where(m, 1, 0)
            incl = jnp.cumsum(mi)
            pos_vec = jnp.where(m, counters[e] + incl - 1, pos_vec)
            counters[e] = counters[e] + jnp.sum(mi)
        pos_v[pl.ds(s * LANES, LANES)] = pos_vec
    pltpu.sync_copy(pos_v, pos_hbm.at[pl.ds(base, chunk)])

    pltpu.sync_copy(feats_hbm.at[pl.ds(base, chunk)], rows_v)
    pltpu.async_copy(rows_v, routed_hbm.at[pos_v], sem).wait()


def _route(t2e, feats, cnt_all, nexp, pad_n):
    n, d = feats.shape
    chunk = n // NW
    mesh = plsc.VectorSubcoreMesh(core_axis_name="c", subcore_axis_name="s",
                                  num_cores=2, num_subcores=16)
    f = pl.kernel(
        functools.partial(_scatter_body, nexp, chunk),
        out_type=[jax.ShapeDtypeStruct((n,), jnp.int32),
                  jax.ShapeDtypeStruct((pad_n, d), jnp.float32),
                  jax.ShapeDtypeStruct((LANES,), jnp.int32),
                  jax.ShapeDtypeStruct((LANES,), jnp.int32),
                  jax.ShapeDtypeStruct((LANES,), jnp.int32)],
        mesh=mesh,
        scratch_types=[
            pltpu.VMEM((chunk,), jnp.int32),
            pltpu.VMEM((NW, LANES), jnp.int32),
            pltpu.VMEM((chunk,), jnp.int32),
            pltpu.VMEM((chunk, d), jnp.float32),
            pltpu.VMEM((LANES,), jnp.int32),
            pltpu.SemaphoreType.DMA,
        ],
        compiler_params=pltpu.CompilerParams(needs_layout_passes=False),
    )
    return f(t2e, feats, cnt_all)


def _ffn_body(ex_ref, tt_ref, valid_ref, x_ref, c_ref, g_ref, b_ref,
              w1_ref, b1_ref, w2a_ref, w2b_ref, b2_ref, o_ref):
    w = pl.program_id(0)

    @pl.when(valid_ref[w] == 1)
    def _():
        _ffn_compute(x_ref, c_ref, g_ref, b_ref, w1_ref, b1_ref, w2a_ref,
                     w2b_ref, b2_ref, o_ref)


def _ffn_compute(x_ref, c_ref, g_ref, b_ref, w1_ref, b1_ref, w2a_ref,
                 w2b_ref, b2_ref, o_ref):
    x = x_ref[...]
    mu = jnp.mean(x, axis=1, keepdims=True)
    xc = x - mu
    var = jnp.mean(xc * xc, axis=1, keepdims=True)
    xn = xc * lax.rsqrt(var + EPS) * g_ref[0] + b_ref[0]
    ffn = w1_ref.shape[1]
    dh = w2a_ref.shape[1]
    kc = ffn // 4
    ya = b2_ref[0, :, :dh]
    yb = b2_ref[0, :, dh:]
    for k in range(4):
        hk = jnp.maximum(
            lax.dot_general(xn, w1_ref[0, pl.ds(k * kc, kc), :],
                            (((1,), (1,)), ((), ())),
                            preferred_element_type=jnp.float32)
            + b1_ref[0, :, pl.ds(k * kc, kc)], 0.0)
        ya = ya + lax.dot_general(hk, w2a_ref[0, :, pl.ds(k * kc, kc)],
                                  (((1,), (1,)), ((), ())),
                                  preferred_element_type=jnp.float32)
        yb = yb + lax.dot_general(hk, w2b_ref[0, :, pl.ds(k * kc, kc)],
                                  (((1,), (1,)), ((), ())),
                                  preferred_element_type=jnp.float32)
    y = jnp.concatenate([ya, yb], axis=1)
    alpha = jax.nn.sigmoid(jnp.sum(x * c_ref[0], axis=1, keepdims=True))
    o_ref[...] = x + alpha * y


def _ffn(ex, tt, valid, routed, centroids, ln_g, ln_b, ff1_w, ff1_b,
         ff2_w, ff2_b, nwork):
    pad_n, d = routed.shape
    nexp, ffn = ff1_w.shape[0], ff1_w.shape[1]
    grid_spec = pltpu.PrefetchScalarGridSpec(
        num_scalar_prefetch=3,
        grid=(nwork,),
        in_specs=[
            pl.BlockSpec((T, d), lambda w, ex, tt, vd: (tt[w], 0)),
            pl.BlockSpec((1, 1, d), lambda w, ex, tt, vd: (ex[w], 0, 0)),
            pl.BlockSpec((1, 1, d), lambda w, ex, tt, vd: (ex[w], 0, 0)),
            pl.BlockSpec((1, 1, d), lambda w, ex, tt, vd: (ex[w], 0, 0)),
            pl.BlockSpec((1, ffn, d), lambda w, ex, tt, vd: (ex[w], 0, 0)),
            pl.BlockSpec((1, 1, ffn), lambda w, ex, tt, vd: (ex[w], 0, 0)),
            pl.BlockSpec((1, d // 2, ffn), lambda w, ex, tt, vd: (ex[w], 0, 0)),
            pl.BlockSpec((1, d // 2, ffn), lambda w, ex, tt, vd: (ex[w], 1, 0),
                         pipeline_mode=pl.Buffered(buffer_count=1)),
            pl.BlockSpec((1, 1, d), lambda w, ex, tt, vd: (ex[w], 0, 0)),
        ],
        out_specs=pl.BlockSpec((T, d), lambda w, ex, tt, vd: (tt[w], 0)),
    )
    return pl.pallas_call(
        _ffn_body,
        grid_spec=grid_spec,
        out_shape=jax.ShapeDtypeStruct((pad_n, d), jnp.float32),
        compiler_params=pltpu.CompilerParams(
            vmem_limit_bytes=63 * 1024 * 1024),
    )(ex, tt, valid, routed, centroids.reshape(nexp, 1, d),
      ln_g.reshape(nexp, 1, d), ln_b.reshape(nexp, 1, d),
      ff1_w, ff1_b.reshape(nexp, 1, ffn), ff2_w, ff2_w,
      ff2_b.reshape(nexp, 1, d))


def _return_body(chunk, pos_hbm, src_hbm, out_hbm, pos_v, rows_v, sem):
    wid = lax.axis_index("s") * 2 + lax.axis_index("c")
    base = wid * chunk
    pltpu.sync_copy(pos_hbm.at[pl.ds(base, chunk)], pos_v)
    pltpu.async_copy(src_hbm.at[pos_v], rows_v, sem).wait()
    pltpu.sync_copy(rows_v, out_hbm.at[pl.ds(base, chunk)])


def _return(pos, src):
    n = pos.shape[0]
    d = src.shape[1]
    nw = 32
    chunk = n // nw
    mesh = plsc.VectorSubcoreMesh(core_axis_name="c", subcore_axis_name="s",
                                  num_cores=2, num_subcores=16)
    f = pl.kernel(
        functools.partial(_return_body, chunk),
        out_type=jax.ShapeDtypeStruct((n, d), jnp.float32),
        mesh=mesh,
        scratch_types=[
            pltpu.VMEM((chunk,), jnp.int32),
            pltpu.VMEM((chunk, d), jnp.float32),
            pltpu.SemaphoreType.DMA,
        ],
        compiler_params=pltpu.CompilerParams(needs_layout_passes=False),
    )
    return f(pos, src)


def kernel(input_features, centroids, ln_g, ln_b, ff1_w, ff1_b, ff2_w,
           ff2_b):
    x = input_features
    n = x.shape[0] * x.shape[1]
    d = x.shape[2]
    nexp = centroids.shape[0]
    nt = n // T
    nwork = nt + nexp - 1
    pad_n = nwork * T + T

    feats = x.reshape(n, d)
    t2e, cnt_all = _assign(feats, centroids)
    pos, routed, ex, tt, valid = _route(t2e, feats, cnt_all, nexp, pad_n)

    ffn_out = _ffn(ex, tt, valid, routed, centroids,
                   ln_g, ln_b, ff1_w, ff1_b, ff2_w, ff2_b, nwork)
    out = _return(pos, ffn_out)
    return out.reshape(x.shape)

# --- scband reference (transcript-rebuilt; emitter-appended) ---
"""Pipeline reference for scband-route-layer-12034498363397 (READ-ONLY COPY).

The authoritative reference and input builder live on the scoring server;
editing this copy changes nothing except your own understanding.
"""

import jax, jax.numpy as jnp
import numpy as np

E = 8          # num_workers / experts
D = 1024       # decoder_embed_dim
FFN = 4096     # decoder_ffn_embed_dim
B = 1
S = 2048
EPS = 1e-5


def setup_inputs(seed: int = 0) -> dict:
    key = jax.random.key(seed)
    ks = jax.random.split(key, 8)
    x = jax.random.normal(ks[0], (B, S, D), dtype=jnp.float32)
    # orthogonal init with gain 0.1 for expert centroids [E, D]
    raw = jax.random.normal(ks[1], (D, E), dtype=jnp.float32)
    q, _ = jnp.linalg.qr(raw)
    centroids = (0.1 * q.T).astype(jnp.float32)  # [E, D]
    # per-expert BaseSublayer params (base_sublayers=1)
    ff1_w = (jax.random.normal(ks[2], (E, FFN, D), dtype=jnp.float32) / np.sqrt(D)).astype(jnp.float32)
    ff1_b = jnp.zeros((E, FFN), dtype=jnp.float32)
    # original zero-inits ff2; use tiny random so outputs/grads are non-degenerate
    ff2_w = (jax.random.normal(ks[3], (E, D, FFN), dtype=jnp.float32) * 0.02).astype(jnp.float32)
    ff2_b = jnp.zeros((E, D), dtype=jnp.float32)
    ln_g = jnp.ones((E, D), dtype=jnp.float32)
    ln_b = jnp.zeros((E, D), dtype=jnp.float32)
    return {"input_features": x, "centroids": centroids, "ln_g": ln_g, "ln_b": ln_b,
            "ff1_w": ff1_w, "ff1_b": ff1_b, "ff2_w": ff2_w, "ff2_b": ff2_b}


def reference(input_features, centroids, ln_g, ln_b, ff1_w, ff1_b, ff2_w, ff2_b):
    # Global (all-workers) simulation of BASE-layer routing. All-to-all across the
    # data-parallel group is emulated by sorting tokens by assigned expert; each
    # expert processes its tokens (selected by mask) with its own FFN parameters.
    x = input_features
    feats = x.reshape(-1, x.shape[-1])                       # [N, D]
    # greedy_assignment (inference path, no_grad): top-1 expert per token
    affin = feats @ centroids.T                              # [N, E]
    token_to_expert = jnp.argmax(affin, axis=1)              # [N]
    sort_order = jnp.argsort(token_to_expert)                # stable sort
    routed = jnp.take(feats, sort_order, axis=0)             # all-to-all dispatch
    sorted_experts = jnp.take(token_to_expert, sort_order)   # [N]
    routed_out = routed
    for e in range(E):
        xs = routed                                          # all tokens; row-wise math
        alpha = jax.nn.sigmoid(xs @ centroids[e])[:, None]   # [N, 1]
        # BaseSublayer: xs + ff2(relu(ff1(LayerNorm(xs))))
        mu = xs.mean(axis=-1, keepdims=True)
        var = xs.var(axis=-1, keepdims=True)
        xn = (xs - mu) / jnp.sqrt(var + EPS) * ln_g[e] + ln_b[e]
        h = jax.nn.relu(xn @ ff1_w[e].T + ff1_b[e])
        y = h @ ff2_w[e].T + ff2_b[e]
        sub = xs + y
        out_e = alpha * sub + (1.0 - alpha) * xs
        mask = (sorted_experts == e)[:, None]
        routed_out = jnp.where(mask, out_e, routed_out)
    # all-to-all return + inverse_sort
    inv = jnp.argsort(sort_order)
    result = jnp.take(routed_out, inv, axis=0)
    return result.reshape(x.shape)

if __name__ == "__main__":
    import jax
    _d = setup_inputs()
    print(jax.jit(kernel)(*tuple(_d.values())))

</pallas_src>

<mosaic_0001>
#map = affine_map<(d0, d1) -> (0)>
#map1 = affine_map<(d0, d1) -> (0, 0)>
module attributes {stable_mosaic.version = 14 : i64} {
  func.func @_scatter_body(%arg0: i32, %arg1: i32, %arg2: memref<2048xi32, #tpu.memory_space<hbm>>, %arg3: memref<2048x1024xf32, #tpu.memory_space<hbm>>, %arg4: memref<32x16xi32, #tpu.memory_space<hbm>>, %arg5: memref<2048xi32, #tpu.memory_space<hbm>>, %arg6: memref<4096x1024xf32, #tpu.memory_space<hbm>>, %arg7: memref<16xi32, #tpu.memory_space<hbm>>, %arg8: memref<16xi32, #tpu.memory_space<hbm>>, %arg9: memref<16xi32, #tpu.memory_space<hbm>>, %arg10: memref<64xi32, #tpu.memory_space<vmem>>, %arg11: memref<32x16xi32, #tpu.memory_space<vmem>>, %arg12: memref<64xi32, #tpu.memory_space<vmem>>, %arg13: memref<64x1024xf32, #tpu.memory_space<vmem>>, %arg14: memref<16xi32, #tpu.memory_space<vmem>>, %arg15: memref<!tpu.dma_semaphore, #tpu.memory_space<semaphore_mem>>) attributes {dimension_semantics = [#tpu.dimension_semantics<core_parallel>, #tpu.dimension_semantics<subcore_parallel>], iteration_bounds = array<i64: 2, 16>, scalar_prefetch = 0 : i64, scratch_operands = 6 : i64, tpu.core_type = #tpu.core_type<sc_vector_subcore>, window_params = [{transform_indices = #map}, {transform_indices = #map1}, {transform_indices = #map1}, {transform_indices = #map}, {transform_indices = #map1}, {transform_indices = #map}, {transform_indices = #map}, {transform_indices = #map}]} {
    %mul3A = arith.constant 2 : i32
    %mul3A_0 = arith.muli %arg1, %mul3A : i32
    %add3A = arith.addi %mul3A_0, %arg0 : i32
    %mul3A_1 = arith.constant 64 : i32
    %mul3A_2 = arith.muli %add3A, %mul3A_1 : i32
    "tpu.region"() ({
      %run_scoped3A = tpu.sem_alloc : memref<!tpu.dma_semaphore, #tpu.memory_space<semaphore_mem>>
      %dma_start3A_1239 = tpu.memref_slice %arg2[%mul3A_2] : memref<2048xi32, #tpu.memory_space<hbm>> -> memref<64xi32, #tpu.memory_space<hbm>>
      %dma_start3A_1240 = tpu.memref_slice %arg2[%mul3A_2] : memref<2048xi32, #tpu.memory_space<hbm>> -> memref<64xi32, #tpu.memory_space<hbm>>
      tpu.enqueue_dma source(%dma_start3A_1240 : memref<64xi32, #tpu.memory_space<hbm>>) target(%arg10 : memref<64xi32, #tpu.memory_space<vmem>>) target_semaphore(%run_scoped3A : memref<!tpu.dma_semaphore, #tpu.memory_space<semaphore_mem>>)
      %dma_wait3A_1241 = tpu.memref_slice %arg2[%mul3A_2] : memref<2048xi32, #tpu.memory_space<hbm>> -> memref<64xi32, #tpu.memory_space<hbm>>
      %dma_wait3A_1242 = tpu.memref_slice %arg2[%mul3A_2] : memref<2048xi32, #tpu.memory_space<hbm>> -> memref<64xi32, #tpu.memory_space<hbm>>
      tpu.wait_dma2 semaphore(%run_scoped3A : memref<!tpu.dma_semaphore, #tpu.memory_space<semaphore_mem>>) src(%dma_wait3A_1242 : memref<64xi32, #tpu.memory_space<hbm>>) dst(%arg10 : memref<64xi32, #tpu.memory_space<vmem>>)
      tpu.yield
    }) : () -> ()
    "tpu.region"() ({
      %run_scoped3A = tpu.sem_alloc : memref<!tpu.dma_semaphore, #tpu.memory_space<semaphore_mem>>
      tpu.enqueue_dma source(%arg4 : memref<32x16xi32, #tpu.memory_space<hbm>>) target(%arg11 : memref<32x16xi32, #tpu.memory_space<vmem>>) target_semaphore(%run_scoped3A : memref<!tpu.dma_semaphore, #tpu.memory_space<semaphore_mem>>)
      tpu.wait_dma2 semaphore(%run_scoped3A : memref<!tpu.dma_semaphore, #tpu.memory_space<semaphore_mem>>) src(%arg4 : memref<32x16xi32, #tpu.memory_space<hbm>>) dst(%arg11 : memref<32x16xi32, #tpu.memory_space<vmem>>)
      tpu.yield
    }) : () -> ()
    %iota3A = tpu.iota {dimensions = array<i32: 0>} : vector<16xi32>
    %broadcast_in_dim3A = arith.constant 0 : i32
    %broadcast_in_dim3A_3 = vector.broadcast %broadcast_in_dim3A : i32 to vector<16xi32>
    %broadcast_in_dim3A_4 = arith.constant 0 : i32
    %broadcast_in_dim3A_5 = vector.broadcast %broadcast_in_dim3A_4 : i32 to vector<16xi32>
    %get3A = arith.constant 0 : i32
    %get3A_6 = arith.index_cast %get3A : i32 to index
    %get3A_7 = arith.constant 0 : index
    %get3A_8 = tpu.vector_load %arg11[%get3A_6, %get3A_7] {strides = array<i32>} : memref<32x16xi32, #tpu.memory_space<vmem>>, vector<16xi32>,
    %gt3A = arith.constant 0 : i32
    %gt3A_9 = arith.cmpi sgt, %add3A, %gt3A : i32
    %jit3A = arith.constant 1 : i32
    %jit3A_10 = arith.constant 0 : i32
    %select_n3A = arith.select %gt3A_9, %jit3A, %jit3A_10 : i32
    %add3A_11 = arith.addi %broadcast_in_dim3A_3, %get3A_8 : vector<16xi32>
    %mul3A_12 = vector.broadcast %select_n3A : i32 to vector<16xi32>
    %mul3A_13 = arith.muli %get3A_8, %mul3A_12 : vector<16xi32>
    %add3A_14 = arith.addi %broadcast_in_dim3A_5, %mul3A_13 : vector<16xi32>
    %get3A_15 = arith.constant 1 : i32
    %get3A_16 = arith.index_cast %get3A_15 : i32 to index
    %get3A_17 = arith.constant 0 : index
    %get3A_18 = tpu.vector_load %arg11[%get3A_16, %get3A_17] {strides = array<i32>} : memref<32x16xi32, #tpu.memory_space<vmem>>, vector<16xi32>,
    %gt3A_19 = arith.constant 1 : i32
    %gt3A_20 = arith.cmpi sgt, %add3A, %gt3A_19 : i32
    %jit3A_21 = arith.constant 1 : i32
    %jit3A_22 = arith.constant 0 : i32
    %select_n3A_23 = arith.select %gt3A_20, %jit3A_21, %jit3A_22 : i32
    %add3A_24 = arith.addi %add3A_11, %get3A_18 : vector<16xi32>
    %mul3A_25 = vector.broadcast %select_n3A_23 : i32 to vector<16xi32>
    %mul3A_26 = arith.muli %get3A_18, %mul3A_25 : vector<16xi32>
    %add3A_27 = arith.addi %add3A_14, %mul3A_26 : vector<16xi32>
    %get3A_28 = arith.constant 2 : i32
    %get3A_29 = arith.index_cast %get3A_28 : i32 to index
    %get3A_30 = arith.constant 0 : index
    %get3A_31 = tpu.vector_load %arg11[%get3A_29, %get3A_30] {strides = array<i32>} : memref<32x16xi32, #tpu.memory_space<vmem>>, vector<16xi32>,
    %gt3A_32 = arith.constant 2 : i32
    %gt3A_33 = arith.cmpi sgt, %add3A, %gt3A_32 : i32
    %jit3A_34 = arith.constant 1 : i32
    %jit3A_35 = arith.constant 0 : i32
    %select_n3A_36 = arith.select %gt3A_33, %jit3A_34, %jit3A_35 : i32
    %add3A_37 = arith.addi %add3A_24, %get3A_31 : vector<16xi32>
    %mul3A_38 = vector.broadcast %select_n3A_36 : i32 to vector<16xi32>
    %mul3A_39 = arith.muli %get3A_31, %mul3A_38 : vector<16xi32>
    %add3A_40 = arith.addi %add3A_27, %mul3A_39 : vector<16xi32>
    %get3A_41 = arith.constant 3 : i32
    %get3A_42 = arith.index_cast %get3A_41 : i32 to index
    %get3A_43 = arith.constant 0 : index
    %get3A_44 = tpu.vector_load %arg11[%get3A_42, %get3A_43] {strides = array<i32>} : memref<32x16xi32, #tpu.memory_space<vmem>>, vector<16xi32>,
    %gt3A_45 = arith.constant 3 : i32
    %gt3A_46 = arith.cmpi sgt, %add3A, %gt3A_45 : i32
    %jit3A_47 = arith.constant 1 : i32
    %jit3A_48 = arith.constant 0 : i32
    %select_n3A_49 = arith.select %gt3A_46, %jit3A_47, %jit3A_48 : i32
    %add3A_50 = arith.addi %add3A_37, %get3A_44 : vector<16xi32>
    %mul3A_51 = vector.broadcast %select_n3A_49 : i32 to vector<16xi32>
    %mul3A_52 = arith.muli %get3A_44, %mul3A_51 : vector<16xi32>
    %add3A_53 = arith.addi %add3A_40, %mul3A_52 : vector<16xi32>
    %get3A_54 = arith.constant 4 : i32
    %get3A_55 = arith.index_cast %get3A_54 : i32 to index
    %get3A_56 = arith.constant 0 : index
    %get3A_57 = tpu.vector_load %arg11[%get3A_55, %get3A_56] {strides = array<i32>} : memref<32x16xi32, #tpu.memory_space<vmem>>, vector<16xi32>,
    %gt3A_58 = arith.constant 4 : i32
    %gt3A_59 = arith.cmpi sgt, %add3A, %gt3A_58 : i32
    %jit3A_60 = arith.constant 1 : i32
    %jit3A_61 = arith.constant 0 : i32
    %select_n3A_62 = arith.select %gt3A_59, %jit3A_60, %jit3A_61 : i32
    %add3A_63 = arith.addi %add3A_50, %get3A_57 : vector<16xi32>
    %mul3A_64 = vector.broadcast %select_n3A_62 : i32 to vector<16xi32>
    %mul3A_65 = arith.muli %get3A_57, %mul3A_64 : vector<16xi32>
    %add3A_66 = arith.addi %add3A_53, %mul3A_65 : vector<16xi32>
    %get3A_67 = arith.constant 5 : i32
    %get3A_68 = arith.index_cast %get3A_67 : i32 to index
    %get3A_69 = arith.constant 0 : index
    %get3A_70 = tpu.vector_load %arg11[%get3A_68, %get3A_69] {strides = array<i32>} : memref<32x16xi32, #tpu.memory_space<vmem>>, vector<16xi32>,
    %gt3A_71 = arith.constant 5 : i32
    %gt3A_72 = arith.cmpi sgt, %add3A, %gt3A_71 : i32
    %jit3A_73 = arith.constant 1 : i32
    %jit3A_74 = arith.constant 0 : i32
    %select_n3A_75 = arith.select %gt3A_72, %jit3A_73, %jit3A_74 : i32
    %add3A_76 = arith.addi %add3A_63, %get3A_70 : vector<16xi32>
    %mul3A_77 = vector.broadcast %select_n3A_75 : i32 to vector<16xi32>
    %mul3A_78 = arith.muli %get3A_70, %mul3A_77 : vector<16xi32>
    %add3A_79 = arith.addi %add3A_66, %mul3A_78 : vector<16xi32>
    %get3A_80 = arith.constant 6 : i32
    %get3A_81 = arith.index_cast %get3A_80 : i32 to index
    %get3A_82 = arith.constant 0 : index
    %get3A_83 = tpu.vector_load %arg11[%get3A_81, %get3A_82] {strides = array<i32>} : memref<32x16xi32, #tpu.memory_space<vmem>>, vector<16xi32>,
    %gt3A_84 = arith.constant 6 : i32
    %gt3A_85 = arith.cmpi sgt, %add3A, %gt3A_84 : i32
    %jit3A_86 = arith.constant 1 : i32
    %jit3A_87 = arith.constant 0 : i32
    %select_n3A_88 = arith.select %gt3A_85, %jit3A_86, %jit3A_87 : i32
    %add3A_89 = arith.addi %add3A_76, %get3A_83 : vector<16xi32>
    %mul3A_90 = vector.broadcast %select_n3A_88 : i32 to vector<16xi32>
    %mul3A_91 = arith.muli %get3A_83, %mul3A_90 : vector<16xi32>
    %add3A_92 = arith.addi %add3A_79, %mul3A_91 : vector<16xi32>
    %get3A_93 = arith.constant 7 : i32
    %get3A_94 = arith.index_cast %get3A_93 : i32 to index
    %get3A_95 = arith.constant 0 : index
    %get3A_96 = tpu.vector_load %arg11[%get3A_94, %get3A_95] {strides = array<i32>} : memref<32x16xi32, #tpu.memory_space<vmem>>, vector<16xi32>,
    %gt3A_97 = arith.constant 7 : i32
    %gt3A_98 = arith.cmpi sgt, %add3A, %gt3A_97 : i32
    %jit3A_99 = arith.constant 1 : i32
    %jit3A_100 = arith.constant 0 : i32
    %select_n3A_101 = arith.select %gt3A_98, %jit3A_99, %jit3A_100 : i32
    %add3A_102 = arith.addi %add3A_89, %get3A_96 : vector<16xi32>
    %mul3A_103 = vector.broadcast %select_n3A_101 : i32 to vector<16xi32>
    %mul3A_104 = arith.muli %get3A_96, %mul3A_103 : vector<16xi32>
    %add3A_105 = arith.addi %add3A_92, %mul3A_104 : vector<16xi32>
    %get3A_106 = arith.constant 8 : i32
    %get3A_107 = arith.index_cast %get3A_106 : i32 to index
    %get3A_108 = arith.constant 0 : index
    %get3A_109 = tpu.vector_load %arg11[%get3A_107, %get3A_108] {strides = array<i32>} : memref<32x16xi32, #tpu.memory_space<vmem>>, vector<16xi32>,
    %gt3A_110 = arith.constant 8 : i32
    %gt3A_111 = arith.cmpi sgt, %add3A, %gt3A_110 : i32
    %jit3A_112 = arith.constant 1 : i32
    %jit3A_113 = arith.constant 0 : i32
    %select_n3A_114 = arith.select %gt3A_111, %jit3A_112, %jit3A_113 : i32
    %add3A_115 = arith.addi %add3A_102, %get3A_109 : vector<16xi32>
    %mul3A_116 = vector.broadcast %select_n3A_114 : i32 to vector<16xi32>
    %mul3A_117 = arith.muli %get3A_109, %mul3A_116 : vector<16xi32>
    %add3A_118 = arith.addi %add3A_105, %mul3A_117 : vector<16xi32>
    %get3A_119 = arith.constant 9 : i32
    %get3A_120 = arith.index_cast %get3A_119 : i32 to index
    %get3A_121 = arith.constant 0 : index
    %get3A_122 = tpu.vector_load %arg11[%get3A_120, %get3A_121] {strides = array<i32>} : memref<32x16xi32, #tpu.memory_space<vmem>>, vector<16xi32>,
    %gt3A_123 = arith.constant 9 : i32
    %gt3A_124 = arith.cmpi sgt, %add3A, %gt3A_123 : i32
    %jit3A_125 = arith.constant 1 : i32
    %jit3A_126 = arith.constant 0 : i32
    %select_n3A_127 = arith.select %gt3A_124, %jit3A_125, %jit3A_126 : i32
    %add3A_128 = arith.addi %add3A_115, %get3A_122 : vector<16xi32>
    %mul3A_129 = vector.broadcast %select_n3A_127 : i32 to vector<16xi32>
    %mul3A_130 = arith.muli %get3A_122, %mul3A_129 : vector<16xi32>
    %add3A_131 = arith.addi %add3A_118, %mul3A_130 : vector<16xi32>
    %get3A_132 = arith.constant 10 : i32
    %get3A_133 = arith.index_cast %get3A_132 : i32 to index
    %get3A_134 = arith.constant 0 : index
    %get3A_135 = tpu.vector_load %arg11[%get3A_133, %get3A_134] {strides = array<i32>} : memref<32x16xi32, #tpu.memory_space<vmem>>, vector<16xi32>,
    %gt3A_136 = arith.constant 10 : i32
    %gt3A_137 = arith.cmpi sgt, %add3A, %gt3A_136 : i32
    %jit3A_138 = arith.constant 1 : i32
    %jit3A_139 = arith.constant 0 : i32
    %select_n3A_140 = arith.select %gt3A_137, %jit3A_138, %jit3A_139 : i32
    %add3A_141 = arith.addi %add3A_128, %get3A_135 : vector<16xi32>
    %mul3A_142 = vector.broadcast %select_n3A_140 : i32 to vector<16xi32>
    %mul3A_143 = arith.muli %get3A_135, %mul3A_142 : vector<16xi32>
    %add3A_144 = arith.addi %add3A_131, %mul3A_143 : vector<16xi32>
    %get3A_145 = arith.constant 11 : i32
    %get3A_146 = arith.index_cast %get3A_145 : i32 to index
    %get3A_147 = arith.constant 0 : index
    %get3A_148 = tpu.vector_load %arg11[%get3A_146, %get3A_147] {strides = array<i32>} : memref<32x16xi32, #tpu.memory_space<vmem>>, vector<16xi32>,
    %gt3A_149 = arith.constant 11 : i32
    %gt3A_150 = arith.cmpi sgt, %add3A, %gt3A_149 : i32
    %jit3A_151 = arith.constant 1 : i32
    %jit3A_152 = arith.constant 0 : i32
    %select_n3A_153 = arith.select %gt3A_150, %jit3A_151, %jit3A_152 : i32
    %add3A_154 = arith.addi %add3A_141, %get3A_148 : vector<16xi32>
    %mul3A_155 = vector.broadcast %select_n3A_153 : i32 to vector<16xi32>
    %mul3A_156 = arith.muli %get3A_148, %mul3A_155 : vector<16xi32>
    %add3A_157 = arith.addi %add3A_144, %mul3A_156 : vector<16xi32>
    %get3A_158 = arith.constant 12 : i32
    %get3A_159 = arith.index_cast %get3A_158 : i32 to index
    %get3A_160 = arith.constant 0 : index
    %get3A_161 = tpu.vector_load %arg11[%get3A_159, %get3A_160] {strides = array<i32>} : memref<32x16xi32, #tpu.memory_space<vmem>>, vector<16xi32>,
    %gt3A_162 = arith.constant 12 : i32
    %gt3A_163 = arith.cmpi sgt, %add3A, %gt3A_162 : i32
    %jit3A_164 = arith.constant 1 : i32
    %jit3A_165 = arith.constant 0 : i32
    %select_n3A_166 = arith.select %gt3A_163, %jit3A_164, %jit3A_165 : i32
    %add3A_167 = arith.addi %add3A_154, %get3A_161 : vector<16xi32>
    %mul3A_168 = vector.broadcast %select_n3A_166 : i32 to vector<16xi32>
    %mul3A_169 = arith.muli %get3A_161, %mul3A_168 : vector<16xi32>
    %add3A_170 = arith.addi %add3A_157, %mul3A_169 : vector<16xi32>
    %get3A_171 = arith.constant 13 : i32
    %get3A_172 = arith.index_cast %get3A_171 : i32 to index
    %get3A_173 = arith.constant 0 : index
    %get3A_174 = tpu.vector_load %arg11[%get3A_172, %get3A_173] {strides = array<i32>} : memref<32x16xi32, #tpu.memory_space<vmem>>, vector<16xi32>,
    %gt3A_175 = arith.constant 13 : i32
    %gt3A_176 = arith.cmpi sgt, %add3A, %gt3A_175 : i32
    %jit3A_177 = arith.constant 1 : i32
    %jit3A_178 = arith.constant 0 : i32
    %select_n3A_179 = arith.select %gt3A_176, %jit3A_177, %jit3A_178 : i32
    %add3A_180 = arith.addi %add3A_167, %get3A_174 : vector<16xi32>
    %mul3A_181 = vector.broadcast %select_n3A_179 : i32 to vector<16xi32>
    %mul3A_182 = arith.muli %get3A_174, %mul3A_181 : vector<16xi32>
    %add3A_183 = arith.addi %add3A_170, %mul3A_182 : vector<16xi32>
    %get3A_184 = arith.constant 14 : i32
    %get3A_185 = arith.index_cast %get3A_184 : i32 to index
    %get3A_186 = arith.constant 0 : index
    %get3A_187 = tpu.vector_load %arg11[%get3A_185, %get3A_186] {strides = array<i32>} : memref<32x16xi32, #tpu.memory_space<vmem>>, vector<16xi32>,
    %gt3A_188 = arith.constant 14 : i32
    %gt3A_189 = arith.cmpi sgt, %add3A, %gt3A_188 : i32
    %jit3A_190 = arith.constant 1 : i32
    %jit3A_191 = arith.constant 0 : i32
    %select_n3A_192 = arith.select %gt3A_189, %jit3A_190, %jit3A_191 : i32
    %add3A_193 = arith.addi %add3A_180, %get3A_187 : vector<16xi32>
    %mul3A_194 = vector.broadcast %select_n3A_192 : i32 to vector<16xi32>
    %mul3A_195 = arith.muli %get3A_187, %mul3A_194 : vector<16xi32>
    %add3A_196 = arith.addi %add3A_183, %mul3A_195 : vector<16xi32>
    %get3A_197 = arith.constant 15 : i32
    %get3A_198 = arith.index_cast %get3A_197 : i32 to index
    %get3A_199 = arith.constant 0 : index
    %get3A_200 = tpu.vector_load %arg11[%get3A_198, %get3A_199] {strides = array<i32>} : memref<32x16xi32, #tpu.memory_space<vmem>>, vector<16xi32>,
    %gt3A_201 = arith.constant 15 : i32
    %gt3A_202 = arith.cmpi sgt, %add3A, %gt3A_201 : i32
    %jit3A_203 = arith.constant 1 : i32
    %jit3A_204 = arith.constant 0 : i32
    %select_n3A_205 = arith.select %gt3A_202, %jit3A_203, %jit3A_204 : i32
    %add3A_206 = arith.addi %add3A_193, %get3A_200 : vector<16xi32>
    %mul3A_207 = vector.broadcast %select_n3A_205 : i32 to vector<16xi32>
    %mul3A_208 = arith.muli %get3A_200, %mul3A_207 : vector<16xi32>
    %add3A_209 = arith.addi %add3A_196, %mul3A_208 : vector<16xi32>
    %get3A_210 = arith.constant 16 : i32
    %get3A_211 = arith.index_cast %get3A_210 : i32 to index
    %get3A_212 = arith.constant 0 : index
    %get3A_213 = tpu.vector_load %arg11[%get3A_211, %get3A_212] {strides = array<i32>} : memref<32x16xi32, #tpu.memory_space<vmem>>, vector<16xi32>,
    %gt3A_214 = arith.constant 16 : i32
    %gt3A_215 = arith.cmpi sgt, %add3A, %gt3A_214 : i32
    %jit3A_216 = arith.constant 1 : i32
    %jit3A_217 = arith.constant 0 : i32
    %select_n3A_218 = arith.select %gt3A_215, %jit3A_216, %jit3A_217 : i32
    %add3A_219 = arith.addi %add3A_206, %get3A_213 : vector<16xi32>
    %mul3A_220 = vector.broadcast %select_n3A_218 : i32 to vector<16xi32>
    %mul3A_221 = arith.muli %get3A_213, %mul3A_220 : vector<16xi32>
    %add3A_222 = arith.addi %add3A_209, %mul3A_221 : vector<16xi32>
    %get3A_223 = arith.constant 17 : i32
    %get3A_224 = arith.index_cast %get3A_223 : i32 to index
    %get3A_225 = arith.constant 0 : index
    %get3A_226 = tpu.vector_load %arg11[%get3A_224, %get3A_225] {strides = array<i32>} : memref<32x16xi32, #tpu.memory_space<vmem>>, vector<16xi32>,
    %gt3A_227 = arith.constant 17 : i32
    %gt3A_228 = arith.cmpi sgt, %add3A, %gt3A_227 : i32
    %jit3A_229 = arith.constant 1 : i32
    %jit3A_230 = arith.constant 0 : i32
    %select_n3A_231 = arith.select %gt3A_228, %jit3A_229, %jit3A_230 : i32
    %add3A_232 = arith.addi %add3A_219, %get3A_226 : vector<16xi32>
    %mul3A_233 = vector.broadcast %select_n3A_231 : i32 to vector<16xi32>
    %mul3A_234 = arith.muli %get3A_226, %mul3A_233 : vector<16xi32>
    %add3A_235 = arith.addi %add3A_222, %mul3A_234 : vector<16xi32>
    %get3A_236 = arith.constant 18 : i32
    %get3A_237 = arith.index_cast %get3A_236 : i32 to index
    %get3A_238 = arith.constant 0 : index
    %get3A_239 = tpu.vector_load %arg11[%get3A_237, %get3A_238] {strides = array<i32>} : memref<32x16xi32, #tpu.memory_space<vmem>>, vector<16xi32>,
    %gt3A_240 = arith.constant 18 : i32
    %gt3A_241 = arith.cmpi sgt, %add3A, %gt3A_240 : i32
    %jit3A_242 = arith.constant 1 : i32
    %jit3A_243 = arith.constant 0 : i32
    %select_n3A_244 = arith.select %gt3A_241, %jit3A_242, %jit3A_243 : i32
    %add3A_245 = arith.addi %add3A_232, %get3A_239 : vector<16xi32>
    %mul3A_246 = vector.broadcast %select_n3A_244 : i32 to vector<16xi32>
    %mul3A_247 = arith.muli %get3A_239, %mul3A_246 : vector<16xi32>
    %add3A_248 = arith.addi %add3A_235, %mul3A_247 : vector<16xi32>
    %get3A_249 = arith.constant 19 : i32
    %get3A_250 = arith.index_cast %get3A_249 : i32 to index
    %get3A_251 = arith.constant 0 : index
    %get3A_252 = tpu.vector_load %arg11[%get3A_250, %get3A_251] {strides = array<i32>} : memref<32x16xi32, #tpu.memory_space<vmem>>, vector<16xi32>,
    %gt3A_253 = arith.constant 19 : i32
    %gt3A_254 = arith.cmpi sgt, %add3A, %gt3A_253 : i32
    %jit3A_255 = arith.constant 1 : i32
    %jit3A_256 = arith.constant 0 : i32
    %select_n3A_257 = arith.select %gt3A_254, %jit3A_255, %jit3A_256 : i32
    %add3A_258 = arith.addi %add3A_245, %get3A_252 : vector<16xi32>
    %mul3A_259 = vector.broadcast %select_n3A_257 : i32 to vector<16xi32>
    %mul3A_260 = arith.muli %get3A_252, %mul3A_259 : vector<16xi32>
    %add3A_261 = arith.addi %add3A_248, %mul3A_260 : vector<16xi32>
    %get3A_262 = arith.constant 20 : i32
    %get3A_263 = arith.index_cast %get3A_262 : i32 to index
    %get3A_264 = arith.constant 0 : index
    %get3A_265 = tpu.vector_load %arg11[%get3A_263, %get3A_264] {strides = array<i32>} : memref<32x16xi32, #tpu.memory_space<vmem>>, vector<16xi32>,
    %gt3A_266 = arith.constant 20 : i32
    %gt3A_267 = arith.cmpi sgt, %add3A, %gt3A_266 : i32
    %jit3A_268 = arith.constant 1 : i32
    %jit3A_269 = arith.constant 0 : i32
    %select_n3A_270 = arith.select %gt3A_267, %jit3A_268, %jit3A_269 : i32
    %add3A_271 = arith.addi %add3A_258, %get3A_265 : vector<16xi32>
    %mul3A_272 = vector.broadcast %select_n3A_270 : i32 to vector<16xi32>
    %mul3A_273 = arith.muli %get3A_265, %mul3A_272 : vector<16xi32>
    %add3A_274 = arith.addi %add3A_261, %mul3A_273 : vector<16xi32>
    %get3A_275 = arith.constant 21 : i32
    %get3A_276 = arith.index_cast %get3A_275 : i32 to index
    %get3A_277 = arith.constant 0 : index
    %get3A_278 = tpu.vector_load %arg11[%get3A_276, %get3A_277] {strides = array<i32>} : memref<32x16xi32, #tpu.memory_space<vmem>>, vector<16xi32>,
    %gt3A_279 = arith.constant 21 : i32
    %gt3A_280 = arith.cmpi sgt, %add3A, %gt3A_279 : i32
    %jit3A_281 = arith.constant 1 : i32
    %jit3A_282 = arith.constant 0 : i32
    %select_n3A_283 = arith.select %gt3A_280, %jit3A_281, %jit3A_282 : i32
    %add3A_284 = arith.addi %add3A_271, %get3A_278 : vector<16xi32>
    %mul3A_285 = vector.broadcast %select_n3A_283 : i32 to vector<16xi32>
    %mul3A_286 = arith.muli %get3A_278, %mul3A_285 : vector<16xi32>
    %add3A_287 = arith.addi %add3A_274, %mul3A_286 : vector<16xi32>
    %get3A_288 = arith.constant 22 : i32
    %get3A_289 = arith.index_cast %get3A_288 : i32 to index
    %get3A_290 = arith.constant 0 : index
    %get3A_291 = tpu.vector_load %arg11[%get3A_289, %get3A_290] {strides = array<i32>} : memref<32x16xi32, #tpu.memory_space<vmem>>, vector<16xi32>,
    %gt3A_292 = arith.constant 22 : i32
    %gt3A_293 = arith.cmpi sgt, %add3A, %gt3A_292 : i32
    %jit3A_294 = arith.constant 1 : i32
    %jit3A_295 = arith.constant 0 : i32
    %select_n3A_296 = arith.select %gt3A_293, %jit3A_294, %jit3A_295 : i32
    %add3A_297 = arith.addi %add3A_284, %get3A_291 : vector<16xi32>
    %mul3A_298 = vector.broadcast %select_n3A_296 : i32 to vector<16xi32>
    %mul3A_299 = arith.muli %get3A_291, %mul3A_298 : vector<16xi32>
    %add3A_300 = arith.addi %add3A_287, %mul3A_299 : vector<16xi32>
    %get3A_301 = arith.constant 23 : i32
    %get3A_302 = arith.index_cast %get3A_301 : i32 to index
    %get3A_303 = arith.constant 0 : index
    %get3A_304 = tpu.vector_load %arg11[%get3A_302, %get3A_303] {strides = array<i32>} : memref<32x16xi32, #tpu.memory_space<vmem>>, vector<16xi32>,
    %gt3A_305 = arith.constant 23 : i32
    %gt3A_306 = arith.cmpi sgt, %add3A, %gt3A_305 : i32
    %jit3A_307 = arith.constant 1 : i32
    %jit3A_308 = arith.constant 0 : i32
    %select_n3A_309 = arith.select %gt3A_306, %jit3A_307, %jit3A_308 : i32
    %add3A_310 = arith.addi %add3A_297, %get3A_304 : vector<16xi32>
    %mul3A_311 = vector.broadcast %select_n3A_309 : i32 to vector<16xi32>
    %mul3A_312 = arith.muli %get3A_304, %mul3A_311 : vector<16xi32>
    %add3A_313 = arith.addi %add3A_300, %mul3A_312 : vector<16xi32>
    %get3A_314 = arith.constant 24 : i32
    %get3A_315 = arith.index_cast %get3A_314 : i32 to index
    %get3A_316 = arith.constant 0 : index
    %get3A_317 = tpu.vector_load %arg11[%get3A_315, %get3A_316] {strides = array<i32>} : memref<32x16xi32, #tpu.memory_space<vmem>>, vector<16xi32>,
    %gt3A_318 = arith.constant 24 : i32
    %gt3A_319 = arith.cmpi sgt, %add3A, %gt3A_318 : i32
    %jit3A_320 = arith.constant 1 : i32
    %jit3A_321 = arith.constant 0 : i32
    %select_n3A_322 = arith.select %gt3A_319, %jit3A_320, %jit3A_321 : i32
    %add3A_323 = arith.addi %add3A_310, %get3A_317 : vector<16xi32>
    %mul3A_324 = vector.broadcast %select_n3A_322 : i32 to vector<16xi32>
    %mul3A_325 = arith.muli %get3A_317, %mul3A_324 : vector<16xi32>
    %add3A_326 = arith.addi %add3A_313, %mul3A_325 : vector<16xi32>
    %get3A_327 = arith.constant 25 : i32
    %get3A_328 = arith.index_cast %get3A_327 : i32 to index
    %get3A_329 = arith.constant 0 : index
    %get3A_330 = tpu.vector_load %arg11[%get3A_328, %get3A_329] {strides = array<i32>} : memref<32x16xi32, #tpu.memory_space<vmem>>, vector<16xi32>,
    %gt3A_331 = arith.constant 25 : i32
    %gt3A_332 = arith.cmpi sgt, %add3A, %gt3A_331 : i32
    %jit3A_333 = arith.constant 1 : i32
    %jit3A_334 = arith.constant 0 : i32
    %select_n3A_335 = arith.select %gt3A_332, %jit3A_333, %jit3A_334 : i32
    %add3A_336 = arith.addi %add3A_323, %get3A_330 : vector<16xi32>
    %mul3A_337 = vector.broadcast %select_n3A_335 : i32 to vector<16xi32>
    %mul3A_338 = arith.muli %get3A_330, %mul3A_337 : vector<16xi32>
    %add3A_339 = arith.addi %add3A_326, %mul3A_338 : vector<16xi32>
    %get3A_340 = arith.constant 26 : i32
    %get3A_341 = arith.index_cast %get3A_340 : i32 to index
    %get3A_342 = arith.constant 0 : index
    %get3A_343 = tpu.vector_load %arg11[%get3A_341, %get3A_342] {strides = array<i32>} : memref<32x16xi32, #tpu.memory_space<vmem>>, vector<16xi32>,
    %gt3A_344 = arith.constant 26 : i32
    %gt3A_345 = arith.cmpi sgt, %add3A, %gt3A_344 : i32
    %jit3A_346 = arith.constant 1 : i32
    %jit3A_347 = arith.constant 0 : i32
    %select_n3A_348 = arith.select %gt3A_345, %jit3A_346, %jit3A_347 : i32
    %add3A_349 = arith.addi %add3A_336, %get3A_343 : vector<16xi32>
    %mul3A_350 = vector.broadcast %select_n3A_348 : i32 to vector<16xi32>
    %mul3A_351 = arith.muli %get3A_343, %mul3A_350 : vector<16xi32>
    %add3A_352 = arith.addi %add3A_339, %mul3A_351 : vector<16xi32>
    %get3A_353 = arith.constant 27 : i32
    %get3A_354 = arith.index_cast %get3A_353 : i32 to index
    %get3A_355 = arith.constant 0 : index
    %get3A_356 = tpu.vector_load %arg11[%get3A_354, %get3A_355] {strides = array<i32>} : memref<32x16xi32, #tpu.memory_space<vmem>>, vector<16xi32>,
    %gt3A_357 = arith.constant 27 : i32
    %gt3A_358 = arith.cmpi sgt, %add3A, %gt3A_357 : i32
    %jit3A_359 = arith.constant 1 : i32
    %jit3A_360 = arith.constant 0 : i32
    %select_n3A_361 = arith.select %gt3A_358, %jit3A_359, %jit3A_360 : i32
    %add3A_362 = arith.addi %add3A_349, %get3A_356 : vector<16xi32>
    %mul3A_363 = vector.broadcast %select_n3A_361 : i32 to vector<16xi32>
    %mul3A_364 = arith.muli %get3A_356, %mul3A_363 : vector<16xi32>
    %add3A_365 = arith.addi %add3A_352, %mul3A_364 : vector<16xi32>
    %get3A_366 = arith.constant 28 : i32
    %get3A_367 = arith.index_cast %get3A_366 : i32 to index
    %get3A_368 = arith.constant 0 : index
    %get3A_369 = tpu.vector_load %arg11[%get3A_367, %get3A_368] {strides = array<i32>} : memref<32x16xi32, #tpu.memory_space<vmem>>, vector<16xi32>,
    %gt3A_370 = arith.constant 28 : i32
    %gt3A_371 = arith.cmpi sgt, %add3A, %gt3A_370 : i32
    %jit3A_372 = arith.constant 1 : i32
    %jit3A_373 = arith.constant 0 : i32
    %select_n3A_374 = arith.select %gt3A_371, %jit3A_372, %jit3A_373 : i32
    %add3A_375 = arith.addi %add3A_362, %get3A_369 : vector<16xi32>
    %mul3A_376 = vector.broadcast %select_n3A_374 : i32 to vector<16xi32>
    %mul3A_377 = arith.muli %get3A_369, %mul3A_376 : vector<16xi32>
    %add3A_378 = arith.addi %add3A_365, %mul3A_377 : vector<16xi32>
    %get3A_379 = arith.constant 29 : i32
    %get3A_380 = arith.index_cast %get3A_379 : i32 to index
    %get3A_381 = arith.constant 0 : index
    %get3A_382 = tpu.vector_load %arg11[%get3A_380, %get3A_381] {strides = array<i32>} : memref<32x16xi32, #tpu.memory_space<vmem>>, vector<16xi32>,
    %gt3A_383 = arith.constant 29 : i32
    %gt3A_384 = arith.cmpi sgt, %add3A, %gt3A_383 : i32
    %jit3A_385 = arith.constant 1 : i32
    %jit3A_386 = arith.constant 0 : i32
    %select_n3A_387 = arith.select %gt3A_384, %jit3A_385, %jit3A_386 : i32
    %add3A_388 = arith.addi %add3A_375, %get3A_382 : vector<16xi32>
    %mul3A_389 = vector.broadcast %select_n3A_387 : i32 to vector<16xi32>
    %mul3A_390 = arith.muli %get3A_382, %mul3A_389 : vector<16xi32>
    %add3A_391 = arith.addi %add3A_378, %mul3A_390 : vector<16xi32>
    %get3A_392 = arith.constant 30 : i32
    %get3A_393 = arith.index_cast %get3A_392 : i32 to index
    %get3A_394 = arith.constant 0 : index
    %get3A_395 = tpu.vector_load %arg11[%get3A_393, %get3A_394] {strides = array<i32>} : memref<32x16xi32, #tpu.memory_space<vmem>>, vector<16xi32>,
    %gt3A_396 = arith.constant 30 : i32
    %gt3A_397 = arith.cmpi sgt, %add3A, %gt3A_396 : i32
    %jit3A_398 = arith.constant 1 : i32
    %jit3A_399 = arith.constant 0 : i32
    %select_n3A_400 = arith.select %gt3A_397, %jit3A_398, %jit3A_399 : i32
    %add3A_401 = arith.addi %add3A_388, %get3A_395 : vector<16xi32>
    %mul3A_402 = vector.broadcast %select_n3A_400 : i32 to vector<16xi32>
    %mul3A_403 = arith.muli %get3A_395, %mul3A_402 : vector<16xi32>
    %add3A_404 = arith.addi %add3A_391, %mul3A_403 : vector<16xi32>
    %get3A_405 = arith.constant 31 : i32
    %get3A_406 = arith.index_cast %get3A_405 : i32 to index
    %get3A_407 = arith.constant 0 : index
    %get3A_408 = tpu.vector_load %arg11[%get3A_406, %get3A_407] {strides = array<i32>} : memref<32x16xi32, #tpu.memory_space<vmem>>, vector<16xi32>,
    %gt3A_409 = arith.constant 31 : i32
    %gt3A_410 = arith.cmpi sgt, %add3A, %gt3A_409 : i32
    %jit3A_411 = arith.constant 1 : i32
    %jit3A_412 = arith.constant 0 : i32
    %select_n3A_413 = arith.select %gt3A_410, %jit3A_411, %jit3A_412 : i32
    %add3A_414 = arith.addi %add3A_401, %get3A_408 : vector<16xi32>
    %mul3A_415 = vector.broadcast %select_n3A_413 : i32 to vector<16xi32>
    %mul3A_416 = arith.muli %get3A_408, %mul3A_415 : vector<16xi32>
    %add3A_417 = arith.addi %add3A_404, %mul3A_416 : vector<16xi32>
    %add3A_418 = arith.constant 255 : i32
    %add3A_419 = vector.broadcast %add3A_418 : i32 to vector<16xi32>
    %add3A_420 = arith.addi %add3A_414, %add3A_419 : vector<16xi32>
    %shift_right_arithmetic3A = arith.constant 8 : i32
    %shift_right_arithmetic3A_421 = vector.broadcast %shift_right_arithmetic3A : i32 to vector<16xi32>
    %shift_right_arithmetic3A_422 = arith.shrsi %add3A_420, %shift_right_arithmetic3A_421 : vector<16xi32>
    %shift_left3A = arith.constant 8 : i32
    %shift_left3A_423 = vector.broadcast %shift_left3A : i32 to vector<16xi32>
    %shift_left3A_424 = arith.shli %shift_right_arithmetic3A_422, %shift_left3A_423 : vector<16xi32>
    %broadcast_in_dim3A_425 = arith.constant true
    %broadcast_in_dim3A_426 = vector.broadcast %broadcast_in_dim3A_425 : i1 to vector<16xi1>
    %masked_cumsum3A = tpu.scan <sum>, %shift_left3A_424 masked %broadcast_in_dim3A_426 : vector<16xi32>, vector<16xi1> -> vector<16xi32>
    %sub3A = arith.subi %masked_cumsum3A, %shift_left3A_424 : vector<16xi32>
    %add3A_427 = arith.addi %sub3A, %add3A_417 : vector<16xi32>
    %eq3A = arith.constant 0 : i32
    %eq3A_428 = arith.cmpi eq, %add3A, %eq3A : i32
    %convert_element_type3A = arith.extui %eq3A_428 : i1 to i32
    %cond3A = arith.constant 0 : i32
    %cond3A_429 = arith.cmpi ne, %convert_element_type3A, %cond3A : i32
    scf.if %cond3A_429 {
      %shift_right_arithmetic3A_1239 = arith.constant 8 : i32
      %shift_right_arithmetic3A_1240 = vector.broadcast %shift_right_arithmetic3A_1239 : i32 to vector<16xi32>
      %shift_right_arithmetic3A_1241 = arith.shrsi %shift_left3A_424, %shift_right_arithmetic3A_1240 : vector<16xi32>
      %sub3A_1242 = arith.subi %masked_cumsum3A, %shift_left3A_424 : vector<16xi32>
      %shift_right_arithmetic3A_1243 = arith.constant 8 : i32
      %shift_right_arithmetic3A_1244 = vector.broadcast %shift_right_arithmetic3A_1243 : i32 to vector<16xi32>
      %shift_right_arithmetic3A_1245 = arith.shrsi %sub3A_1242, %shift_right_arithmetic3A_1244 : vector<16xi32>
      %reduce_sum3A_1246 = arith.constant true
      %reduce_sum3A_1247 = vector.broadcast %reduce_sum3A_1246 : i1 to vector<16xi1>
      %reduce_sum3A_1248 = tpu.scan <sum>, %shift_right_arithmetic3A_1241 masked %reduce_sum3A_1247 : vector<16xi32>, vector<16xi1> -> vector<16xi32>
      %reduce_sum3A_1249 = vector.extract %reduce_sum3A_1248[15] : i32 from vector<16xi32>
      %sub3A_1250 = arith.constant 1 : i32
      %sub3A_1251 = arith.subi %reduce_sum3A_1249, %sub3A_1250 : i32
      %min3A = vector.broadcast %sub3A_1251 : i32 to vector<16xi32>
      %min3A_1252 = arith.minsi %iota3A, %min3A : vector<16xi32>
      %broadcast_in_dim3A_1253 = arith.constant 0 : i32
      %broadcast_in_dim3A_1254 = vector.broadcast %broadcast_in_dim3A_1253 : i32 to vector<16xi32>
      %eq3A_1255 = arith.constant 0 : i32
      %eq3A_1256 = vector.broadcast %eq3A_1255 : i32 to vector<16xi32>
      %eq3A_1257 = arith.cmpi eq, %iota3A, %eq3A_1256 : vector<16xi32>
      %jit3A_1258 = arith.constant 0 : i32
      %broadcast_in_dim3A_1259 = vector.broadcast %jit3A_1258 : i32 to vector<16xi32>
      %select_n3A_1260 = arith.select %eq3A_1257, %shift_right_arithmetic3A_1245, %broadcast_in_dim3A_1259 : vector<16xi1>, vector<16xi32>
      %reduce_sum3A_1261 = arith.constant true
      %reduce_sum3A_1262 = vector.broadcast %reduce_sum3A_1261 : i1 to vector<16xi1>
      %reduce_sum3A_1263 = tpu.scan <sum>, %select_n3A_1260 masked %reduce_sum3A_1262 : vector<16xi32>, vector<16xi1> -> vector<16xi32>
      %reduce_sum3A_1264 = vector.extract %reduce_sum3A_1263[15] : i32 from vector<16xi32>
      %eq3A_1265 = arith.constant 0 : i32
      %eq3A_1266 = vector.broadcast %eq3A_1265 : i32 to vector<16xi32>
      %eq3A_1267 = arith.cmpi eq, %iota3A, %eq3A_1266 : vector<16xi32>
      %jit3A_1268 = arith.constant 0 : i32
      %broadcast_in_dim3A_1269 = vector.broadcast %jit3A_1268 : i32 to vector<16xi32>
      %select_n3A_1270 = arith.select %eq3A_1267, %shift_right_arithmetic3A_1241, %broadcast_in_dim3A_1269 : vector<16xi1>, vector<16xi32>
      %reduce_sum3A_1271 = arith.constant true
      %reduce_sum3A_1272 = vector.broadcast %reduce_sum3A_1271 : i1 to vector<16xi1>
      %reduce_sum3A_1273 = tpu.scan <sum>, %select_n3A_1270 masked %reduce_sum3A_1272 : vector<16xi32>, vector<16xi1> -> vector<16xi32>
      %reduce_sum3A_1274 = vector.extract %reduce_sum3A_1273[15] : i32 from vector<16xi32>
      %ge3A = vector.broadcast %reduce_sum3A_1264 : i32 to vector<16xi32>
      %ge3A_1275 = arith.cmpi sge, %min3A_1252, %ge3A : vector<16xi32>
      %add3A_1276 = arith.addi %reduce_sum3A_1264, %reduce_sum3A_1274 : i32
      %lt3A = vector.broadcast %add3A_1276 : i32 to vector<16xi32>
      %lt3A_1277 = arith.cmpi slt, %min3A_1252, %lt3A : vector<16xi32>
      %and3A = arith.andi %ge3A_1275, %lt3A_1277 : vector<16xi1>
      %jit3A_1278 = arith.constant 0 : i32
      %broadcast_in_dim3A_1279 = vector.broadcast %jit3A_1278 : i32 to vector<16xi32>
      %select_n3A_1280 = arith.select %and3A, %broadcast_in_dim3A_1279, %broadcast_in_dim3A_1254 : vector<16xi1>, vector<16xi32>
      %eq3A_1281 = arith.constant 1 : i32
      %eq3A_1282 = vector.broadcast %eq3A_1281 : i32 to vector<16xi32>
      %eq3A_1283 = arith.cmpi eq, %iota3A, %eq3A_1282 : vector<16xi32>
      %jit3A_1284 = arith.constant 0 : i32
      %broadcast_in_dim3A_1285 = vector.broadcast %jit3A_1284 : i32 to vector<16xi32>
      %select_n3A_1286 = arith.select %eq3A_1283, %shift_right_arithmetic3A_1245, %broadcast_in_dim3A_1285 : vector<16xi1>, vector<16xi32>
      %reduce_sum3A_1287 = arith.constant true
      %reduce_sum3A_1288 = vector.broadcast %reduce_sum3A_1287 : i1 to vector<16xi1>
      %reduce_sum3A_1289 = tpu.scan <sum>, %select_n3A_1286 masked %reduce_sum3A_1288 : vector<16xi32>, vector<16xi1> -> vector<16xi32>
      %reduce_sum3A_1290 = vector.extract %reduce_sum3A_1289[15] : i32 from vector<16xi32>
      %eq3A_1291 = arith.constant 1 : i32
      %eq3A_1292 = vector.broadcast %eq3A_1291 : i32 to vector<16xi32>
      %eq3A_1293 = arith.cmpi eq, %iota3A, %eq3A_1292 : vector<16xi32>
      %jit3A_1294 = arith.constant 0 : i32
      %broadcast_in_dim3A_1295 = vector.broadcast %jit3A_1294 : i32 to vector<16xi32>
      %select_n3A_1296 = arith.select %eq3A_1293, %shift_right_arithmetic3A_1241, %broadcast_in_dim3A_1295 : vector<16xi1>, vector<16xi32>
      %reduce_sum3A_1297 = arith.constant true
      %reduce_sum3A_1298 = vector.broadcast %reduce_sum3A_1297 : i1 to vector<16xi1>
      %reduce_sum3A_1299 = tpu.scan <sum>, %select_n3A_1296 masked %reduce_sum3A_1298 : vector<16xi32>, vector<16xi1> -> vector<16xi32>
      %reduce_sum3A_1300 = vector.extract %reduce_sum3A_1299[15] : i32 from vector<16xi32>
      %ge3A_1301 = vector.broadcast %reduce_sum3A_1290 : i32 to vector<16xi32>
      %ge3A_1302 = arith.cmpi sge, %min3A_1252, %ge3A_1301 : vector<16xi32>
      %add3A_1303 = arith.addi %reduce_sum3A_1290, %reduce_sum3A_1300 : i32
      %lt3A_1304 = vector.broadcast %add3A_1303 : i32 to vector<16xi32>
      %lt3A_1305 = arith.cmpi slt, %min3A_1252, %lt3A_1304 : vector<16xi32>
      %and3A_1306 = arith.andi %ge3A_1302, %lt3A_1305 : vector<16xi1>
      %jit3A_1307 = arith.constant 1 : i32
      %broadcast_in_dim3A_1308 = vector.broadcast %jit3A_1307 : i32 to vector<16xi32>
      %select_n3A_1309 = arith.select %and3A_1306, %broadcast_in_dim3A_1308, %select_n3A_1280 : vector<16xi1>, vector<16xi32>
      %eq3A_1310 = arith.constant 2 : i32
      %eq3A_1311 = vector.broadcast %eq3A_1310 : i32 to vector<16xi32>
      %eq3A_1312 = arith.cmpi eq, %iota3A, %eq3A_1311 : vector<16xi32>
      %jit3A_1313 = arith.constant 0 : i32
      %broadcast_in_dim3A_1314 = vector.broadcast %jit3A_1313 : i32 to vector<16xi32>
      %select_n3A_1315 = arith.select %eq3A_1312, %shift_right_arithmetic3A_1245, %broadcast_in_dim3A_1314 : vector<16xi1>, vector<16xi32>
      %reduce_sum3A_1316 = arith.constant true
      %reduce_sum3A_1317 = vector.broadcast %reduce_sum3A_1316 : i1 to vector<16xi1>
      %reduce_sum3A_1318 = tpu.scan <sum>, %select_n3A_1315 masked %reduce_sum3A_1317 : vector<16xi32>, vector<16xi1> -> vector<16xi32>
      %reduce_sum3A_1319 = vector.extract %reduce_sum3A_1318[15] : i32 from vector<16xi32>
      %eq3A_1320 = arith.constant 2 : i32
      %eq3A_1321 = vector.broadcast %eq3A_1320 : i32 to vector<16xi32>
      %eq3A_1322 = arith.cmpi eq, %iota3A, %eq3A_1321 : vector<16xi32>
      %jit3A_1323 = arith.constant 0 : i32
      %broadcast_in_dim3A_1324 = vector.broadcast %jit3A_1323 : i32 to vector<16xi32>
      %select_n3A_1325 = arith.select %eq3A_1322, %shift_right_arithmetic3A_1241, %broadcast_in_dim3A_1324 : vector<16xi1>, vector<16xi32>
      %reduce_sum3A_1326 = arith.constant true
      %reduce_sum3A_1327 = vector.broadcast %reduce_sum3A_1326 : i1 to vector<16xi1>
      %reduce_sum3A_1328 = tpu.scan <sum>, %select_n3A_1325 masked %reduce_sum3A_1327 : vector<16xi32>, vector<16xi1> -> vector<16xi32>
      %reduce_sum3A_1329 = vector.extract %reduce_sum3A_1328[15] : i32 from vector<16xi32>
      %ge3A_1330 = vector.broadcast %reduce_sum3A_1319 : i32 to vector<16xi32>
      %ge3A_1331 = arith.cmpi sge, %min3A_1252, %ge3A_1330 : vector<16xi32>
      %add3A_1332 = arith.addi %reduce_sum3A_1319, %reduce_sum3A_1329 : i32
      %lt3A_1333 = vector.broadcast %add3A_1332 : i32 to vector<16xi32>
      %lt3A_1334 = arith.cmpi slt, %min3A_1252, %lt3A_1333 : vector<16xi32>
      %and3A_1335 = arith.andi %ge3A_1331, %lt3A_1334 : vector<16xi1>
      %jit3A_1336 = arith.constant 2 : i32
      %broadcast_in_dim3A_1337 = vector.broadcast %jit3A_1336 : i32 to vector<16xi32>
      %select_n3A_1338 = arith.select %and3A_1335, %broadcast_in_dim3A_1337, %select_n3A_1309 : vector<16xi1>, vector<16xi32>
      %eq3A_1339 = arith.constant 3 : i32
      %eq3A_1340 = vector.broadcast %eq3A_1339 : i32 to vector<16xi32>
      %eq3A_1341 = arith.cmpi eq, %iota3A, %eq3A_1340 : vector<16xi32>
      %jit3A_1342 = arith.constant 0 : i32
      %broadcast_in_dim3A_1343 = vector.broadcast %jit3A_1342 : i32 to vector<16xi32>
      %select_n3A_1344 = arith.select %eq3A_1341, %shift_right_arithmetic3A_1245, %broadcast_in_dim3A_1343 : vector<16xi1>, vector<16xi32>
      %reduce_sum3A_1345 = arith.constant true
      %reduce_sum3A_1346 = vector.broadcast %reduce_sum3A_1345 : i1 to vector<16xi1>
      %reduce_sum3A_1347 = tpu.scan <sum>, %select_n3A_1344 masked %reduce_sum3A_1346 : vector<16xi32>, vector<16xi1> -> vector<16xi32>
      %reduce_sum3A_1348 = vector.extract %reduce_sum3A_1347[15] : i32 from vector<16xi32>
      %eq3A_1349 = arith.constant 3 : i32
      %eq3A_1350 = vector.broadcast %eq3A_1349 : i32 to vector<16xi32>
      %eq3A_1351 = arith.cmpi eq, %iota3A, %eq3A_1350 : vector<16xi32>
      %jit3A_1352 = arith.constant 0 : i32
      %broadcast_in_dim3A_1353 = vector.broadcast %jit3A_1352 : i32 to vector<16xi32>
      %select_n3A_1354 = arith.select %eq3A_1351, %shift_right_arithmetic3A_1241, %broadcast_in_dim3A_1353 : vector<16xi1>, vector<16xi32>
      %reduce_sum3A_1355 = arith.constant true
      %reduce_sum3A_1356 = vector.broadcast %reduce_sum3A_1355 : i1 to vector<16xi1>
      %reduce_sum3A_1357 = tpu.scan <sum>, %select_n3A_1354 masked %reduce_sum3A_1356 : vector<16xi32>, vector<16xi1> -> vector<16xi32>
      %reduce_sum3A_1358 = vector.extract %reduce_sum3A_1357[15] : i32 from vector<16xi32>
      %ge3A_1359 = vector.broadcast %reduce_sum3A_1348 : i32 to vector<16xi32>
      %ge3A_1360 = arith.cmpi sge, %min3A_1252, %ge3A_1359 : vector<16xi32>
      %add3A_1361 = arith.addi %reduce_sum3A_1348, %reduce_sum3A_1358 : i32
      %lt3A_1362 = vector.broadcast %add3A_1361 : i32 to vector<16xi32>
      %lt3A_1363 = arith.cmpi slt, %min3A_1252, %lt3A_1362 : vector<16xi32>
      %and3A_1364 = arith.andi %ge3A_1360, %lt3A_1363 : vector<16xi1>
      %jit3A_1365 = arith.constant 3 : i32
      %broadcast_in_dim3A_1366 = vector.broadcast %jit3A_1365 : i32 to vector<16xi32>
      %select_n3A_1367 = arith.select %and3A_1364, %broadcast_in_dim3A_1366, %select_n3A_1338 : vector<16xi1>, vector<16xi32>
      %eq3A_1368 = arith.constant 4 : i32
      %eq3A_1369 = vector.broadcast %eq3A_1368 : i32 to vector<16xi32>
      %eq3A_1370 = arith.cmpi eq, %iota3A, %eq3A_1369 : vector<16xi32>
      %jit3A_1371 = arith.constant 0 : i32
      %broadcast_in_dim3A_1372 = vector.broadcast %jit3A_1371 : i32 to vector<16xi32>
      %select_n3A_1373 = arith.select %eq3A_1370, %shift_right_arithmetic3A_1245, %broadcast_in_dim3A_1372 : vector<16xi1>, vector<16xi32>
      %reduce_sum3A_1374 = arith.constant true
      %reduce_sum3A_1375 = vector.broadcast %reduce_sum3A_1374 : i1 to vector<16xi1>
      %reduce_sum3A_1376 = tpu.scan <sum>, %select_n3A_1373 masked %reduce_sum3A_1375 : vector<16xi32>, vector<16xi1> -> vector<16xi32>
      %reduce_sum3A_1377 = vector.extract %reduce_sum3A_1376[15] : i32 from vector<16xi32>
      %eq3A_1378 = arith.constant 4 : i32
      %eq3A_1379 = vector.broadcast %eq3A_1378 : i32 to vector<16xi32>
      %eq3A_1380 = arith.cmpi eq, %iota3A, %eq3A_1379 : vector<16xi32>
      %jit3A_1381 = arith.constant 0 : i32
      %broadcast_in_dim3A_1382 = vector.broadcast %jit3A_1381 : i32 to vector<16xi32>
      %select_n3A_1383 = arith.select %eq3A_1380, %shift_right_arithmetic3A_1241, %broadcast_in_dim3A_1382 : vector<16xi1>, vector<16xi32>
      %reduce_sum3A_1384 = arith.constant true
      %reduce_sum3A_1385 = vector.broadcast %reduce_sum3A_1384 : i1 to vector<16xi1>
      %reduce_sum3A_1386 = tpu.scan <sum>, %select_n3A_1383 masked %reduce_sum3A_1385 : vector<16xi32>, vector<16xi1> -> vector<16xi32>
      %reduce_sum3A_1387 = vector.extract %reduce_sum3A_1386[15] : i32 from vector<16xi32>
      %ge3A_1388 = vector.broadcast %reduce_sum3A_1377 : i32 to vector<16xi32>
      %ge3A_1389 = arith.cmpi sge, %min3A_1252, %ge3A_1388 : vector<16xi32>
      %add3A_1390 = arith.addi %reduce_sum3A_1377, %reduce_sum3A_1387 : i32
      %lt3A_1391 = vector.broadcast %add3A_1390 : i32 to vector<16xi32>
      %lt3A_1392 = arith.cmpi slt, %min3A_1252, %lt3A_1391 : vector<16xi32>
      %and3A_1393 = arith.andi %ge3A_1389, %lt3A_1392 : vector<16xi1>
      %jit3A_1394 = arith.constant 4 : i32
      %broadcast_in_dim3A_1395 = vector.broadcast %jit3A_1394 : i32 to vector<16xi32>
      %select_n3A_1396 = arith.select %and3A_1393, %broadcast_in_dim3A_1395, %select_n3A_1367 : vector<16xi1>, vector<16xi32>
      %eq3A_1397 = arith.constant 5 : i32
      %eq3A_1398 = vector.broadcast %eq3A_1397 : i32 to vector<16xi32>
      %eq3A_1399 = arith.cmpi eq, %iota3A, %eq3A_1398 : vector<16xi32>
      %jit3A_1400 = arith.constant 0 : i32
      %broadcast_in_dim3A_1401 = vector.broadcast %jit3A_1400 : i32 to vector<16xi32>
      %select_n3A_1402 = arith.select %eq3A_1399, %shift_right_arithmetic3A_1245, %broadcast_in_dim3A_1401 : vector<16xi1>, vector<16xi32>
      %reduce_sum3A_1403 = arith.constant true
      %reduce_sum3A_1404 = vector.broadcast %reduce_sum3A_1403 : i1 to vector<16xi1>
      %reduce_sum3A_1405 = tpu.scan <sum>, %select_n3A_1402 masked %reduce_sum3A_1404 : vector<16xi32>, vector<16xi1> -> vector<16xi32>
      %reduce_sum3A_1406 = vector.extract %reduce_sum3A_1405[15] : i32 from vector<16xi32>
      %eq3A_1407 = arith.constant 5 : i32
      %eq3A_1408 = vector.broadcast %eq3A_1407 : i32 to vector<16xi32>
      %eq3A_1409 = arith.cmpi eq, %iota3A, %eq3A_1408 : vector<16xi32>
      %jit3A_1410 = arith.constant 0 : i32
      %broadcast_in_dim3A_1411 = vector.broadcast %jit3A_1410 : i32 to vector<16xi32>
      %select_n3A_1412 = arith.select %eq3A_1409, %shift_right_arithmetic3A_1241, %broadcast_in_dim3A_1411 : vector<16xi1>, vector<16xi32>
      %reduce_sum3A_1413 = arith.constant true
      %reduce_sum3A_1414 = vector.broadcast %reduce_sum3A_1413 : i1 to vector<16xi1>
      %reduce_sum3A_1415 = tpu.scan <sum>, %select_n3A_1412 masked %reduce_sum3A_1414 : vector<16xi32>, vector<16xi1> -> vector<16xi32>
      %reduce_sum3A_1416 = vector.extract %reduce_sum3A_1415[15] : i32 from vector<16xi32>
      %ge3A_1417 = vector.broadcast %reduce_sum3A_1406 : i32 to vector<16xi32>
      %ge3A_1418 = arith.cmpi sge, %min3A_1252, %ge3A_1417 : vector<16xi32>
      %add3A_1419 = arith.addi %reduce_sum3A_1406, %reduce_sum3A_1416 : i32
      %lt3A_1420 = vector.broadcast %add3A_1419 : i32 to vector<16xi32>
      %lt3A_1421 = arith.cmpi slt, %min3A_1252, %lt3A_1420 : vector<16xi32>
      %and3A_1422 = arith.andi %ge3A_1418, %lt3A_1421 : vector<16xi1>
      %jit3A_1423 = arith.constant 5 : i32
      %broadcast_in_dim3A_1424 = vector.broadcast %jit3A_1423 : i32 to vector<16xi32>
      %select_n3A_1425 = arith.select %and3A_1422, %broadcast_in_dim3A_1424, %select_n3A_1396 : vector<16xi1>, vector<16xi32>
      %eq3A_1426 = arith.constant 6 : i32
      %eq3A_1427 = vector.broadcast %eq3A_1426 : i32 to vector<16xi32>
      %eq3A_1428 = arith.cmpi eq, %iota3A, %eq3A_1427 : vector<16xi32>
      %jit3A_1429 = arith.constant 0 : i32
      %broadcast_in_dim3A_1430 = vector.broadcast %jit3A_1429 : i32 to vector<16xi32>
      %select_n3A_1431 = arith.select %eq3A_1428, %shift_right_arithmetic3A_1245, %broadcast_in_dim3A_1430 : vector<16xi1>, vector<16xi32>
      %reduce_sum3A_1432 = arith.constant true
      %reduce_sum3A_1433 = vector.broadcast %reduce_sum3A_1432 : i1 to vector<16xi1>
      %reduce_sum3A_1434 = tpu.scan <sum>, %select_n3A_1431 masked %reduce_sum3A_1433 : vector<16xi32>, vector<16xi1> -> vector<16xi32>
      %reduce_sum3A_1435 = vector.extract %reduce_sum3A_1434[15] : i32 from vector<16xi32>
      %eq3A_1436 = arith.constant 6 : i32
      %eq3A_1437 = vector.broadcast %eq3A_1436 : i32 to vector<16xi32>
      %eq3A_1438 = arith.cmpi eq, %iota3A, %eq3A_1437 : vector<16xi32>
      %jit3A_1439 = arith.constant 0 : i32
      %broadcast_in_dim3A_1440 = vector.broadcast %jit3A_1439 : i32 to vector<16xi32>
      %select_n3A_1441 = arith.select %eq3A_1438, %shift_right_arithmetic3A_1241, %broadcast_in_dim3A_1440 : vector<16xi1>, vector<16xi32>
      %reduce_sum3A_1442 = arith.constant true
      %reduce_sum3A_1443 = vector.broadcast %reduce_sum3A_1442 : i1 to vector<16xi1>
      %reduce_sum3A_1444 = tpu.scan <sum>, %select_n3A_1441 masked %reduce_sum3A_1443 : vector<16xi32>, vector<16xi1> -> vector<16xi32>
      %reduce_sum3A_1445 = vector.extract %reduce_sum3A_1444[15] : i32 from vector<16xi32>
      %ge3A_1446 = vector.broadcast %reduce_sum3A_1435 : i32 to vector<16xi32>
      %ge3A_1447 = arith.cmpi sge, %min3A_1252, %ge3A_1446 : vector<16xi32>
      %add3A_1448 = arith.addi %reduce_sum3A_1435, %reduce_sum3A_1445 : i32
      %lt3A_1449 = vector.broadcast %add3A_1448 : i32 to vector<16xi32>
      %lt3A_1450 = arith.cmpi slt, %min3A_1252, %lt3A_1449 : vector<16xi32>
      %and3A_1451 = arith.andi %ge3A_1447, %lt3A_1450 : vector<16xi1>
      %jit3A_1452 = arith.constant 6 : i32
      %broadcast_in_dim3A_1453 = vector.broadcast %jit3A_1452 : i32 to vector<16xi32>
      %select_n3A_1454 = arith.select %and3A_1451, %broadcast_in_dim3A_1453, %select_n3A_1425 : vector<16xi1>, vector<16xi32>
      %eq3A_1455 = arith.constant 7 : i32
      %eq3A_1456 = vector.broadcast %eq3A_1455 : i32 to vector<16xi32>
      %eq3A_1457 = arith.cmpi eq, %iota3A, %eq3A_1456 : vector<16xi32>
      %jit3A_1458 = arith.constant 0 : i32
      %broadcast_in_dim3A_1459 = vector.broadcast %jit3A_1458 : i32 to vector<16xi32>
      %select_n3A_1460 = arith.select %eq3A_1457, %shift_right_arithmetic3A_1245, %broadcast_in_dim3A_1459 : vector<16xi1>, vector<16xi32>
      %reduce_sum3A_1461 = arith.constant true
      %reduce_sum3A_1462 = vector.broadcast %reduce_sum3A_1461 : i1 to vector<16xi1>
      %reduce_sum3A_1463 = tpu.scan <sum>, %select_n3A_1460 masked %reduce_sum3A_1462 : vector<16xi32>, vector<16xi1> -> vector<16xi32>
      %reduce_sum3A_1464 = vector.extract %reduce_sum3A_1463[15] : i32 from vector<16xi32>
      %eq3A_1465 = arith.constant 7 : i32
      %eq3A_1466 = vector.broadcast %eq3A_1465 : i32 to vector<16xi32>
      %eq3A_1467 = arith.cmpi eq, %iota3A, %eq3A_1466 : vector<16xi32>
      %jit3A_1468 = arith.constant 0 : i32
      %broadcast_in_dim3A_1469 = vector.broadcast %jit3A_1468 : i32 to vector<16xi32>
      %select_n3A_1470 = arith.select %eq3A_1467, %shift_right_arithmetic3A_1241, %broadcast_in_dim3A_1469 : vector<16xi1>, vector<16xi32>
      %reduce_sum3A_1471 = arith.constant true
      %reduce_sum3A_1472 = vector.broadcast %reduce_sum3A_1471 : i1 to vector<16xi1>
      %reduce_sum3A_1473 = tpu.scan <sum>, %select_n3A_1470 masked %reduce_sum3A_1472 : vector<16xi32>, vector<16xi1> -> vector<16xi32>
      %reduce_sum3A_1474 = vector.extract %reduce_sum3A_1473[15] : i32 from vector<16xi32>
      %ge3A_1475 = vector.broadcast %reduce_sum3A_1464 : i32 to vector<16xi32>
      %ge3A_1476 = arith.cmpi sge, %min3A_1252, %ge3A_1475 : vector<16xi32>
      %add3A_1477 = arith.addi %reduce_sum3A_1464, %reduce_sum3A_1474 : i32
      %lt3A_1478 = vector.broadcast %add3A_1477 : i32 to vector<16xi32>
      %lt3A_1479 = arith.cmpi slt, %min3A_1252, %lt3A_1478 : vector<16xi32>
      %and3A_1480 = arith.andi %ge3A_1476, %lt3A_1479 : vector<16xi1>
      %jit3A_1481 = arith.constant 7 : i32
      %broadcast_in_dim3A_1482 = vector.broadcast %jit3A_1481 : i32 to vector<16xi32>
      %select_n3A_1483 = arith.select %and3A_1480, %broadcast_in_dim3A_1482, %select_n3A_1454 : vector<16xi1>, vector<16xi32>
      %swap3A_1484 = arith.constant 0 : index
      %swap3A_1485 = tpu.vector_load %arg14[%swap3A_1484] {strides = array<i32>} : memref<16xi32, #tpu.memory_space<vmem>>, vector<16xi32>,
      tpu.vector_store %arg14[%swap3A_1484], %select_n3A_1483 {strides = array<i32>} : memref<16xi32, #tpu.memory_space<vmem>>, vector<16xi32>,
      "tpu.region"() ({
        %run_scoped3A = tpu.sem_alloc : memref<!tpu.dma_semaphore, #tpu.memory_space<semaphore_mem>>
        tpu.enqueue_dma source(%arg14 : memref<16xi32, #tpu.memory_space<vmem>>) target(%arg7 : memref<16xi32, #tpu.memory_space<hbm>>) target_semaphore(%run_scoped3A : memref<!tpu.dma_semaphore, #tpu.memory_space<semaphore_mem>>)
        tpu.wait_dma2 semaphore(%run_scoped3A : memref<!tpu.dma_semaphore, #tpu.memory_space<semaphore_mem>>) src(%arg14 : memref<16xi32, #tpu.memory_space<vmem>>) dst(%arg7 : memref<16xi32, #tpu.memory_space<hbm>>)
        tpu.yield
      }) : () -> ()
      %swap3A_1486 = arith.constant 0 : index
      %swap3A_1487 = tpu.vector_load %arg14[%swap3A_1486] {strides = array<i32>} : memref<16xi32, #tpu.memory_space<vmem>>, vector<16xi32>,
      tpu.vector_store %arg14[%swap3A_1486], %min3A_1252 {strides = array<i32>} : memref<16xi32, #tpu.memory_space<vmem>>, vector<16xi32>,
      "tpu.region"() ({
        %run_scoped3A = tpu.sem_alloc : memref<!tpu.dma_semaphore, #tpu.memory_space<semaphore_mem>>
        tpu.enqueue_dma source(%arg14 : memref<16xi32, #tpu.memory_space<vmem>>) target(%arg8 : memref<16xi32, #tpu.memory_space<hbm>>) target_semaphore(%run_scoped3A : memref<!tpu.dma_semaphore, #tpu.memory_space<semaphore_mem>>)
        tpu.wait_dma2 semaphore(%run_scoped3A : memref<!tpu.dma_semaphore, #tpu.memory_space<semaphore_mem>>) src(%arg14 : memref<16xi32, #tpu.memory_space<vmem>>) dst(%arg8 : memref<16xi32, #tpu.memory_space<hbm>>)
        tpu.yield
      }) : () -> ()
      %lt3A_1488 = vector.broadcast %reduce_sum3A_1249 : i32 to vector<16xi32>
      %lt3A_1489 = arith.cmpi slt, %iota3A, %lt3A_1488 : vector<16xi32>
      %jit3A_1490 = arith.constant 1 : i32
      %jit3A_1491 = arith.constant 0 : i32
      %broadcast_in_dim3A_1492 = vector.broadcast %jit3A_1490 : i32 to vector<16xi32>
      %broadcast_in_dim3A_1493 = vector.broadcast %jit3A_1491 : i32 to vector<16xi32>
      %select_n3A_1494 = arith.select %lt3A_1489, %broadcast_in_dim3A_1492, %broadcast_in_dim3A_1493 : vector<16xi1>, vector<16xi32>
      %swap3A_1495 = arith.constant 0 : index
      %swap3A_1496 = tpu.vector_load %arg14[%swap3A_1495] {strides = array<i32>} : memref<16xi32, #tpu.memory_space<vmem>>, vector<16xi32>,
      tpu.vector_store %arg14[%swap3A_1495], %select_n3A_1494 {strides = array<i32>} : memref<16xi32, #tpu.memory_space<vmem>>, vector<16xi32>,
      "tpu.region"() ({
        %run_scoped3A = tpu.sem_alloc : memref<!tpu.dma_semaphore, #tpu.memory_space<semaphore_mem>>
        tpu.enqueue_dma source(%arg14 : memref<16xi32, #tpu.memory_space<vmem>>) target(%arg9 : memref<16xi32, #tpu.memory_space<hbm>>) target_semaphore(%run_scoped3A : memref<!tpu.dma_semaphore, #tpu.memory_space<semaphore_mem>>)
        tpu.wait_dma2 semaphore(%run_scoped3A : memref<!tpu.dma_semaphore, #tpu.memory_space<semaphore_mem>>) src(%arg14 : memref<16xi32, #tpu.memory_space<vmem>>) dst(%arg9 : memref<16xi32, #tpu.memory_space<hbm>>)
        tpu.yield
      }) : () -> ()
    } else {
    }
    %eq3A_430 = arith.constant 0 : i32
    %eq3A_431 = vector.broadcast %eq3A_430 : i32 to vector<16xi32>
    %eq3A_432 = arith.cmpi eq, %iota3A, %eq3A_431 : vector<16xi32>
    %jit3A_433 = arith.constant 0 : i32
    %broadcast_in_dim3A_434 = vector.broadcast %jit3A_433 : i32 to vector<16xi32>
    %select_n3A_435 = arith.select %eq3A_432, %add3A_427, %broadcast_in_dim3A_434 : vector<16xi1>, vector<16xi32>
    %reduce_sum3A = arith.constant true
    %reduce_sum3A_436 = vector.broadcast %reduce_sum3A : i1 to vector<16xi1>
    %reduce_sum3A_437 = tpu.scan <sum>, %select_n3A_435 masked %reduce_sum3A_436 : vector<16xi32>, vector<16xi1> -> vector<16xi32>
    %reduce_sum3A_438 = vector.extract %reduce_sum3A_437[15] : i32 from vector<16xi32>
    %eq3A_439 = arith.constant 1 : i32
    %eq3A_440 = vector.broadcast %eq3A_439 : i32 to vector<16xi32>
    %eq3A_441 = arith.cmpi eq, %iota3A, %eq3A_440 : vector<16xi32>
    %jit3A_442 = arith.constant 0 : i32
    %broadcast_in_dim3A_443 = vector.broadcast %jit3A_442 : i32 to vector<16xi32>
    %select_n3A_444 = arith.select %eq3A_441, %add3A_427, %broadcast_in_dim3A_443 : vector<16xi1>, vector<16xi32>
    %reduce_sum3A_445 = arith.constant true
    %reduce_sum3A_446 = vector.broadcast %reduce_sum3A_445 : i1 to vector<16xi1>
    %reduce_sum3A_447 = tpu.scan <sum>, %select_n3A_444 masked %reduce_sum3A_446 : vector<16xi32>, vector<16xi1> -> vector<16xi32>
    %reduce_sum3A_448 = vector.extract %reduce_sum3A_447[15] : i32 from vector<16xi32>
    %eq3A_449 = arith.constant 2 : i32
    %eq3A_450 = vector.broadcast %eq3A_449 : i32 to vector<16xi32>
    %eq3A_451 = arith.cmpi eq, %iota3A, %eq3A_450 : vector<16xi32>
    %jit3A_452 = arith.constant 0 : i32
    %broadcast_in_dim3A_453 = vector.broadcast %jit3A_452 : i32 to vector<16xi32>
    %select_n3A_454 = arith.select %eq3A_451, %add3A_427, %broadcast_in_dim3A_453 : vector<16xi1>, vector<16xi32>
    %reduce_sum3A_455 = arith.constant true
    %reduce_sum3A_456 = vector.broadcast %reduce_sum3A_455 : i1 to vector<16xi1>
    %reduce_sum3A_457 = tpu.scan <sum>, %select_n3A_454 masked %reduce_sum3A_456 : vector<16xi32>, vector<16xi1> -> vector<16xi32>
    %reduce_sum3A_458 = vector.extract %reduce_sum3A_457[15] : i32 from vector<16xi32>
    %eq3A_459 = arith.constant 3 : i32
    %eq3A_460 = vector.broadcast %eq3A_459 : i32 to vector<16xi32>
    %eq3A_461 = arith.cmpi eq, %iota3A, %eq3A_460 : vector<16xi32>
    %jit3A_462 = arith.constant 0 : i32
    %broadcast_in_dim3A_463 = vector.broadcast %jit3A_462 : i32 to vector<16xi32>
    %select_n3A_464 = arith.select %eq3A_461, %add3A_427, %broadcast_in_dim3A_463 : vector<16xi1>, vector<16xi32>
    %reduce_sum3A_465 = arith.constant true
    %reduce_sum3A_466 = vector.broadcast %reduce_sum3A_465 : i1 to vector<16xi1>
    %reduce_sum3A_467 = tpu.scan <sum>, %select_n3A_464 masked %reduce_sum3A_466 : vector<16xi32>, vector<16xi1> -> vector<16xi32>
    %reduce_sum3A_468 = vector.extract %reduce_sum3A_467[15] : i32 from vector<16xi32>
    %eq3A_469 = arith.constant 4 : i32
    %eq3A_470 = vector.broadcast %eq3A_469 : i32 to vector<16xi32>
    %eq3A_471 = arith.cmpi eq, %iota3A, %eq3A_470 : vector<16xi32>
    %jit3A_472 = arith.constant 0 : i32
    %broadcast_in_dim3A_473 = vector.broadcast %jit3A_472 : i32 to vector<16xi32>
    %select_n3A_474 = arith.select %eq3A_471, %add3A_427, %broadcast_in_dim3A_473 : vector<16xi1>, vector<16xi32>
    %reduce_sum3A_475 = arith.constant true
    %reduce_sum3A_476 = vector.broadcast %reduce_sum3A_475 : i1 to vector<16xi1>
    %reduce_sum3A_477 = tpu.scan <sum>, %select_n3A_474 masked %reduce_sum3A_476 : vector<16xi32>, vector<16xi1> -> vector<16xi32>
    %reduce_sum3A_478 = vector.extract %reduce_sum3A_477[15] : i32 from vector<16xi32>
    %eq3A_479 = arith.constant 5 : i32
    %eq3A_480 = vector.broadcast %eq3A_479 : i32 to vector<16xi32>
    %eq3A_481 = arith.cmpi eq, %iota3A, %eq3A_480 : vector<16xi32>
    %jit3A_482 = arith.constant 0 : i32
    %broadcast_in_dim3A_483 = vector.broadcast %jit3A_482 : i32 to vector<16xi32>
    %select_n3A_484 = arith.select %eq3A_481, %add3A_427, %broadcast_in_dim3A_483 : vector<16xi1>, vector<16xi32>
    %reduce_sum3A_485 = arith.constant true
    %reduce_sum3A_486 = vector.broadcast %reduce_sum3A_485 : i1 to vector<16xi1>
    %reduce_sum3A_487 = tpu.scan <sum>, %select_n3A_484 masked %reduce_sum3A_486 : vector<16xi32>, vector<16xi1> -> vector<16xi32>
    %reduce_sum3A_488 = vector.extract %reduce_sum3A_487[15] : i32 from vector<16xi32>
    %eq3A_489 = arith.constant 6 : i32
    %eq3A_490 = vector.broadcast %eq3A_489 : i32 to vector<16xi32>
    %eq3A_491 = arith.cmpi eq, %iota3A, %eq3A_490 : vector<16xi32>
    %jit3A_492 = arith.constant 0 : i32
    %broadcast_in_dim3A_493 = vector.broadcast %jit3A_492 : i32 to vector<16xi32>
    %select_n3A_494 = arith.select %eq3A_491, %add3A_427, %broadcast_in_dim3A_493 : vector<16xi1>, vector<16xi32>
    %reduce_sum3A_495 = arith.constant true
    %reduce_sum3A_496 = vector.broadcast %reduce_sum3A_495 : i1 to vector<16xi1>
    %reduce_sum3A_497 = tpu.scan <sum>, %select_n3A_494 masked %reduce_sum3A_496 : vector<16xi32>, vector<16xi1> -> vector<16xi32>
    %reduce_sum3A_498 = vector.extract %reduce_sum3A_497[15] : i32 from vector<16xi32>
    %eq3A_499 = arith.constant 7 : i32
    %eq3A_500 = vector.broadcast %eq3A_499 : i32 to vector<16xi32>
    %eq3A_501 = arith.cmpi eq, %iota3A, %eq3A_500 : vector<16xi32>
    %jit3A_502 = arith.constant 0 : i32
    %broadcast_in_dim3A_503 = vector.broadcast %jit3A_502 : i32 to vector<16xi32>
    %select_n3A_504 = arith.select %eq3A_501, %add3A_427, %broadcast_in_dim3A_503 : vector<16xi1>, vector<16xi32>
    %reduce_sum3A_505 = arith.constant true
    %reduce_sum3A_506 = vector.broadcast %reduce_sum3A_505 : i1 to vector<16xi1>
    %reduce_sum3A_507 = tpu.scan <sum>, %select_n3A_504 masked %reduce_sum3A_506 : vector<16xi32>, vector<16xi1> -> vector<16xi32>
    %reduce_sum3A_508 = vector.extract %reduce_sum3A_507[15] : i32 from vector<16xi32>
    %get3A_509 = arith.constant 0 : index
    %get3A_510 = tpu.vector_load %arg10[%get3A_509] {strides = array<i32>} : memref<64xi32, #tpu.memory_space<vmem>>, vector<16xi32>,
    %broadcast_in_dim3A_511 = arith.constant 0 : i32
    %broadcast_in_dim3A_512 = vector.broadcast %broadcast_in_dim3A_511 : i32 to vector<16xi32>
    %eq3A_513 = arith.constant 0 : i32
    %eq3A_514 = vector.broadcast %eq3A_513 : i32 to vector<16xi32>
    %eq3A_515 = arith.cmpi eq, %get3A_510, %eq3A_514 : vector<16xi32>
    %jit3A_516 = arith.constant 1 : i32
    %jit3A_517 = arith.constant 0 : i32
    %broadcast_in_dim3A_518 = vector.broadcast %jit3A_516 : i32 to vector<16xi32>
    %broadcast_in_dim3A_519 = vector.broadcast %jit3A_517 : i32 to vector<16xi32>
    %select_n3A_520 = arith.select %eq3A_515, %broadcast_in_dim3A_518, %broadcast_in_dim3A_519 : vector<16xi1>, vector<16xi32>
    %cumsum3A = arith.constant true
    %cumsum3A_521 = vector.broadcast %cumsum3A : i1 to vector<16xi1>
    %cumsum3A_522 = tpu.scan <sum>, %select_n3A_520 masked %cumsum3A_521 : vector<16xi32>, vector<16xi1> -> vector<16xi32>
    %add3A_523 = vector.broadcast %reduce_sum3A_438 : i32 to vector<16xi32>
    %add3A_524 = arith.addi %add3A_523, %cumsum3A_522 : vector<16xi32>
    %sub3A_525 = arith.constant 1 : i32
    %sub3A_526 = vector.broadcast %sub3A_525 : i32 to vector<16xi32>
    %sub3A_527 = arith.subi %add3A_524, %sub3A_526 : vector<16xi32>
    %select_n3A_528 = arith.select %eq3A_515, %sub3A_527, %broadcast_in_dim3A_512 : vector<16xi1>, vector<16xi32>
    %reduce_sum3A_529 = arith.constant true
    %reduce_sum3A_530 = vector.broadcast %reduce_sum3A_529 : i1 to vector<16xi1>
    %reduce_sum3A_531 = tpu.scan <sum>, %select_n3A_520 masked %reduce_sum3A_530 : vector<16xi32>, vector<16xi1> -> vector<16xi32>
    %reduce_sum3A_532 = vector.extract %reduce_sum3A_531[15] : i32 from vector<16xi32>
    %add3A_533 = arith.addi %reduce_sum3A_438, %reduce_sum3A_532 : i32
    %eq3A_534 = arith.constant 1 : i32
    %eq3A_535 = vector.broadcast %eq3A_534 : i32 to vector<16xi32>
    %eq3A_536 = arith.cmpi eq, %get3A_510, %eq3A_535 : vector<16xi32>
    %jit3A_537 = arith.constant 1 : i32
    %jit3A_538 = arith.constant 0 : i32
    %broadcast_in_dim3A_539 = vector.broadcast %jit3A_537 : i32 to vector<16xi32>
    %broadcast_in_dim3A_540 = vector.broadcast %jit3A_538 : i32 to vector<16xi32>
    %select_n3A_541 = arith.select %eq3A_536, %broadcast_in_dim3A_539, %broadcast_in_dim3A_540 : vector<16xi1>, vector<16xi32>
    %cumsum3A_542 = arith.constant true
    %cumsum3A_543 = vector.broadcast %cumsum3A_542 : i1 to vector<16xi1>
    %cumsum3A_544 = tpu.scan <sum>, %select_n3A_541 masked %cumsum3A_543 : vector<16xi32>, vector<16xi1> -> vector<16xi32>
    %add3A_545 = vector.broadcast %reduce_sum3A_448 : i32 to vector<16xi32>
    %add3A_546 = arith.addi %add3A_545, %cumsum3A_544 : vector<16xi32>
    %sub3A_547 = arith.constant 1 : i32
    %sub3A_548 = vector.broadcast %sub3A_547 : i32 to vector<16xi32>
    %sub3A_549 = arith.subi %add3A_546, %sub3A_548 : vector<16xi32>
    %select_n3A_550 = arith.select %eq3A_536, %sub3A_549, %select_n3A_528 : vector<16xi1>, vector<16xi32>
    %reduce_sum3A_551 = arith.constant true
    %reduce_sum3A_552 = vector.broadcast %reduce_sum3A_551 : i1 to vector<16xi1>
    %reduce_sum3A_553 = tpu.scan <sum>, %select_n3A_541 masked %reduce_sum3A_552 : vector<16xi32>, vector<16xi1> -> vector<16xi32>
    %reduce_sum3A_554 = vector.extract %reduce_sum3A_553[15] : i32 from vector<16xi32>
    %add3A_555 = arith.addi %reduce_sum3A_448, %reduce_sum3A_554 : i32
    %eq3A_556 = arith.constant 2 : i32
    %eq3A_557 = vector.broadcast %eq3A_556 : i32 to vector<16xi32>
    %eq3A_558 = arith.cmpi eq, %get3A_510, %eq3A_557 : vector<16xi32>
    %jit3A_559 = arith.constant 1 : i32
    %jit3A_560 = arith.constant 0 : i32
    %broadcast_in_dim3A_561 = vector.broadcast %jit3A_559 : i32 to vector<16xi32>
    %broadcast_in_dim3A_562 = vector.broadcast %jit3A_560 : i32 to vector<16xi32>
    %select_n3A_563 = arith.select %eq3A_558, %broadcast_in_dim3A_561, %broadcast_in_dim3A_562 : vector<16xi1>, vector<16xi32>
    %cumsum3A_564 = arith.constant true
    %cumsum3A_565 = vector.broadcast %cumsum3A_564 : i1 to vector<16xi1>
    %cumsum3A_566 = tpu.scan <sum>, %select_n3A_563 masked %cumsum3A_565 : vector<16xi32>, vector<16xi1> -> vector<16xi32>
    %add3A_567 = vector.broadcast %reduce_sum3A_458 : i32 to vector<16xi32>
    %add3A_568 = arith.addi %add3A_567, %cumsum3A_566 : vector<16xi32>
    %sub3A_569 = arith.constant 1 : i32
    %sub3A_570 = vector.broadcast %sub3A_569 : i32 to vector<16xi32>
    %sub3A_571 = arith.subi %add3A_568, %sub3A_570 : vector<16xi32>
    %select_n3A_572 = arith.select %eq3A_558, %sub3A_571, %select_n3A_550 : vector<16xi1>, vector<16xi32>
    %reduce_sum3A_573 = arith.constant true
    %reduce_sum3A_574 = vector.broadcast %reduce_sum3A_573 : i1 to vector<16xi1>
    %reduce_sum3A_575 = tpu.scan <sum>, %select_n3A_563 masked %reduce_sum3A_574 : vector<16xi32>, vector<16xi1> -> vector<16xi32>
    %reduce_sum3A_576 = vector.extract %reduce_sum3A_575[15] : i32 from vector<16xi32>
    %add3A_577 = arith.addi %reduce_sum3A_458, %reduce_sum3A_576 : i32
    %eq3A_578 = arith.constant 3 : i32
    %eq3A_579 = vector.broadcast %eq3A_578 : i32 to vector<16xi32>
    %eq3A_580 = arith.cmpi eq, %get3A_510, %eq3A_579 : vector<16xi32>
    %jit3A_581 = arith.constant 1 : i32
    %jit3A_582 = arith.constant 0 : i32
    %broadcast_in_dim3A_583 = vector.broadcast %jit3A_581 : i32 to vector<16xi32>
    %broadcast_in_dim3A_584 = vector.broadcast %jit3A_582 : i32 to vector<16xi32>
    %select_n3A_585 = arith.select %eq3A_580, %broadcast_in_dim3A_583, %broadcast_in_dim3A_584 : vector<16xi1>, vector<16xi32>
    %cumsum3A_586 = arith.constant true
    %cumsum3A_587 = vector.broadcast %cumsum3A_586 : i1 to vector<16xi1>
    %cumsum3A_588 = tpu.scan <sum>, %select_n3A_585 masked %cumsum3A_587 : vector<16xi32>, vector<16xi1> -> vector<16xi32>
    %add3A_589 = vector.broadcast %reduce_sum3A_468 : i32 to vector<16xi32>
    %add3A_590 = arith.addi %add3A_589, %cumsum3A_588 : vector<16xi32>
    %sub3A_591 = arith.constant 1 : i32
    %sub3A_592 = vector.broadcast %sub3A_591 : i32 to vector<16xi32>
    %sub3A_593 = arith.subi %add3A_590, %sub3A_592 : vector<16xi32>
    %select_n3A_594 = arith.select %eq3A_580, %sub3A_593, %select_n3A_572 : vector<16xi1>, vector<16xi32>
    %reduce_sum3A_595 = arith.constant true
    %reduce_sum3A_596 = vector.broadcast %reduce_sum3A_595 : i1 to vector<16xi1>
    %reduce_sum3A_597 = tpu.scan <sum>, %select_n3A_585 masked %reduce_sum3A_596 : vector<16xi32>, vector<16xi1> -> vector<16xi32>
    %reduce_sum3A_598 = vector.extract %reduce_sum3A_597[15] : i32 from vector<16xi32>
    %add3A_599 = arith.addi %reduce_sum3A_468, %reduce_sum3A_598 : i32
    %eq3A_600 = arith.constant 4 : i32
    %eq3A_601 = vector.broadcast %eq3A_600 : i32 to vector<16xi32>
    %eq3A_602 = arith.cmpi eq, %get3A_510, %eq3A_601 : vector<16xi32>
    %jit3A_603 = arith.constant 1 : i32
    %jit3A_604 = arith.constant 0 : i32
    %broadcast_in_dim3A_605 = vector.broadcast %jit3A_603 : i32 to vector<16xi32>
    %broadcast_in_dim3A_606 = vector.broadcast %jit3A_604 : i32 to vector<16xi32>
    %select_n3A_607 = arith.select %eq3A_602, %broadcast_in_dim3A_605, %broadcast_in_dim3A_606 : vector<16xi1>, vector<16xi32>
    %cumsum3A_608 = arith.constant true
    %cumsum3A_609 = vector.broadcast %cumsum3A_608 : i1 to vector<16xi1>
    %cumsum3A_610 = tpu.scan <sum>, %select_n3A_607 masked %cumsum3A_609 : vector<16xi32>, vector<16xi1> -> vector<16xi32>
    %add3A_611 = vector.broadcast %reduce_sum3A_478 : i32 to vector<16xi32>
    %add3A_612 = arith.addi %add3A_611, %cumsum3A_610 : vector<16xi32>
    %sub3A_613 = arith.constant 1 : i32
    %sub3A_614 = vector.broadcast %sub3A_613 : i32 to vector<16xi32>
    %sub3A_615 = arith.subi %add3A_612, %sub3A_614 : vector<16xi32>
    %select_n3A_616 = arith.select %eq3A_602, %sub3A_615, %select_n3A_594 : vector<16xi1>, vector<16xi32>
    %reduce_sum3A_617 = arith.constant true
    %reduce_sum3A_618 = vector.broadcast %reduce_sum3A_617 : i1 to vector<16xi1>
    %reduce_sum3A_619 = tpu.scan <sum>, %select_n3A_607 masked %reduce_sum3A_618 : vector<16xi32>, vector<16xi1> -> vector<16xi32>
    %reduce_sum3A_620 = vector.extract %reduce_sum3A_619[15] : i32 from vector<16xi32>
    %add3A_621 = arith.addi %reduce_sum3A_478, %reduce_sum3A_620 : i32
    %eq3A_622 = arith.constant 5 : i32
    %eq3A_623 = vector.broadcast %eq3A_622 : i32 to vector<16xi32>
    %eq3A_624 = arith.cmpi eq, %get3A_510, %eq3A_623 : vector<16xi32>
    %jit3A_625 = arith.constant 1 : i32
    %jit3A_626 = arith.constant 0 : i32
    %broadcast_in_dim3A_627 = vector.broadcast %jit3A_625 : i32 to vector<16xi32>
    %broadcast_in_dim3A_628 = vector.broadcast %jit3A_626 : i32 to vector<16xi32>
    %select_n3A_629 = arith.select %eq3A_624, %broadcast_in_dim3A_627, %broadcast_in_dim3A_628 : vector<16xi1>, vector<16xi32>
    %cumsum3A_630 = arith.constant true
    %cumsum3A_631 = vector.broadcast %cumsum3A_630 : i1 to vector<16xi1>
    %cumsum3A_632 = tpu.scan <sum>, %select_n3A_629 masked %cumsum3A_631 : vector<16xi32>, vector<16xi1> -> vector<16xi32>
    %add3A_633 = vector.broadcast %reduce_sum3A_488 : i32 to vector<16xi32>
    %add3A_634 = arith.addi %add3A_633, %cumsum3A_632 : vector<16xi32>
    %sub3A_635 = arith.constant 1 : i32
    %sub3A_636 = vector.broadcast %sub3A_635 : i32 to vector<16xi32>
    %sub3A_637 = arith.subi %add3A_634, %sub3A_636 : vector<16xi32>
    %select_n3A_638 = arith.select %eq3A_624, %sub3A_637, %select_n3A_616 : vector<16xi1>, vector<16xi32>
    %reduce_sum3A_639 = arith.constant true
    %reduce_sum3A_640 = vector.broadcast %reduce_sum3A_639 : i1 to vector<16xi1>
    %reduce_sum3A_641 = tpu.scan <sum>, %select_n3A_629 masked %reduce_sum3A_640 : vector<16xi32>, vector<16xi1> -> vector<16xi32>
    %reduce_sum3A_642 = vector.extract %reduce_sum3A_641[15] : i32 from vector<16xi32>
    %add3A_643 = arith.addi %reduce_sum3A_488, %reduce_sum3A_642 : i32
    %eq3A_644 = arith.constant 6 : i32
    %eq3A_645 = vector.broadcast %eq3A_644 : i32 to vector<16xi32>
    %eq3A_646 = arith.cmpi eq, %get3A_510, %eq3A_645 : vector<16xi32>
    %jit3A_647 = arith.constant 1 : i32
    %jit3A_648 = arith.constant 0 : i32
    %broadcast_in_dim3A_649 = vector.broadcast %jit3A_647 : i32 to vector<16xi32>
    %broadcast_in_dim3A_650 = vector.broadcast %jit3A_648 : i32 to vector<16xi32>
    %select_n3A_651 = arith.select %eq3A_646, %broadcast_in_dim3A_649, %broadcast_in_dim3A_650 : vector<16xi1>, vector<16xi32>
    %cumsum3A_652 = arith.constant true
    %cumsum3A_653 = vector.broadcast %cumsum3A_652 : i1 to vector<16xi1>
    %cumsum3A_654 = tpu.scan <sum>, %select_n3A_651 masked %cumsum3A_653 : vector<16xi32>, vector<16xi1> -> vector<16xi32>
    %add3A_655 = vector.broadcast %reduce_sum3A_498 : i32 to vector<16xi32>
    %add3A_656 = arith.addi %add3A_655, %cumsum3A_654 : vector<16xi32>
    %sub3A_657 = arith.constant 1 : i32
    %sub3A_658 = vector.broadcast %sub3A_657 : i32 to vector<16xi32>
    %sub3A_659 = arith.subi %add3A_656, %sub3A_658 : vector<16xi32>
    %select_n3A_660 = arith.select %eq3A_646, %sub3A_659, %select_n3A_638 : vector<16xi1>, vector<16xi32>
    %reduce_sum3A_661 = arith.constant true
    %reduce_sum3A_662 = vector.broadcast %reduce_sum3A_661 : i1 to vector<16xi1>
    %reduce_sum3A_663 = tpu.scan <sum>, %select_n3A_651 masked %reduce_sum3A_662 : vector<16xi32>, vector<16xi1> -> vector<16xi32>
    %reduce_sum3A_664 = vector.extract %reduce_sum3A_663[15] : i32 from vector<16xi32>
    %add3A_665 = arith.addi %reduce_sum3A_498, %reduce_sum3A_664 : i32
    %eq3A_666 = arith.constant 7 : i32
    %eq3A_667 = vector.broadcast %eq3A_666 : i32 to vector<16xi32>
    %eq3A_668 = arith.cmpi eq, %get3A_510, %eq3A_667 : vector<16xi32>
    %jit3A_669 = arith.constant 1 : i32
    %jit3A_670 = arith.constant 0 : i32
    %broadcast_in_dim3A_671 = vector.broadcast %jit3A_669 : i32 to vector<16xi32>
    %broadcast_in_dim3A_672 = vector.broadcast %jit3A_670 : i32 to vector<16xi32>
    %select_n3A_673 = arith.select %eq3A_668, %broadcast_in_dim3A_671, %broadcast_in_dim3A_672 : vector<16xi1>, vector<16xi32>
    %cumsum3A_674 = arith.constant true
    %cumsum3A_675 = vector.broadcast %cumsum3A_674 : i1 to vector<16xi1>
    %cumsum3A_676 = tpu.scan <sum>, %select_n3A_673 masked %cumsum3A_675 : vector<16xi32>, vector<16xi1> -> vector<16xi32>
    %add3A_677 = vector.broadcast %reduce_sum3A_508 : i32 to vector<16xi32>
    %add3A_678 = arith.addi %add3A_677, %cumsum3A_676 : vector<16xi32>
    %sub3A_679 = arith.constant 1 : i32
    %sub3A_680 = vector.broadcast %sub3A_679 : i32 to vector<16xi32>
    %sub3A_681 = arith.subi %add3A_678, %sub3A_680 : vector<16xi32>
    %select_n3A_682 = arith.select %eq3A_668, %sub3A_681, %select_n3A_660 : vector<16xi1>, vector<16xi32>
    %reduce_sum3A_683 = arith.constant true
    %reduce_sum3A_684 = vector.broadcast %reduce_sum3A_683 : i1 to vector<16xi1>
    %reduce_sum3A_685 = tpu.scan <sum>, %select_n3A_673 masked %reduce_sum3A_684 : vector<16xi32>, vector<16xi1> -> vector<16xi32>
    %reduce_sum3A_686 = vector.extract %reduce_sum3A_685[15] : i32 from vector<16xi32>
    %add3A_687 = arith.addi %reduce_sum3A_508, %reduce_sum3A_686 : i32
    %swap3A = arith.constant 0 : index
    %swap3A_688 = tpu.vector_load %arg12[%swap3A] {strides = array<i32>} : memref<64xi32, #tpu.memory_space<vmem>>, vector<16xi32>,
    tpu.vector_store %arg12[%swap3A], %select_n3A_682 {strides = array<i32>} : memref<64xi32, #tpu.memory_space<vmem>>, vector<16xi32>,
    %get3A_689 = arith.constant 16 : index
    %get3A_690 = tpu.vector_load %arg10[%get3A_689] {strides = array<i32>} : memref<64xi32, #tpu.memory_space<vmem>>, vector<16xi32>,
    %broadcast_in_dim3A_691 = arith.constant 0 : i32
    %broadcast_in_dim3A_692 = vector.broadcast %broadcast_in_dim3A_691 : i32 to vector<16xi32>
    %eq3A_693 = arith.constant 0 : i32
    %eq3A_694 = vector.broadcast %eq3A_693 : i32 to vector<16xi32>
    %eq3A_695 = arith.cmpi eq, %get3A_690, %eq3A_694 : vector<16xi32>
    %jit3A_696 = arith.constant 1 : i32
    %jit3A_697 = arith.constant 0 : i32
    %broadcast_in_dim3A_698 = vector.broadcast %jit3A_696 : i32 to vector<16xi32>
    %broadcast_in_dim3A_699 = vector.broadcast %jit3A_697 : i32 to vector<16xi32>
    %select_n3A_700 = arith.select %eq3A_695, %broadcast_in_dim3A_698, %broadcast_in_dim3A_699 : vector<16xi1>, vector<16xi32>
    %cumsum3A_701 = arith.constant true
    %cumsum3A_702 = vector.broadcast %cumsum3A_701 : i1 to vector<16xi1>
    %cumsum3A_703 = tpu.scan <sum>, %select_n3A_700 masked %cumsum3A_702 : vector<16xi32>, vector<16xi1> -> vector<16xi32>
    %add3A_704 = vector.broadcast %add3A_533 : i32 to vector<16xi32>
    %add3A_705 = arith.addi %add3A_704, %cumsum3A_703 : vector<16xi32>
    %sub3A_706 = arith.constant 1 : i32
    %sub3A_707 = vector.broadcast %sub3A_706 : i32 to vector<16xi32>
    %sub3A_708 = arith.subi %add3A_705, %sub3A_707 : vector<16xi32>
    %select_n3A_709 = arith.select %eq3A_695, %sub3A_708, %broadcast_in_dim3A_692 : vector<16xi1>, vector<16xi32>
    %reduce_sum3A_710 = arith.constant true
    %reduce_sum3A_711 = vector.broadcast %reduce_sum3A_710 : i1 to vector<16xi1>
    %reduce_sum3A_712 = tpu.scan <sum>, %select_n3A_700 masked %reduce_sum3A_711 : vector<16xi32>, vector<16xi1> -> vector<16xi32>
    %reduce_sum3A_713 = vector.extract %reduce_sum3A_712[15] : i32 from vector<16xi32>
    %add3A_714 = arith.addi %add3A_533, %reduce_sum3A_713 : i32
    %eq3A_715 = arith.constant 1 : i32
    %eq3A_716 = vector.broadcast %eq3A_715 : i32 to vector<16xi32>
    %eq3A_717 = arith.cmpi eq, %get3A_690, %eq3A_716 : vector<16xi32>
    %jit3A_718 = arith.constant 1 : i32
    %jit3A_719 = arith.constant 0 : i32
    %broadcast_in_dim3A_720 = vector.broadcast %jit3A_718 : i32 to vector<16xi32>
    %broadcast_in_dim3A_721 = vector.broadcast %jit3A_719 : i32 to vector<16xi32>
    %select_n3A_722 = arith.select %eq3A_717, %broadcast_in_dim3A_720, %broadcast_in_dim3A_721 : vector<16xi1>, vector<16xi32>
    %cumsum3A_723 = arith.constant true
    %cumsum3A_724 = vector.broadcast %cumsum3A_723 : i1 to vector<16xi1>
    %cumsum3A_725 = tpu.scan <sum>, %select_n3A_722 masked %cumsum3A_724 : vector<16xi32>, vector<16xi1> -> vector<16xi32>
    %add3A_726 = vector.broadcast %add3A_555 : i32 to vector<16xi32>
    %add3A_727 = arith.addi %add3A_726, %cumsum3A_725 : vector<16xi32>
    %sub3A_728 = arith.constant 1 : i32
    %sub3A_729 = vector.broadcast %sub3A_728 : i32 to vector<16xi32>
    %sub3A_730 = arith.subi %add3A_727, %sub3A_729 : vector<16xi32>
    %select_n3A_731 = arith.select %eq3A_717, %sub3A_730, %select_n3A_709 : vector<16xi1>, vector<16xi32>
    %reduce_sum3A_732 = arith.constant true
    %reduce_sum3A_733 = vector.broadcast %reduce_sum3A_732 : i1 to vector<16xi1>
    %reduce_sum3A_734 = tpu.scan <sum>, %select_n3A_722 masked %reduce_sum3A_733 : vector<16xi32>, vector<16xi1> -> vector<16xi32>
    %reduce_sum3A_735 = vector.extract %reduce_sum3A_734[15] : i32 from vector<16xi32>
    %add3A_736 = arith.addi %add3A_555, %reduce_sum3A_735 : i32
    %eq3A_737 = arith.constant 2 : i32
    %eq3A_738 = vector.broadcast %eq3A_737 : i32 to vector<16xi32>
    %eq3A_739 = arith.cmpi eq, %get3A_690, %eq3A_738 : vector<16xi32>
    %jit3A_740 = arith.constant 1 : i32
    %jit3A_741 = arith.constant 0 : i32
    %broadcast_in_dim3A_742 = vector.broadcast %jit3A_740 : i32 to vector<16xi32>
    %broadcast_in_dim3A_743 = vector.broadcast %jit3A_741 : i32 to vector<16xi32>
    %select_n3A_744 = arith.select %eq3A_739, %broadcast_in_dim3A_742, %broadcast_in_dim3A_743 : vector<16xi1>, vector<16xi32>
    %cumsum3A_745 = arith.constant true
    %cumsum3A_746 = vector.broadcast %cumsum3A_745 : i1 to vector<16xi1>
    %cumsum3A_747 = tpu.scan <sum>, %select_n3A_744 masked %cumsum3A_746 : vector<16xi32>, vector<16xi1> -> vector<16xi32>
    %add3A_748 = vector.broadcast %add3A_577 : i32 to vector<16xi32>
    %add3A_749 = arith.addi %add3A_748, %cumsum3A_747 : vector<16xi32>
    %sub3A_750 = arith.constant 1 : i32
    %sub3A_751 = vector.broadcast %sub3A_750 : i32 to vector<16xi32>
    %sub3A_752 = arith.subi %add3A_749, %sub3A_751 : vector<16xi32>
    %select_n3A_753 = arith.select %eq3A_739, %sub3A_752, %select_n3A_731 : vector<16xi1>, vector<16xi32>
    %reduce_sum3A_754 = arith.constant true
    %reduce_sum3A_755 = vector.broadcast %reduce_sum3A_754 : i1 to vector<16xi1>
    %reduce_sum3A_756 = tpu.scan <sum>, %select_n3A_744 masked %reduce_sum3A_755 : vector<16xi32>, vector<16xi1> -> vector<16xi32>
    %reduce_sum3A_757 = vector.extract %reduce_sum3A_756[15] : i32 from vector<16xi32>
    %add3A_758 = arith.addi %add3A_577, %reduce_sum3A_757 : i32
    %eq3A_759 = arith.constant 3 : i32
    %eq3A_760 = vector.broadcast %eq3A_759 : i32 to vector<16xi32>
    %eq3A_761 = arith.cmpi eq, %get3A_690, %eq3A_760 : vector<16xi32>
    %jit3A_762 = arith.constant 1 : i32
    %jit3A_763 = arith.constant 0 : i32
    %broadcast_in_dim3A_764 = vector.broadcast %jit3A_762 : i32 to vector<16xi32>
    %broadcast_in_dim3A_765 = vector.broadcast %jit3A_763 : i32 to vector<16xi32>
    %select_n3A_766 = arith.select %eq3A_761, %broadcast_in_dim3A_764, %broadcast_in_dim3A_765 : vector<16xi1>, vector<16xi32>
    %cumsum3A_767 = arith.constant true
    %cumsum3A_768 = vector.broadcast %cumsum3A_767 : i1 to vector<16xi1>
    %cumsum3A_769 = tpu.scan <sum>, %select_n3A_766 masked %cumsum3A_768 : vector<16xi32>, vector<16xi1> -> vector<16xi32>
    %add3A_770 = vector.broadcast %add3A_599 : i32 to vector<16xi32>
    %add3A_771 = arith.addi %add3A_770, %cumsum3A_769 : vector<16xi32>
    %sub3A_772 = arith.constant 1 : i32
    %sub3A_773 = vector.broadcast %sub3A_772 : i32 to vector<16xi32>
    %sub3A_774 = arith.subi %add3A_771, %sub3A_773 : vector<16xi32>
    %select_n3A_775 = arith.select %eq3A_761, %sub3A_774, %select_n3A_753 : vector<16xi1>, vector<16xi32>
    %reduce_sum3A_776 = arith.constant true
    %reduce_sum3A_777 = vector.broadcast %reduce_sum3A_776 : i1 to vector<16xi1>
    %reduce_sum3A_778 = tpu.scan <sum>, %select_n3A_766 masked %reduce_sum3A_777 : vector<16xi32>, vector<16xi1> -> vector<16xi32>
    %reduce_sum3A_779 = vector.extract %reduce_sum3A_778[15] : i32 from vector<16xi32>
    %add3A_780 = arith.addi %add3A_599, %reduce_sum3A_779 : i32
    %eq3A_781 = arith.constant 4 : i32
    %eq3A_782 = vector.broadcast %eq3A_781 : i32 to vector<16xi32>
    %eq3A_783 = arith.cmpi eq, %get3A_690, %eq3A_782 : vector<16xi32>
    %jit3A_784 = arith.constant 1 : i32
    %jit3A_785 = arith.constant 0 : i32
    %broadcast_in_dim3A_786 = vector.broadcast %jit3A_784 : i32 to vector<16xi32>
    %broadcast_in_dim3A_787 = vector.broadcast %jit3A_785 : i32 to vector<16xi32>
    %select_n3A_788 = arith.select %eq3A_783, %broadcast_in_dim3A_786, %broadcast_in_dim3A_787 : vector<16xi1>, vector<16xi32>
    %cumsum3A_789 = arith.constant true
    %cumsum3A_790 = vector.broadcast %cumsum3A_789 : i1 to vector<16xi1>
    %cumsum3A_791 = tpu.scan <sum>, %select_n3A_788 masked %cumsum3A_790 : vector<16xi32>, vector<16xi1> -> vector<16xi32>
    %add3A_792 = vector.broadcast %add3A_621 : i32 to vector<16xi32>
    %add3A_793 = arith.addi %add3A_792, %cumsum3A_791 : vector<16xi32>
    %sub3A_794 = arith.constant 1 : i32
    %sub3A_795 = vector.broadcast %sub3A_794 : i32 to vector<16xi32>
    %sub3A_796 = arith.subi %add3A_793, %sub3A_795 : vector<16xi32>
    %select_n3A_797 = arith.select %eq3A_783, %sub3A_796, %select_n3A_775 : vector<16xi1>, vector<16xi32>
    %reduce_sum3A_798 = arith.constant true
    %reduce_sum3A_799 = vector.broadcast %reduce_sum3A_798 : i1 to vector<16xi1>
    %reduce_sum3A_800 = tpu.scan <sum>, %select_n3A_788 masked %reduce_sum3A_799 : vector<16xi32>, vector<16xi1> -> vector<16xi32>
    %reduce_sum3A_801 = vector.extract %reduce_sum3A_800[15] : i32 from vector<16xi32>
    %add3A_802 = arith.addi %add3A_621, %reduce_sum3A_801 : i32
    %eq3A_803 = arith.constant 5 : i32
    %eq3A_804 = vector.broadcast %eq3A_803 : i32 to vector<16xi32>
    %eq3A_805 = arith.cmpi eq, %get3A_690, %eq3A_804 : vector<16xi32>
    %jit3A_806 = arith.constant 1 : i32
    %jit3A_807 = arith.constant 0 : i32
    %broadcast_in_dim3A_808 = vector.broadcast %jit3A_806 : i32 to vector<16xi32>
    %broadcast_in_dim3A_809 = vector.broadcast %jit3A_807 : i32 to vector<16xi32>
    %select_n3A_810 = arith.select %eq3A_805, %broadcast_in_dim3A_808, %broadcast_in_dim3A_809 : vector<16xi1>, vector<16xi32>
    %cumsum3A_811 = arith.constant true
    %cumsum3A_812 = vector.broadcast %cumsum3A_811 : i1 to vector<16xi1>
    %cumsum3A_813 = tpu.scan <sum>, %select_n3A_810 masked %cumsum3A_812 : vector<16xi32>, vector<16xi1> -> vector<16xi32>
    %add3A_814 = vector.broadcast %add3A_643 : i32 to vector<16xi32>
    %add3A_815 = arith.addi %add3A_814, %cumsum3A_813 : vector<16xi32>
    %sub3A_816 = arith.constant 1 : i32
    %sub3A_817 = vector.broadcast %sub3A_816 : i32 to vector<16xi32>
    %sub3A_818 = arith.subi %add3A_815, %sub3A_817 : vector<16xi32>
    %select_n3A_819 = arith.select %eq3A_805, %sub3A_818, %select_n3A_797 : vector<16xi1>, vector<16xi32>
    %reduce_sum3A_820 = arith.constant true
    %reduce_sum3A_821 = vector.broadcast %reduce_sum3A_820 : i1 to vector<16xi1>
    %reduce_sum3A_822 = tpu.scan <sum>, %select_n3A_810 masked %reduce_sum3A_821 : vector<16xi32>, vector<16xi1> -> vector<16xi32>
    %reduce_sum3A_823 = vector.extract %reduce_sum3A_822[15] : i32 from vector<16xi32>
    %add3A_824 = arith.addi %add3A_643, %reduce_sum3A_823 : i32
    %eq3A_825 = arith.constant 6 : i32
    %eq3A_826 = vector.broadcast %eq3A_825 : i32 to vector<16xi32>
    %eq3A_827 = arith.cmpi eq, %get3A_690, %eq3A_826 : vector<16xi32>
    %jit3A_828 = arith.constant 1 : i32
    %jit3A_829 = arith.constant 0 : i32
    %broadcast_in_dim3A_830 = vector.broadcast %jit3A_828 : i32 to vector<16xi32>
    %broadcast_in_dim3A_831 = vector.broadcast %jit3A_829 : i32 to vector<16xi32>
    %select_n3A_832 = arith.select %eq3A_827, %broadcast_in_dim3A_830, %broadcast_in_dim3A_831 : vector<16xi1>, vector<16xi32>
    %cumsum3A_833 = arith.constant true
    %cumsum3A_834 = vector.broadcast %cumsum3A_833 : i1 to vector<16xi1>
    %cumsum3A_835 = tpu.scan <sum>, %select_n3A_832 masked %cumsum3A_834 : vector<16xi32>, vector<16xi1> -> vector<16xi32>
    %add3A_836 = vector.broadcast %add3A_665 : i32 to vector<16xi32>
    %add3A_837 = arith.addi %add3A_836, %cumsum3A_835 : vector<16xi32>
    %sub3A_838 = arith.constant 1 : i32
    %sub3A_839 = vector.broadcast %sub3A_838 : i32 to vector<16xi32>
    %sub3A_840 = arith.subi %add3A_837, %sub3A_839 : vector<16xi32>
    %select_n3A_841 = arith.select %eq3A_827, %sub3A_840, %select_n3A_819 : vector<16xi1>, vector<16xi32>
    %reduce_sum3A_842 = arith.constant true
    %reduce_sum3A_843 = vector.broadcast %reduce_sum3A_842 : i1 to vector<16xi1>
    %reduce_sum3A_844 = tpu.scan <sum>, %select_n3A_832 masked %reduce_sum3A_843 : vector<16xi32>, vector<16xi1> -> vector<16xi32>
    %reduce_sum3A_845 = vector.extract %reduce_sum3A_844[15] : i32 from vector<16xi32>
    %add3A_846 = arith.addi %add3A_665, %reduce_sum3A_845 : i32
    %eq3A_847 = arith.constant 7 : i32
    %eq3A_848 = vector.broadcast %eq3A_847 : i32 to vector<16xi32>
    %eq3A_849 = arith.cmpi eq, %get3A_690, %eq3A_848 : vector<16xi32>
    %jit3A_850 = arith.constant 1 : i32
    %jit3A_851 = arith.constant 0 : i32
    %broadcast_in_dim3A_852 = vector.broadcast %jit3A_850 : i32 to vector<16xi32>
    %broadcast_in_dim3A_853 = vector.broadcast %jit3A_851 : i32 to vector<16xi32>
    %select_n3A_854 = arith.select %eq3A_849, %broadcast_in_dim3A_852, %broadcast_in_dim3A_853 : vector<16xi1>, vector<16xi32>
    %cumsum3A_855 = arith.constant true
    %cumsum3A_856 = vector.broadcast %cumsum3A_855 : i1 to vector<16xi1>
    %cumsum3A_857 = tpu.scan <sum>, %select_n3A_854 masked %cumsum3A_856 : vector<16xi32>, vector<16xi1> -> vector<16xi32>
    %add3A_858 = vector.broadcast %add3A_687 : i32 to vector<16xi32>
    %add3A_859 = arith.addi %add3A_858, %cumsum3A_857 : vector<16xi32>
    %sub3A_860 = arith.constant 1 : i32
    %sub3A_861 = vector.broadcast %sub3A_860 : i32 to vector<16xi32>
    %sub3A_862 = arith.subi %add3A_859, %sub3A_861 : vector<16xi32>
    %select_n3A_863 = arith.select %eq3A_849, %sub3A_862, %select_n3A_841 : vector<16xi1>, vector<16xi32>
    %reduce_sum3A_864 = arith.constant true
    %reduce_sum3A_865 = vector.broadcast %reduce_sum3A_864 : i1 to vector<16xi1>
    %reduce_sum3A_866 = tpu.scan <sum>, %select_n3A_854 masked %reduce_sum3A_865 : vector<16xi32>, vector<16xi1> -> vector<16xi32>
    %reduce_sum3A_867 = vector.extract %reduce_sum3A_866[15] : i32 from vector<16xi32>
    %add3A_868 = arith.addi %add3A_687, %reduce_sum3A_867 : i32
    %swap3A_869 = arith.constant 16 : index
    %swap3A_870 = tpu.vector_load %arg12[%swap3A_869] {strides = array<i32>} : memref<64xi32, #tpu.memory_space<vmem>>, vector<16xi32>,
    tpu.vector_store %arg12[%swap3A_869], %select_n3A_863 {strides = array<i32>} : memref<64xi32, #tpu.memory_space<vmem>>, vector<16xi32>,
    %get3A_871 = arith.constant 32 : index
    %get3A_872 = tpu.vector_load %arg10[%get3A_871] {strides = array<i32>} : memref<64xi32, #tpu.memory_space<vmem>>, vector<16xi32>,
    %broadcast_in_dim3A_873 = arith.constant 0 : i32
    %broadcast_in_dim3A_874 = vector.broadcast %broadcast_in_dim3A_873 : i32 to vector<16xi32>
    %eq3A_875 = arith.constant 0 : i32
    %eq3A_876 = vector.broadcast %eq3A_875 : i32 to vector<16xi32>
    %eq3A_877 = arith.cmpi eq, %get3A_872, %eq3A_876 : vector<16xi32>
    %jit3A_878 = arith.constant 1 : i32
    %jit3A_879 = arith.constant 0 : i32
    %broadcast_in_dim3A_880 = vector.broadcast %jit3A_878 : i32 to vector<16xi32>
    %broadcast_in_dim3A_881 = vector.broadcast %jit3A_879 : i32 to vector<16xi32>
    %select_n3A_882 = arith.select %eq3A_877, %broadcast_in_dim3A_880, %broadcast_in_dim3A_881 : vector<16xi1>, vector<16xi32>
    %cumsum3A_883 = arith.constant true
    %cumsum3A_884 = vector.broadcast %cumsum3A_883 : i1 to vector<16xi1>
    %cumsum3A_885 = tpu.scan <sum>, %select_n3A_882 masked %cumsum3A_884 : vector<16xi32>, vector<16xi1> -> vector<16xi32>
    %add3A_886 = vector.broadcast %add3A_714 : i32 to vector<16xi32>
    %add3A_887 = arith.addi %add3A_886, %cumsum3A_885 : vector<16xi32>
    %sub3A_888 = arith.constant 1 : i32
    %sub3A_889 = vector.broadcast %sub3A_888 : i32 to vector<16xi32>
    %sub3A_890 = arith.subi %add3A_887, %sub3A_889 : vector<16xi32>
    %select_n3A_891 = arith.select %eq3A_877, %sub3A_890, %broadcast_in_dim3A_874 : vector<16xi1>, vector<16xi32>
    %reduce_sum3A_892 = arith.constant true
    %reduce_sum3A_893 = vector.broadcast %reduce_sum3A_892 : i1 to vector<16xi1>
    %reduce_sum3A_894 = tpu.scan <sum>, %select_n3A_882 masked %reduce_sum3A_893 : vector<16xi32>, vector<16xi1> -> vector<16xi32>
    %reduce_sum3A_895 = vector.extract %reduce_sum3A_894[15] : i32 from vector<16xi32>
    %add3A_896 = arith.addi %add3A_714, %reduce_sum3A_895 : i32
    %eq3A_897 = arith.constant 1 : i32
    %eq3A_898 = vector.broadcast %eq3A_897 : i32 to vector<16xi32>
    %eq3A_899 = arith.cmpi eq, %get3A_872, %eq3A_898 : vector<16xi32>
    %jit3A_900 = arith.constant 1 : i32
    %jit3A_901 = arith.constant 0 : i32
    %broadcast_in_dim3A_902 = vector.broadcast %jit3A_900 : i32 to vector<16xi32>
    %broadcast_in_dim3A_903 = vector.broadcast %jit3A_901 : i32 to vector<16xi32>
    %select_n3A_904 = arith.select %eq3A_899, %broadcast_in_dim3A_902, %broadcast_in_dim3A_903 : vector<16xi1>, vector<16xi32>
    %cumsum3A_905 = arith.constant true
    %cumsum3A_906 = vector.broadcast %cumsum3A_905 : i1 to vector<16xi1>
    %cumsum3A_907 = tpu.scan <sum>, %select_n3A_904 masked %cumsum3A_906 : vector<16xi32>, vector<16xi1> -> vector<16xi32>
    %add3A_908 = vector.broadcast %add3A_736 : i32 to vector<16xi32>
    %add3A_909 = arith.addi %add3A_908, %cumsum3A_907 : vector<16xi32>
    %sub3A_910 = arith.constant 1 : i32
    %sub3A_911 = vector.broadcast %sub3A_910 : i32 to vector<16xi32>
    %sub3A_912 = arith.subi %add3A_909, %sub3A_911 : vector<16xi32>
    %select_n3A_913 = arith.select %eq3A_899, %sub3A_912, %select_n3A_891 : vector<16xi1>, vector<16xi32>
    %reduce_sum3A_914 = arith.constant true
    %reduce_sum3A_915 = vector.broadcast %reduce_sum3A_914 : i1 to vector<16xi1>
    %reduce_sum3A_916 = tpu.scan <sum>, %select_n3A_904 masked %reduce_sum3A_915 : vector<16xi32>, vector<16xi1> -> vector<16xi32>
    %reduce_sum3A_917 = vector.extract %reduce_sum3A_916[15] : i32 from vector<16xi32>
    %add3A_918 = arith.addi %add3A_736, %reduce_sum3A_917 : i32
    %eq3A_919 = arith.constant 2 : i32
    %eq3A_920 = vector.broadcast %eq3A_919 : i32 to vector<16xi32>
    %eq3A_921 = arith.cmpi eq, %get3A_872, %eq3A_920 : vector<16xi32>
    %jit3A_922 = arith.constant 1 : i32
    %jit3A_923 = arith.constant 0 : i32
    %broadcast_in_dim3A_924 = vector.broadcast %jit3A_922 : i32 to vector<16xi32>
    %broadcast_in_dim3A_925 = vector.broadcast %jit3A_923 : i32 to vector<16xi32>
    %select_n3A_926 = arith.select %eq3A_921, %broadcast_in_dim3A_924, %broadcast_in_dim3A_925 : vector<16xi1>, vector<16xi32>
    %cumsum3A_927 = arith.constant true
    %cumsum3A_928 = vector.broadcast %cumsum3A_927 : i1 to vector<16xi1>
    %cumsum3A_929 = tpu.scan <sum>, %select_n3A_926 masked %cumsum3A_928 : vector<16xi32>, vector<16xi1> -> vector<16xi32>
    %add3A_930 = vector.broadcast %add3A_758 : i32 to vector<16xi32>
    %add3A_931 = arith.addi %add3A_930, %cumsum3A_929 : vector<16xi32>
    %sub3A_932 = arith.constant 1 : i32
    %sub3A_933 = vector.broadcast %sub3A_932 : i32 to vector<16xi32>
    %sub3A_934 = arith.subi %add3A_931, %sub3A_933 : vector<16xi32>
    %select_n3A_935 = arith.select %eq3A_921, %sub3A_934, %select_n3A_913 : vector<16xi1>, vector<16xi32>
    %reduce_sum3A_936 = arith.constant true
    %reduce_sum3A_937 = vector.broadcast %reduce_sum3A_936 : i1 to vector<16xi1>
    %reduce_sum3A_938 = tpu.scan <sum>, %select_n3A_926 masked %reduce_sum3A_937 : vector<16xi32>, vector<16xi1> -> vector<16xi32>
    %reduce_sum3A_939 = vector.extract %reduce_sum3A_938[15] : i32 from vector<16xi32>
    %add3A_940 = arith.addi %add3A_758, %reduce_sum3A_939 : i32
    %eq3A_941 = arith.constant 3 : i32
    %eq3A_942 = vector.broadcast %eq3A_941 : i32 to vector<16xi32>
    %eq3A_943 = arith.cmpi eq, %get3A_872, %eq3A_942 : vector<16xi32>
    %jit3A_944 = arith.constant 1 : i32
    %jit3A_945 = arith.constant 0 : i32
    %broadcast_in_dim3A_946 = vector.broadcast %jit3A_944 : i32 to vector<16xi32>
    %broadcast_in_dim3A_947 = vector.broadcast %jit3A_945 : i32 to vector<16xi32>
    %select_n3A_948 = arith.select %eq3A_943, %broadcast_in_dim3A_946, %broadcast_in_dim3A_947 : vector<16xi1>, vector<16xi32>
    %cumsum3A_949 = arith.constant true
    %cumsum3A_950 = vector.broadcast %cumsum3A_949 : i1 to vector<16xi1>
    %cumsum3A_951 = tpu.scan <sum>, %select_n3A_948 masked %cumsum3A_950 : vector<16xi32>, vector<16xi1> -> vector<16xi32>
    %add3A_952 = vector.broadcast %add3A_780 : i32 to vector<16xi32>
    %add3A_953 = arith.addi %add3A_952, %cumsum3A_951 : vector<16xi32>
    %sub3A_954 = arith.constant 1 : i32
    %sub3A_955 = vector.broadcast %sub3A_954 : i32 to vector<16xi32>
    %sub3A_956 = arith.subi %add3A_953, %sub3A_955 : vector<16xi32>
    %select_n3A_957 = arith.select %eq3A_943, %sub3A_956, %select_n3A_935 : vector<16xi1>, vector<16xi32>
    %reduce_sum3A_958 = arith.constant true
    %reduce_sum3A_959 = vector.broadcast %reduce_sum3A_958 : i1 to vector<16xi1>
    %reduce_sum3A_960 = tpu.scan <sum>, %select_n3A_948 masked %reduce_sum3A_959 : vector<16xi32>, vector<16xi1> -> vector<16xi32>
    %reduce_sum3A_961 = vector.extract %reduce_sum3A_960[15] : i32 from vector<16xi32>
    %add3A_962 = arith.addi %add3A_780, %reduce_sum3A_961 : i32
    %eq3A_963 = arith.constant 4 : i32
    %eq3A_964 = vector.broadcast %eq3A_963 : i32 to vector<16xi32>
    %eq3A_965 = arith.cmpi eq, %get3A_872, %eq3A_964 : vector<16xi32>
    %jit3A_966 = arith.constant 1 : i32
    %jit3A_967 = arith.constant 0 : i32
    %broadcast_in_dim3A_968 = vector.broadcast %jit3A_966 : i32 to vector<16xi32>
    %broadcast_in_dim3A_969 = vector.broadcast %jit3A_967 : i32 to vector<16xi32>
    %select_n3A_970 = arith.select %eq3A_965, %broadcast_in_dim3A_968, %broadcast_in_dim3A_969 : vector<16xi1>, vector<16xi32>
    %cumsum3A_971 = arith.constant true
    %cumsum3A_972 = vector.broadcast %cumsum3A_971 : i1 to vector<16xi1>
    %cumsum3A_973 = tpu.scan <sum>, %select_n3A_970 masked %cumsum3A_972 : vector<16xi32>, vector<16xi1> -> vector<16xi32>
    %add3A_974 = vector.broadcast %add3A_802 : i32 to vector<16xi32>
    %add3A_975 = arith.addi %add3A_974, %cumsum3A_973 : vector<16xi32>
    %sub3A_976 = arith.constant 1 : i32
    %sub3A_977 = vector.broadcast %sub3A_976 : i32 to vector<16xi32>
    %sub3A_978 = arith.subi %add3A_975, %sub3A_977 : vector<16xi32>
    %select_n3A_979 = arith.select %eq3A_965, %sub3A_978, %select_n3A_957 : vector<16xi1>, vector<16xi32>
    %reduce_sum3A_980 = arith.constant true
    %reduce_sum3A_981 = vector.broadcast %reduce_sum3A_980 : i1 to vector<16xi1>
    %reduce_sum3A_982 = tpu.scan <sum>, %select_n3A_970 masked %reduce_sum3A_981 : vector<16xi32>, vector<16xi1> -> vector<16xi32>
    %reduce_sum3A_983 = vector.extract %reduce_sum3A_982[15] : i32 from vector<16xi32>
    %add3A_984 = arith.addi %add3A_802, %reduce_sum3A_983 : i32
    %eq3A_985 = arith.constant 5 : i32
    %eq3A_986 = vector.broadcast %eq3A_985 : i32 to vector<16xi32>
    %eq3A_987 = arith.cmpi eq, %get3A_872, %eq3A_986 : vector<16xi32>
    %jit3A_988 = arith.constant 1 : i32
    %jit3A_989 = arith.constant 0 : i32
    %broadcast_in_dim3A_990 = vector.broadcast %jit3A_988 : i32 to vector<16xi32>
    %broadcast_in_dim3A_991 = vector.broadcast %jit3A_989 : i32 to vector<16xi32>
    %select_n3A_992 = arith.select %eq3A_987, %broadcast_in_dim3A_990, %broadcast_in_dim3A_991 : vector<16xi1>, vector<16xi32>
    %cumsum3A_993 = arith.constant true
    %cumsum3A_994 = vector.broadcast %cumsum3A_993 : i1 to vector<16xi1>
    %cumsum3A_995 = tpu.scan <sum>, %select_n3A_992 masked %cumsum3A_994 : vector<16xi32>, vector<16xi1> -> vector<16xi32>
    %add3A_996 = vector.broadcast %add3A_824 : i32 to vector<16xi32>
    %add3A_997 = arith.addi %add3A_996, %cumsum3A_995 : vector<16xi32>
    %sub3A_998 = arith.constant 1 : i32
    %sub3A_999 = vector.broadcast %sub3A_998 : i32 to vector<16xi32>
    %sub3A_1000 = arith.subi %add3A_997, %sub3A_999 : vector<16xi32>
    %select_n3A_1001 = arith.select %eq3A_987, %sub3A_1000, %select_n3A_979 : vector<16xi1>, vector<16xi32>
    %reduce_sum3A_1002 = arith.constant true
    %reduce_sum3A_1003 = vector.broadcast %reduce_sum3A_1002 : i1 to vector<16xi1>
    %reduce_sum3A_1004 = tpu.scan <sum>, %select_n3A_992 masked %reduce_sum3A_1003 : vector<16xi32>, vector<16xi1> -> vector<16xi32>
    %reduce_sum3A_1005 = vector.extract %reduce_sum3A_1004[15] : i32 from vector<16xi32>
    %add3A_1006 = arith.addi %add3A_824, %reduce_sum3A_1005 : i32
    %eq3A_1007 = arith.constant 6 : i32
    %eq3A_1008 = vector.broadcast %eq3A_1007 : i32 to vector<16xi32>
    %eq3A_1009 = arith.cmpi eq, %get3A_872, %eq3A_1008 : vector<16xi32>
    %jit3A_1010 = arith.constant 1 : i32
    %jit3A_1011 = arith.constant 0 : i32
    %broadcast_in_dim3A_1012 = vector.broadcast %jit3A_1010 : i32 to vector<16xi32>
    %broadcast_in_dim3A_1013 = vector.broadcast %jit3A_1011 : i32 to vector<16xi32>
    %select_n3A_1014 = arith.select %eq3A_1009, %broadcast_in_dim3A_1012, %broadcast_in_dim3A_1013 : vector<16xi1>, vector<16xi32>
    %cumsum3A_1015 = arith.constant true
    %cumsum3A_1016 = vector.broadcast %cumsum3A_1015 : i1 to vector<16xi1>
    %cumsum3A_1017 = tpu.scan <sum>, %select_n3A_1014 masked %cumsum3A_1016 : vector<16xi32>, vector<16xi1> -> vector<16xi32>
    %add3A_1018 = vector.broadcast %add3A_846 : i32 to vector<16xi32>
    %add3A_1019 = arith.addi %add3A_1018, %cumsum3A_1017 : vector<16xi32>
    %sub3A_1020 = arith.constant 1 : i32
    %sub3A_1021 = vector.broadcast %sub3A_1020 : i32 to vector<16xi32>
    %sub3A_1022 = arith.subi %add3A_1019, %sub3A_1021 : vector<16xi32>
    %select_n3A_1023 = arith.select %eq3A_1009, %sub3A_1022, %select_n3A_1001 : vector<16xi1>, vector<16xi32>
    %reduce_sum3A_1024 = arith.constant true
    %reduce_sum3A_1025 = vector.broadcast %reduce_sum3A_1024 : i1 to vector<16xi1>
    %reduce_sum3A_1026 = tpu.scan <sum>, %select_n3A_1014 masked %reduce_sum3A_1025 : vector<16xi32>, vector<16xi1> -> vector<16xi32>
    %reduce_sum3A_1027 = vector.extract %reduce_sum3A_1026[15] : i32 from vector<16xi32>
    %add3A_1028 = arith.addi %add3A_846, %reduce_sum3A_1027 : i32
    %eq3A_1029 = arith.constant 7 : i32
    %eq3A_1030 = vector.broadcast %eq3A_1029 : i32 to vector<16xi32>
    %eq3A_1031 = arith.cmpi eq, %get3A_872, %eq3A_1030 : vector<16xi32>
    %jit3A_1032 = arith.constant 1 : i32
    %jit3A_1033 = arith.constant 0 : i32
    %broadcast_in_dim3A_1034 = vector.broadcast %jit3A_1032 : i32 to vector<16xi32>
    %broadcast_in_dim3A_1035 = vector.broadcast %jit3A_1033 : i32 to vector<16xi32>
    %select_n3A_1036 = arith.select %eq3A_1031, %broadcast_in_dim3A_1034, %broadcast_in_dim3A_1035 : vector<16xi1>, vector<16xi32>
    %cumsum3A_1037 = arith.constant true
    %cumsum3A_1038 = vector.broadcast %cumsum3A_1037 : i1 to vector<16xi1>
    %cumsum3A_1039 = tpu.scan <sum>, %select_n3A_1036 masked %cumsum3A_1038 : vector<16xi32>, vector<16xi1> -> vector<16xi32>
    %add3A_1040 = vector.broadcast %add3A_868 : i32 to vector<16xi32>
    %add3A_1041 = arith.addi %add3A_1040, %cumsum3A_1039 : vector<16xi32>
    %sub3A_1042 = arith.constant 1 : i32
    %sub3A_1043 = vector.broadcast %sub3A_1042 : i32 to vector<16xi32>
    %sub3A_1044 = arith.subi %add3A_1041, %sub3A_1043 : vector<16xi32>
    %select_n3A_1045 = arith.select %eq3A_1031, %sub3A_1044, %select_n3A_1023 : vector<16xi1>, vector<16xi32>
    %reduce_sum3A_1046 = arith.constant true
    %reduce_sum3A_1047 = vector.broadcast %reduce_sum3A_1046 : i1 to vector<16xi1>
    %reduce_sum3A_1048 = tpu.scan <sum>, %select_n3A_1036 masked %reduce_sum3A_1047 : vector<16xi32>, vector<16xi1> -> vector<16xi32>
    %reduce_sum3A_1049 = vector.extract %reduce_sum3A_1048[15] : i32 from vector<16xi32>
    %add3A_1050 = arith.addi %add3A_868, %reduce_sum3A_1049 : i32
    %swap3A_1051 = arith.constant 32 : index
    %swap3A_1052 = tpu.vector_load %arg12[%swap3A_1051] {strides = array<i32>} : memref<64xi32, #tpu.memory_space<vmem>>, vector<16xi32>,
    tpu.vector_store %arg12[%swap3A_1051], %select_n3A_1045 {strides = array<i32>} : memref<64xi32, #tpu.memory_space<vmem>>, vector<16xi32>,
    %get3A_1053 = arith.constant 48 : index
    %get3A_1054 = tpu.vector_load %arg10[%get3A_1053] {strides = array<i32>} : memref<64xi32, #tpu.memory_space<vmem>>, vector<16xi32>,
    %broadcast_in_dim3A_1055 = arith.constant 0 : i32
    %broadcast_in_dim3A_1056 = vector.broadcast %broadcast_in_dim3A_1055 : i32 to vector<16xi32>
    %eq3A_1057 = arith.constant 0 : i32
    %eq3A_1058 = vector.broadcast %eq3A_1057 : i32 to vector<16xi32>
    %eq3A_1059 = arith.cmpi eq, %get3A_1054, %eq3A_1058 : vector<16xi32>
    %jit3A_1060 = arith.constant 1 : i32
    %jit3A_1061 = arith.constant 0 : i32
    %broadcast_in_dim3A_1062 = vector.broadcast %jit3A_1060 : i32 to vector<16xi32>
    %broadcast_in_dim3A_1063 = vector.broadcast %jit3A_1061 : i32 to vector<16xi32>
    %select_n3A_1064 = arith.select %eq3A_1059, %broadcast_in_dim3A_1062, %broadcast_in_dim3A_1063 : vector<16xi1>, vector<16xi32>
    %cumsum3A_1065 = arith.constant true
    %cumsum3A_1066 = vector.broadcast %cumsum3A_1065 : i1 to vector<16xi1>
    %cumsum3A_1067 = tpu.scan <sum>, %select_n3A_1064 masked %cumsum3A_1066 : vector<16xi32>, vector<16xi1> -> vector<16xi32>
    %add3A_1068 = vector.broadcast %add3A_896 : i32 to vector<16xi32>
    %add3A_1069 = arith.addi %add3A_1068, %cumsum3A_1067 : vector<16xi32>
    %sub3A_1070 = arith.constant 1 : i32
    %sub3A_1071 = vector.broadcast %sub3A_1070 : i32 to vector<16xi32>
    %sub3A_1072 = arith.subi %add3A_1069, %sub3A_1071 : vector<16xi32>
    %select_n3A_1073 = arith.select %eq3A_1059, %sub3A_1072, %broadcast_in_dim3A_1056 : vector<16xi1>, vector<16xi32>
    %reduce_sum3A_1074 = arith.constant true
    %reduce_sum3A_1075 = vector.broadcast %reduce_sum3A_1074 : i1 to vector<16xi1>
    %reduce_sum3A_1076 = tpu.scan <sum>, %select_n3A_1064 masked %reduce_sum3A_1075 : vector<16xi32>, vector<16xi1> -> vector<16xi32>
    %reduce_sum3A_1077 = vector.extract %reduce_sum3A_1076[15] : i32 from vector<16xi32>
    %add3A_1078 = arith.addi %add3A_896, %reduce_sum3A_1077 : i32
    %eq3A_1079 = arith.constant 1 : i32
    %eq3A_1080 = vector.broadcast %eq3A_1079 : i32 to vector<16xi32>
    %eq3A_1081 = arith.cmpi eq, %get3A_1054, %eq3A_1080 : vector<16xi32>
    %jit3A_1082 = arith.constant 1 : i32
    %jit3A_1083 = arith.constant 0 : i32
    %broadcast_in_dim3A_1084 = vector.broadcast %jit3A_1082 : i32 to vector<16xi32>
    %broadcast_in_dim3A_1085 = vector.broadcast %jit3A_1083 : i32 to vector<16xi32>
    %select_n3A_1086 = arith.select %eq3A_1081, %broadcast_in_dim3A_1084, %broadcast_in_dim3A_1085 : vector<16xi1>, vector<16xi32>
    %cumsum3A_1087 = arith.constant true
    %cumsum3A_1088 = vector.broadcast %cumsum3A_1087 : i1 to vector<16xi1>
    %cumsum3A_1089 = tpu.scan <sum>, %select_n3A_1086 masked %cumsum3A_1088 : vector<16xi32>, vector<16xi1> -> vector<16xi32>
    %add3A_1090 = vector.broadcast %add3A_918 : i32 to vector<16xi32>
    %add3A_1091 = arith.addi %add3A_1090, %cumsum3A_1089 : vector<16xi32>
    %sub3A_1092 = arith.constant 1 : i32
    %sub3A_1093 = vector.broadcast %sub3A_1092 : i32 to vector<16xi32>
    %sub3A_1094 = arith.subi %add3A_1091, %sub3A_1093 : vector<16xi32>
    %select_n3A_1095 = arith.select %eq3A_1081, %sub3A_1094, %select_n3A_1073 : vector<16xi1>, vector<16xi32>
    %reduce_sum3A_1096 = arith.constant true
    %reduce_sum3A_1097 = vector.broadcast %reduce_sum3A_1096 : i1 to vector<16xi1>
    %reduce_sum3A_1098 = tpu.scan <sum>, %select_n3A_1086 masked %reduce_sum3A_1097 : vector<16xi32>, vector<16xi1> -> vector<16xi32>
    %reduce_sum3A_1099 = vector.extract %reduce_sum3A_1098[15] : i32 from vector<16xi32>
    %add3A_1100 = arith.addi %add3A_918, %reduce_sum3A_1099 : i32
    %eq3A_1101 = arith.constant 2 : i32
    %eq3A_1102 = vector.broadcast %eq3A_1101 : i32 to vector<16xi32>
    %eq3A_1103 = arith.cmpi eq, %get3A_1054, %eq3A_1102 : vector<16xi32>
    %jit3A_1104 = arith.constant 1 : i32
    %jit3A_1105 = arith.constant 0 : i32
    %broadcast_in_dim3A_1106 = vector.broadcast %jit3A_1104 : i32 to vector<16xi32>
    %broadcast_in_dim3A_1107 = vector.broadcast %jit3A_1105 : i32 to vector<16xi32>
    %select_n3A_1108 = arith.select %eq3A_1103, %broadcast_in_dim3A_1106, %broadcast_in_dim3A_1107 : vector<16xi1>, vector<16xi32>
    %cumsum3A_1109 = arith.constant true
    %cumsum3A_1110 = vector.broadcast %cumsum3A_1109 : i1 to vector<16xi1>
    %cumsum3A_1111 = tpu.scan <sum>, %select_n3A_1108 masked %cumsum3A_1110 : vector<16xi32>, vector<16xi1> -> vector<16xi32>
    %add3A_1112 = vector.broadcast %add3A_940 : i32 to vector<16xi32>
    %add3A_1113 = arith.addi %add3A_1112, %cumsum3A_1111 : vector<16xi32>
    %sub3A_1114 = arith.constant 1 : i32
    %sub3A_1115 = vector.broadcast %sub3A_1114 : i32 to vector<16xi32>
    %sub3A_1116 = arith.subi %add3A_1113, %sub3A_1115 : vector<16xi32>
    %select_n3A_1117 = arith.select %eq3A_1103, %sub3A_1116, %select_n3A_1095 : vector<16xi1>, vector<16xi32>
    %reduce_sum3A_1118 = arith.constant true
    %reduce_sum3A_1119 = vector.broadcast %reduce_sum3A_1118 : i1 to vector<16xi1>
    %reduce_sum3A_1120 = tpu.scan <sum>, %select_n3A_1108 masked %reduce_sum3A_1119 : vector<16xi32>, vector<16xi1> -> vector<16xi32>
    %reduce_sum3A_1121 = vector.extract %reduce_sum3A_1120[15] : i32 from vector<16xi32>
    %add3A_1122 = arith.addi %add3A_940, %reduce_sum3A_1121 : i32
    %eq3A_1123 = arith.constant 3 : i32
    %eq3A_1124 = vector.broadcast %eq3A_1123 : i32 to vector<16xi32>
    %eq3A_1125 = arith.cmpi eq, %get3A_1054, %eq3A_1124 : vector<16xi32>
    %jit3A_1126 = arith.constant 1 : i32
    %jit3A_1127 = arith.constant 0 : i32
    %broadcast_in_dim3A_1128 = vector.broadcast %jit3A_1126 : i32 to vector<16xi32>
    %broadcast_in_dim3A_1129 = vector.broadcast %jit3A_1127 : i32 to vector<16xi32>
    %select_n3A_1130 = arith.select %eq3A_1125, %broadcast_in_dim3A_1128, %broadcast_in_dim3A_1129 : vector<16xi1>, vector<16xi32>
    %cumsum3A_1131 = arith.constant true
    %cumsum3A_1132 = vector.broadcast %cumsum3A_1131 : i1 to vector<16xi1>
    %cumsum3A_1133 = tpu.scan <sum>, %select_n3A_1130 masked %cumsum3A_1132 : vector<16xi32>, vector<16xi1> -> vector<16xi32>
    %add3A_1134 = vector.broadcast %add3A_962 : i32 to vector<16xi32>
    %add3A_1135 = arith.addi %add3A_1134, %cumsum3A_1133 : vector<16xi32>
    %sub3A_1136 = arith.constant 1 : i32
    %sub3A_1137 = vector.broadcast %sub3A_1136 : i32 to vector<16xi32>
    %sub3A_1138 = arith.subi %add3A_1135, %sub3A_1137 : vector<16xi32>
    %select_n3A_1139 = arith.select %eq3A_1125, %sub3A_1138, %select_n3A_1117 : vector<16xi1>, vector<16xi32>
    %reduce_sum3A_1140 = arith.constant true
    %reduce_sum3A_1141 = vector.broadcast %reduce_sum3A_1140 : i1 to vector<16xi1>
    %reduce_sum3A_1142 = tpu.scan <sum>, %select_n3A_1130 masked %reduce_sum3A_1141 : vector<16xi32>, vector<16xi1> -> vector<16xi32>
    %reduce_sum3A_1143 = vector.extract %reduce_sum3A_1142[15] : i32 from vector<16xi32>
    %add3A_1144 = arith.addi %add3A_962, %reduce_sum3A_1143 : i32
    %eq3A_1145 = arith.constant 4 : i32
    %eq3A_1146 = vector.broadcast %eq3A_1145 : i32 to vector<16xi32>
    %eq3A_1147 = arith.cmpi eq, %get3A_1054, %eq3A_1146 : vector<16xi32>
    %jit3A_1148 = arith.constant 1 : i32
    %jit3A_1149 = arith.constant 0 : i32
    %broadcast_in_dim3A_1150 = vector.broadcast %jit3A_1148 : i32 to vector<16xi32>
    %broadcast_in_dim3A_1151 = vector.broadcast %jit3A_1149 : i32 to vector<16xi32>
    %select_n3A_1152 = arith.select %eq3A_1147, %broadcast_in_dim3A_1150, %broadcast_in_dim3A_1151 : vector<16xi1>, vector<16xi32>
    %cumsum3A_1153 = arith.constant true
    %cumsum3A_1154 = vector.broadcast %cumsum3A_1153 : i1 to vector<16xi1>
    %cumsum3A_1155 = tpu.scan <sum>, %select_n3A_1152 masked %cumsum3A_1154 : vector<16xi32>, vector<16xi1> -> vector<16xi32>
    %add3A_1156 = vector.broadcast %add3A_984 : i32 to vector<16xi32>
    %add3A_1157 = arith.addi %add3A_1156, %cumsum3A_1155 : vector<16xi32>
    %sub3A_1158 = arith.constant 1 : i32
    %sub3A_1159 = vector.broadcast %sub3A_1158 : i32 to vector<16xi32>
    %sub3A_1160 = arith.subi %add3A_1157, %sub3A_1159 : vector<16xi32>
    %select_n3A_1161 = arith.select %eq3A_1147, %sub3A_1160, %select_n3A_1139 : vector<16xi1>, vector<16xi32>
    %reduce_sum3A_1162 = arith.constant true
    %reduce_sum3A_1163 = vector.broadcast %reduce_sum3A_1162 : i1 to vector<16xi1>
    %reduce_sum3A_1164 = tpu.scan <sum>, %select_n3A_1152 masked %reduce_sum3A_1163 : vector<16xi32>, vector<16xi1> -> vector<16xi32>
    %reduce_sum3A_1165 = vector.extract %reduce_sum3A_1164[15] : i32 from vector<16xi32>
    %add3A_1166 = arith.addi %add3A_984, %reduce_sum3A_1165 : i32
    %eq3A_1167 = arith.constant 5 : i32
    %eq3A_1168 = vector.broadcast %eq3A_1167 : i32 to vector<16xi32>
    %eq3A_1169 = arith.cmpi eq, %get3A_1054, %eq3A_1168 : vector<16xi32>
    %jit3A_1170 = arith.constant 1 : i32
    %jit3A_1171 = arith.constant 0 : i32
    %broadcast_in_dim3A_1172 = vector.broadcast %jit3A_1170 : i32 to vector<16xi32>
    %broadcast_in_dim3A_1173 = vector.broadcast %jit3A_1171 : i32 to vector<16xi32>
    %select_n3A_1174 = arith.select %eq3A_1169, %broadcast_in_dim3A_1172, %broadcast_in_dim3A_1173 : vector<16xi1>, vector<16xi32>
    %cumsum3A_1175 = arith.constant true
    %cumsum3A_1176 = vector.broadcast %cumsum3A_1175 : i1 to vector<16xi1>
    %cumsum3A_1177 = tpu.scan <sum>, %select_n3A_1174 masked %cumsum3A_1176 : vector<16xi32>, vector<16xi1> -> vector<16xi32>
    %add3A_1178 = vector.broadcast %add3A_1006 : i32 to vector<16xi32>
    %add3A_1179 = arith.addi %add3A_1178, %cumsum3A_1177 : vector<16xi32>
    %sub3A_1180 = arith.constant 1 : i32
    %sub3A_1181 = vector.broadcast %sub3A_1180 : i32 to vector<16xi32>
    %sub3A_1182 = arith.subi %add3A_1179, %sub3A_1181 : vector<16xi32>
    %select_n3A_1183 = arith.select %eq3A_1169, %sub3A_1182, %select_n3A_1161 : vector<16xi1>, vector<16xi32>
    %reduce_sum3A_1184 = arith.constant true
    %reduce_sum3A_1185 = vector.broadcast %reduce_sum3A_1184 : i1 to vector<16xi1>
    %reduce_sum3A_1186 = tpu.scan <sum>, %select_n3A_1174 masked %reduce_sum3A_1185 : vector<16xi32>, vector<16xi1> -> vector<16xi32>
    %reduce_sum3A_1187 = vector.extract %reduce_sum3A_1186[15] : i32 from vector<16xi32>
    %add3A_1188 = arith.addi %add3A_1006, %reduce_sum3A_1187 : i32
    %eq3A_1189 = arith.constant 6 : i32
    %eq3A_1190 = vector.broadcast %eq3A_1189 : i32 to vector<16xi32>
    %eq3A_1191 = arith.cmpi eq, %get3A_1054, %eq3A_1190 : vector<16xi32>
    %jit3A_1192 = arith.constant 1 : i32
    %jit3A_1193 = arith.constant 0 : i32
    %broadcast_in_dim3A_1194 = vector.broadcast %jit3A_1192 : i32 to vector<16xi32>
    %broadcast_in_dim3A_1195 = vector.broadcast %jit3A_1193 : i32 to vector<16xi32>
    %select_n3A_1196 = arith.select %eq3A_1191, %broadcast_in_dim3A_1194, %broadcast_in_dim3A_1195 : vector<16xi1>, vector<16xi32>
    %cumsum3A_1197 = arith.constant true
    %cumsum3A_1198 = vector.broadcast %cumsum3A_1197 : i1 to vector<16xi1>
    %cumsum3A_1199 = tpu.scan <sum>, %select_n3A_1196 masked %cumsum3A_1198 : vector<16xi32>, vector<16xi1> -> vector<16xi32>
    %add3A_1200 = vector.broadcast %add3A_1028 : i32 to vector<16xi32>
    %add3A_1201 = arith.addi %add3A_1200, %cumsum3A_1199 : vector<16xi32>
    %sub3A_1202 = arith.constant 1 : i32
    %sub3A_1203 = vector.broadcast %sub3A_1202 : i32 to vector<16xi32>
    %sub3A_1204 = arith.subi %add3A_1201, %sub3A_1203 : vector<16xi32>
    %select_n3A_1205 = arith.select %eq3A_1191, %sub3A_1204, %select_n3A_1183 : vector<16xi1>, vector<16xi32>
    %reduce_sum3A_1206 = arith.constant true
    %reduce_sum3A_1207 = vector.broadcast %reduce_sum3A_1206 : i1 to vector<16xi1>
    %reduce_sum3A_1208 = tpu.scan <sum>, %select_n3A_1196 masked %reduce_sum3A_1207 : vector<16xi32>, vector<16xi1> -> vector<16xi32>
    %reduce_sum3A_1209 = vector.extract %reduce_sum3A_1208[15] : i32 from vector<16xi32>
    %add3A_1210 = arith.addi %add3A_1028, %reduce_sum3A_1209 : i32
    %eq3A_1211 = arith.constant 7 : i32
    %eq3A_1212 = vector.broadcast %eq3A_1211 : i32 to vector<16xi32>
    %eq3A_1213 = arith.cmpi eq, %get3A_1054, %eq3A_1212 : vector<16xi32>
    %jit3A_1214 = arith.constant 1 : i32
    %jit3A_1215 = arith.constant 0 : i32
    %broadcast_in_dim3A_1216 = vector.broadcast %jit3A_1214 : i32 to vector<16xi32>
    %broadcast_in_dim3A_1217 = vector.broadcast %jit3A_1215 : i32 to vector<16xi32>
    %select_n3A_1218 = arith.select %eq3A_1213, %broadcast_in_dim3A_1216, %broadcast_in_dim3A_1217 : vector<16xi1>, vector<16xi32>
    %cumsum3A_1219 = arith.constant true
    %cumsum3A_1220 = vector.broadcast %cumsum3A_1219 : i1 to vector<16xi1>
    %cumsum3A_1221 = tpu.scan <sum>, %select_n3A_1218 masked %cumsum3A_1220 : vector<16xi32>, vector<16xi1> -> vector<16xi32>
    %add3A_1222 = vector.broadcast %add3A_1050 : i32 to vector<16xi32>
    %add3A_1223 = arith.addi %add3A_1222, %cumsum3A_1221 : vector<16xi32>
    %sub3A_1224 = arith.constant 1 : i32
    %sub3A_1225 = vector.broadcast %sub3A_1224 : i32 to vector<16xi32>
    %sub3A_1226 = arith.subi %add3A_1223, %sub3A_1225 : vector<16xi32>
    %select_n3A_1227 = arith.select %eq3A_1213, %sub3A_1226, %select_n3A_1205 : vector<16xi1>, vector<16xi32>
    %reduce_sum3A_1228 = arith.constant true
    %reduce_sum3A_1229 = vector.broadcast %reduce_sum3A_1228 : i1 to vector<16xi1>
    %reduce_sum3A_1230 = tpu.scan <sum>, %select_n3A_1218 masked %reduce_sum3A_1229 : vector<16xi32>, vector<16xi1> -> vector<16xi32>
    %reduce_sum3A_1231 = vector.extract %reduce_sum3A_1230[15] : i32 from vector<16xi32>
    %add3A_1232 = arith.addi %add3A_1050, %reduce_sum3A_1231 : i32
    %swap3A_1233 = arith.constant 48 : index
    %swap3A_1234 = tpu.vector_load %arg12[%swap3A_1233] {strides = array<i32>} : memref<64xi32, #tpu.memory_space<vmem>>, vector<16xi32>,
    tpu.vector_store %arg12[%swap3A_1233], %select_n3A_1227 {strides = array<i32>} : memref<64xi32, #tpu.memory_space<vmem>>, vector<16xi32>,
    "tpu.region"() ({
      %run_scoped3A = tpu.sem_alloc : memref<!tpu.dma_semaphore, #tpu.memory_space<semaphore_mem>>
      %dma_start3A_1239 = tpu.memref_slice %arg5[%mul3A_2] : memref<2048xi32, #tpu.memory_space<hbm>> -> memref<64xi32, #tpu.memory_space<hbm>>
      %dma_start3A_1240 = tpu.memref_slice %arg5[%mul3A_2] : memref<2048xi32, #tpu.memory_space<hbm>> -> memref<64xi32, #tpu.memory_space<hbm>>
      tpu.enqueue_dma source(%arg12 : memref<64xi32, #tpu.memory_space<vmem>>) target(%dma_start3A_1240 : memref<64xi32, #tpu.memory_space<hbm>>) target_semaphore(%run_scoped3A : memref<!tpu.dma_semaphore, #tpu.memory_space<semaphore_mem>>)
      %dma_wait3A_1241 = tpu.memref_slice %arg5[%mul3A_2] : memref<2048xi32, #tpu.memory_space<hbm>> -> memref<64xi32, #tpu.memory_space<hbm>>
      %dma_wait3A_1242 = tpu.memref_slice %arg5[%mul3A_2] : memref<2048xi32, #tpu.memory_space<hbm>> -> memref<64xi32, #tpu.memory_space<hbm>>
      tpu.wait_dma2 semaphore(%run_scoped3A : memref<!tpu.dma_semaphore, #tpu.memory_space<semaphore_mem>>) src(%arg12 : memref<64xi32, #tpu.memory_space<vmem>>) dst(%dma_wait3A_1242 : memref<64xi32, #tpu.memory_space<hbm>>)
      tpu.yield
    }) : () -> ()
    "tpu.region"() ({
      %run_scoped3A = tpu.sem_alloc : memref<!tpu.dma_semaphore, #tpu.memory_space<semaphore_mem>>
      %dma_start3A_1239 = arith.constant 0 : i32
      %dma_start3A_1240 = tpu.memref_slice %arg3[%mul3A_2, %dma_start3A_1239] : memref<2048x1024xf32, #tpu.memory_space<hbm>> -> memref<64x1024xf32, #tpu.memory_space<hbm>>
      %dma_start3A_1241 = arith.constant 0 : i32
      %dma_start3A_1242 = tpu.memref_slice %arg3[%mul3A_2, %dma_start3A_1241] : memref<2048x1024xf32, #tpu.memory_space<hbm>> -> memref<64x1024xf32, #tpu.memory_space<hbm>>
      tpu.enqueue_dma source(%dma_start3A_1242 : memref<64x1024xf32, #tpu.memory_space<hbm>>) target(%arg13 : memref<64x1024xf32, #tpu.memory_space<vmem>>) target_semaphore(%run_scoped3A : memref<!tpu.dma_semaphore, #tpu.memory_space<semaphore_mem>>)
      %dma_wait3A_1243 = arith.constant 0 : i32
      %dma_wait3A_1244 = tpu.memref_slice %arg3[%mul3A_2, %dma_wait3A_1243] : memref<2048x1024xf32, #tpu.memory_space<hbm>> -> memref<64x1024xf32, #tpu.memory_space<hbm>>
      %dma_wait3A_1245 = arith.constant 0 : i32
      %dma_wait3A_1246 = tpu.memref_slice %arg3[%mul3A_2, %dma_wait3A_1245] : memref<2048x1024xf32, #tpu.memory_space<hbm>> -> memref<64x1024xf32, #tpu.memory_space<hbm>>
      tpu.wait_dma2 semaphore(%run_scoped3A : memref<!tpu.dma_semaphore, #tpu.memory_space<semaphore_mem>>) src(%dma_wait3A_1246 : memref<64x1024xf32, #tpu.memory_space<hbm>>) dst(%arg13 : memref<64x1024xf32, #tpu.memory_space<vmem>>)
      tpu.yield
    }) : () -> ()
    %dma_start3A = arith.constant 0 : i32
    %dma_start3A_1235 = arith.constant 0 : i32
    %dma_start3A_1236 = tpu.memref_slice %arg6[%dma_start3A, %dma_start3A_1235] : memref<4096x1024xf32, #tpu.memory_space<hbm>> -> memref<4096x1024xf32, #tpu.memory_space<hbm>>
    tpu.enqueue_indirect_dma source(%arg13 : memref<64x1024xf32, #tpu.memory_space<vmem>>) target(%dma_start3A_1236 : memref<4096x1024xf32, #tpu.memory_space<hbm>>) offsets(%arg12 : memref<64xi32, #tpu.memory_space<vmem>>) semaphore(%arg15 : memref<!tpu.dma_semaphore, #tpu.memory_space<semaphore_mem>>)
    %dma_wait3A = arith.constant 0 : i32
    %dma_wait3A_1237 = arith.constant 0 : i32
    %dma_wait3A_1238 = tpu.memref_slice %arg6[%dma_wait3A, %dma_wait3A_1237] : memref<4096x1024xf32, #tpu.memory_space<hbm>> -> memref<4096x1024xf32, #tpu.memory_space<hbm>>
    tpu.wait_indirect_dma semaphore(%arg15 : memref<!tpu.dma_semaphore, #tpu.memory_space<semaphore_mem>>) src(%arg13 : memref<64x1024xf32, #tpu.memory_space<vmem>>) dst(%dma_wait3A_1238 : memref<4096x1024xf32, #tpu.memory_space<hbm>>)
    return
  }
}

#map = affine_map<(d0, d1) -> (0)>
#map1 = affine_map<(d0, d1) -> (0, 0)>
module attributes {stable_mosaic.version = 14 : i64} {
  func.func @_return_body(%arg0: i32, %arg1: i32, %arg2: memref<2048xi32, #tpu.memory_space<hbm>>, %arg3: memref<4096x1024xf32, #tpu.memory_space<hbm>>, %arg4: memref<2048x1024xf32, #tpu.memory_space<hbm>>, %arg5: memref<64xi32, #tpu.memory_space<vmem>>, %arg6: memref<64x1024xf32, #tpu.memory_space<vmem>>, %arg7: memref<!tpu.dma_semaphore, #tpu.memory_space<semaphore_mem>>) attributes {dimension_semantics = [#tpu.dimension_semantics<core_parallel>, #tpu.dimension_semantics<subcore_parallel>], iteration_bounds = array<i64: 2, 16>, scalar_prefetch = 0 : i64, scratch_operands = 3 : i64, tpu.core_type = #tpu.core_type<sc_vector_subcore>, window_params = [{transform_indices = #map}, {transform_indices = #map1}, {transform_indices = #map1}]} {
    %mul3A = arith.constant 2 : i32
    %mul3A_0 = arith.muli %arg1, %mul3A : i32
    %add3A = arith.addi %mul3A_0, %arg0 : i32
    %mul3A_1 = arith.constant 64 : i32
    %mul3A_2 = arith.muli %add3A, %mul3A_1 : i32
    "tpu.region"() ({
      %run_scoped3A = tpu.sem_alloc : memref<!tpu.dma_semaphore, #tpu.memory_space<semaphore_mem>>
      %dma_start3A_7 = tpu.memref_slice %arg2[%mul3A_2] : memref<2048xi32, #tpu.memory_space<hbm>> -> memref<64xi32, #tpu.memory_space<hbm>>
      %dma_start3A_8 = tpu.memref_slice %arg2[%mul3A_2] : memref<2048xi32, #tpu.memory_space<hbm>> -> memref<64xi32, #tpu.memory_space<hbm>>
      tpu.enqueue_dma source(%dma_start3A_8 : memref<64xi32, #tpu.memory_space<hbm>>) target(%arg5 : memref<64xi32, #tpu.memory_space<vmem>>) target_semaphore(%run_scoped3A : memref<!tpu.dma_semaphore, #tpu.memory_space<semaphore_mem>>)
      %dma_wait3A_9 = tpu.memref_slice %arg2[%mul3A_2] : memref<2048xi32, #tpu.memory_space<hbm>> -> memref<64xi32, #tpu.memory_space<hbm>>
      %dma_wait3A_10 = tpu.memref_slice %arg2[%mul3A_2] : memref<2048xi32, #tpu.memory_space<hbm>> -> memref<64xi32, #tpu.memory_space<hbm>>
      tpu.wait_dma2 semaphore(%run_scoped3A : memref<!tpu.dma_semaphore, #tpu.memory_space<semaphore_mem>>) src(%dma_wait3A_10 : memref<64xi32, #tpu.memory_space<hbm>>) dst(%arg5 : memref<64xi32, #tpu.memory_space<vmem>>)
      tpu.yield
    }) : () -> ()
    %dma_start3A = arith.constant 0 : i32
    %dma_start3A_3 = arith.constant 0 : i32
    %dma_start3A_4 = tpu.memref_slice %arg3[%dma_start3A, %dma_start3A_3] : memref<4096x1024xf32, #tpu.memory_space<hbm>> -> memref<4096x1024xf32, #tpu.memory_space<hbm>>
    tpu.enqueue_indirect_dma source(%dma_start3A_4 : memref<4096x1024xf32, #tpu.memory_space<hbm>>) target(%arg6 : memref<64x1024xf32, #tpu.memory_space<vmem>>) offsets(%arg5 : memref<64xi32, #tpu.memory_space<vmem>>) semaphore(%arg7 : memref<!tpu.dma_semaphore, #tpu.memory_space<semaphore_mem>>)
    %dma_wait3A = arith.constant 0 : i32
    %dma_wait3A_5 = arith.constant 0 : i32
    %dma_wait3A_6 = tpu.memref_slice %arg3[%dma_wait3A, %dma_wait3A_5] : memref<4096x1024xf32, #tpu.memory_space<hbm>> -> memref<4096x1024xf32, #tpu.memory_space<hbm>>
    tpu.wait_indirect_dma semaphore(%arg7 : memref<!tpu.dma_semaphore, #tpu.memory_space<semaphore_mem>>) src(%dma_wait3A_6 : memref<4096x1024xf32, #tpu.memory_space<hbm>>) dst(%arg6 : memref<64x1024xf32, #tpu.memory_space<vmem>>)
    "tpu.region"() ({
      %run_scoped3A = tpu.sem_alloc : memref<!tpu.dma_semaphore, #tpu.memory_space<semaphore_mem>>
      %dma_start3A_7 = arith.constant 0 : i32
      %dma_start3A_8 = tpu.memref_slice %arg4[%mul3A_2, %dma_start3A_7] : memref<2048x1024xf32, #tpu.memory_space<hbm>> -> memref<64x1024xf32, #tpu.memory_space<hbm>>
      %dma_start3A_9 = arith.constant 0 : i32
      %dma_start3A_10 = tpu.memref_slice %arg4[%mul3A_2, %dma_start3A_9] : memref<2048x1024xf32, #tpu.memory_space<hbm>> -> memref<64x1024xf32, #tpu.memory_space<hbm>>
      tpu.enqueue_dma source(%arg6 : memref<64x1024xf32, #tpu.memory_space<vmem>>) target(%dma_start3A_10 : memref<64x1024xf32, #tpu.memory_space<hbm>>) target_semaphore(%run_scoped3A : memref<!tpu.dma_semaphore, #tpu.memory_space<semaphore_mem>>)
      %dma_wait3A_11 = arith.constant 0 : i32
      %dma_wait3A_12 = tpu.memref_slice %arg4[%mul3A_2, %dma_wait3A_11] : memref<2048x1024xf32, #tpu.memory_space<hbm>> -> memref<64x1024xf32, #tpu.memory_space<hbm>>
      %dma_wait3A_13 = arith.constant 0 : i32
      %dma_wait3A_14 = tpu.memref_slice %arg4[%mul3A_2, %dma_wait3A_13] : memref<2048x1024xf32, #tpu.memory_space<hbm>> -> memref<64x1024xf32, #tpu.memory_space<hbm>>
      tpu.wait_dma2 semaphore(%run_scoped3A : memref<!tpu.dma_semaphore, #tpu.memory_space<semaphore_mem>>) src(%arg6 : memref<64x1024xf32, #tpu.memory_space<vmem>>) dst(%dma_wait3A_14 : memref<64x1024xf32, #tpu.memory_space<hbm>>)
      tpu.yield
    }) : () -> ()
    return
  }
}

module attributes {stable_mosaic.version = 14 : i64} {
  func.func @_ffn_body(%arg0: i32, %arg1: memref<16xi32, #tpu.memory_space<smem>>, %arg2: memref<16xi32, #tpu.memory_space<smem>>, %arg3: memref<16xi32, #tpu.memory_space<smem>>, %arg4: memref<256x1024xf32, #tpu.memory_space<vmem>>, %arg5: memref<1x1x1024xf32, #tpu.memory_space<vmem>>, %arg6: memref<1x1x1024xf32, #tpu.memory_space<vmem>>, %arg7: memref<1x1x1024xf32, #tpu.memory_space<vmem>>, %arg8: memref<1x4096x1024xf32, #tpu.memory_space<vmem>>, %arg9: memref<1x1x4096xf32, #tpu.memory_space<vmem>>, %arg10: memref<1x512x4096xf32, #tpu.memory_space<vmem>>, %arg11: memref<1x512x4096xf32, #tpu.memory_space<vmem>>, %arg12: memref<1x1x1024xf32, #tpu.memory_space<vmem>>, %arg13: memref<256x1024xf32, #tpu.memory_space<vmem>>) attributes {dimension_semantics = [#tpu.dimension_semantics<arbitrary>], iteration_bounds = array<i64: 15>, scalar_prefetch = 3 : i64, scratch_operands = 0 : i64, tpu.core_type = #tpu.core_type<tc>, window_params = [{transform_indices = @transform_0, window_bounds = array<i64: 256, 1024>}, {transform_indices = @transform_1, window_bounds = array<i64: 1, 1, 1024>}, {transform_indices = @transform_2, window_bounds = array<i64: 1, 1, 1024>}, {transform_indices = @transform_3, window_bounds = array<i64: 1, 1, 1024>}, {transform_indices = @transform_4, window_bounds = array<i64: 1, 4096, 1024>}, {transform_indices = @transform_5, window_bounds = array<i64: 1, 1, 4096>}, {transform_indices = @transform_6, window_bounds = array<i64: 1, 512, 4096>}, {pipeline_mode = #tpu.pipeline_mode<synchronous>, transform_indices = @transform_7, window_bounds = array<i64: 1, 512, 4096>}, {transform_indices = @transform_8, window_bounds = array<i64: 1, 1, 1024>}, {transform_indices = @transform_9, window_bounds = array<i64: 256, 1024>}]} {
    %get3A = arith.index_cast %arg0 : i32 to index
    %get3A_0 = memref.load %arg3[%get3A] : memref<16xi32, #tpu.memory_space<smem>>
    %eq3A = arith.constant 1 : i32
    %eq3A_1 = arith.cmpi eq, %get3A_0, %eq3A : i32
    %convert_element_type3A = arith.extui %eq3A_1 : i1 to i32
    %cond3A = arith.constant 0 : i32
    %cond3A_2 = arith.cmpi ne, %convert_element_type3A, %cond3A : i32
    scf.if %cond3A_2 {
      %get3A_3 = arith.constant 0 : index
      %get3A_4 = arith.constant 0 : index
      %get3A_5 = vector.load %arg4[%get3A_3, %get3A_4] : memref<256x1024xf32, #tpu.memory_space<vmem>>, vector<256x1024xf32>
      %reduce_sum3A = arith.constant dense<0.000000e+00> : vector<256xf32>
      %reduce_sum3A_6 = vector.multi_reduction <add>, %get3A_5, %reduce_sum3A [1] : vector<256x1024xf32> to vector<256xf32>
      %broadcast_in_dim3A = vector.shape_cast %reduce_sum3A_6 : vector<256xf32> to vector<256x1xf32>
      %div3A = arith.constant 1.024000e+03 : f32
      %div3A_7 = vector.broadcast %div3A : f32 to vector<256x1xf32>
      %div3A_8 = arith.divf %broadcast_in_dim3A, %div3A_7 : vector<256x1xf32>
      %sub3A = vector.broadcast %div3A_8 : vector<256x1xf32> to vector<256x1024xf32>
      %sub3A_9 = arith.subf %get3A_5, %sub3A : vector<256x1024xf32>
      %mul3A = arith.mulf %sub3A_9, %sub3A_9 : vector<256x1024xf32>
      %reduce_sum3A_10 = arith.constant dense<0.000000e+00> : vector<256xf32>
      %reduce_sum3A_11 = vector.multi_reduction <add>, %mul3A, %reduce_sum3A_10 [1] : vector<256x1024xf32> to vector<256xf32>
      %broadcast_in_dim3A_12 = vector.shape_cast %reduce_sum3A_11 : vector<256xf32> to vector<256x1xf32>
      %div3A_13 = arith.constant 1.024000e+03 : f32
      %div3A_14 = vector.broadcast %div3A_13 : f32 to vector<256x1xf32>
      %div3A_15 = arith.divf %broadcast_in_dim3A_12, %div3A_14 : vector<256x1xf32>
      %add3A = arith.constant 9.99999974E-6 : f32
      %add3A_16 = vector.broadcast %add3A : f32 to vector<256x1xf32>
      %add3A_17 = arith.addf %div3A_15, %add3A_16 : vector<256x1xf32>
      %rsqrt3A = math.rsqrt %add3A_17 : vector<256x1xf32>
      %mul3A_18 = vector.broadcast %rsqrt3A : vector<256x1xf32> to vector<256x1024xf32>
      %mul3A_19 = arith.mulf %sub3A_9, %mul3A_18 : vector<256x1024xf32>
      %get3A_20 = arith.constant 0 : index
      %get3A_21 = arith.constant 0 : index
      %get3A_22 = arith.constant 0 : index
      %get3A_23 = vector.load %arg6[%get3A_20, %get3A_21, %get3A_22] : memref<1x1x1024xf32, #tpu.memory_space<vmem>>, vector<1x1x1024xf32>
      %get3A_24 = vector.shape_cast %get3A_23 : vector<1x1x1024xf32> to vector<1x1024xf32>
      %mul3A_25 = vector.broadcast %get3A_24 : vector<1x1024xf32> to vector<256x1024xf32>
      %mul3A_26 = arith.mulf %mul3A_19, %mul3A_25 : vector<256x1024xf32>
      %get3A_27 = arith.constant 0 : index
      %get3A_28 = arith.constant 0 : index
      %get3A_29 = arith.constant 0 : index
      %get3A_30 = vector.load %arg7[%get3A_27, %get3A_28, %get3A_29] : memref<1x1x1024xf32, #tpu.memory_space<vmem>>, vector<1x1x1024xf32>
      %get3A_31 = vector.shape_cast %get3A_30 : vector<1x1x1024xf32> to vector<1x1024xf32>
      %add3A_32 = vector.broadcast %get3A_31 : vector<1x1024xf32> to vector<256x1024xf32>
      %add3A_33 = arith.addf %mul3A_26, %add3A_32 : vector<256x1024xf32>
      %get3A_34 = arith.constant 0 : index
      %get3A_35 = arith.constant 0 : index
      %get3A_36 = arith.constant 0 : index
      %get3A_37 = vector.load %arg12[%get3A_34, %get3A_35, %get3A_36] : memref<1x1x1024xf32, #tpu.memory_space<vmem>>, vector<1x1x512xf32>
      %get3A_38 = vector.shape_cast %get3A_37 : vector<1x1x512xf32> to vector<1x512xf32>
      %get3A_39 = arith.constant 0 : index
      %get3A_40 = arith.constant 0 : index
      %get3A_41 = arith.constant 512 : index
      %get3A_42 = vector.load %arg12[%get3A_39, %get3A_40, %get3A_41] : memref<1x1x1024xf32, #tpu.memory_space<vmem>>, vector<1x1x512xf32>
      %get3A_43 = vector.shape_cast %get3A_42 : vector<1x1x512xf32> to vector<1x512xf32>
      %get3A_44 = arith.constant 0 : index
      %get3A_45 = arith.constant 0 : index
      %get3A_46 = arith.constant 0 : index
      %get3A_47 = vector.load %arg8[%get3A_44, %get3A_45, %get3A_46] : memref<1x4096x1024xf32, #tpu.memory_space<vmem>>, vector<1x1024x1024xf32>
      %get3A_48 = vector.shape_cast %get3A_47 : vector<1x1024x1024xf32> to vector<1024x1024xf32>
      %dot_general3A = arith.constant dense<0.000000e+00> : vector<256x1024xf32>
      %dot_general3A_49 = tpu.matmul %add3A_33, %get3A_48, %dot_general3A {dimension_numbers = #tpu.dot_dimension_numbers<[1], [1], [0], [0], [0, 0, 1, 0], [], []>, transpose_lhs_hint = false} : vector<256x1024xf32>, vector<1024x1024xf32>, vector<256x1024xf32> -> vector<256x1024xf32>
      %get3A_50 = arith.constant 0 : index
      %get3A_51 = arith.constant 0 : index
      %get3A_52 = arith.constant 0 : index
      %get3A_53 = vector.load %arg9[%get3A_50, %get3A_51, %get3A_52] : memref<1x1x4096xf32, #tpu.memory_space<vmem>>, vector<1x1x1024xf32>
      %get3A_54 = vector.shape_cast %get3A_53 : vector<1x1x1024xf32> to vector<1x1024xf32>
      %add3A_55 = vector.broadcast %get3A_54 : vector<1x1024xf32> to vector<256x1024xf32>
      %add3A_56 = arith.addf %dot_general3A_49, %add3A_55 : vector<256x1024xf32>
      %max3A = arith.constant 0.000000e+00 : f32
      %max3A_57 = vector.broadcast %max3A : f32 to vector<256x1024xf32>
      %max3A_58 = arith.maximumf %add3A_56, %max3A_57 : vector<256x1024xf32>
      %get3A_59 = arith.constant 0 : index
      %get3A_60 = arith.constant 0 : index
      %get3A_61 = arith.constant 0 : index
      %get3A_62 = vector.load %arg10[%get3A_59, %get3A_60, %get3A_61] : memref<1x512x4096xf32, #tpu.memory_space<vmem>>, vector<1x512x1024xf32>
      %get3A_63 = vector.shape_cast %get3A_62 : vector<1x512x1024xf32> to vector<512x1024xf32>
      %dot_general3A_64 = arith.constant dense<0.000000e+00> : vector<256x512xf32>
      %dot_general3A_65 = tpu.matmul %max3A_58, %get3A_63, %dot_general3A_64 {dimension_numbers = #tpu.dot_dimension_numbers<[1], [1], [0], [0], [0, 0, 1, 0], [], []>, transpose_lhs_hint = false} : vector<256x1024xf32>, vector<512x1024xf32>, vector<256x512xf32> -> vector<256x512xf32>
      %add3A_66 = vector.broadcast %get3A_38 : vector<1x512xf32> to vector<256x512xf32>
      %add3A_67 = arith.addf %add3A_66, %dot_general3A_65 : vector<256x512xf32>
      %get3A_68 = arith.constant 0 : index
      %get3A_69 = arith.constant 0 : index
      %get3A_70 = arith.constant 0 : index
      %get3A_71 = vector.load %arg11[%get3A_68, %get3A_69, %get3A_70] : memref<1x512x4096xf32, #tpu.memory_space<vmem>>, vector<1x512x1024xf32>
      %get3A_72 = vector.shape_cast %get3A_71 : vector<1x512x1024xf32> to vector<512x1024xf32>
      %dot_general3A_73 = arith.constant dense<0.000000e+00> : vector<256x512xf32>
      %dot_general3A_74 = tpu.matmul %max3A_58, %get3A_72, %dot_general3A_73 {dimension_numbers = #tpu.dot_dimension_numbers<[1], [1], [0], [0], [0, 0, 1, 0], [], []>, transpose_lhs_hint = false} : vector<256x1024xf32>, vector<512x1024xf32>, vector<256x512xf32> -> vector<256x512xf32>
      %add3A_75 = vector.broadcast %get3A_43 : vector<1x512xf32> to vector<256x512xf32>
      %add3A_76 = arith.addf %add3A_75, %dot_general3A_74 : vector<256x512xf32>
      %get3A_77 = arith.constant 0 : index
      %get3A_78 = arith.constant 1024 : index
      %get3A_79 = arith.constant 0 : index
      %get3A_80 = vector.load %arg8[%get3A_77, %get3A_78, %get3A_79] : memref<1x4096x1024xf32, #tpu.memory_space<vmem>>, vector<1x1024x1024xf32>
      %get3A_81 = vector.shape_cast %get3A_80 : vector<1x1024x1024xf32> to vector<1024x1024xf32>
      %dot_general3A_82 = arith.constant dense<0.000000e+00> : vector<256x1024xf32>
      %dot_general3A_83 = tpu.matmul %add3A_33, %get3A_81, %dot_general3A_82 {dimension_numbers = #tpu.dot_dimension_numbers<[1], [1], [0], [0], [0, 0, 1, 0], [], []>, transpose_lhs_hint = false} : vector<256x1024xf32>, vector<1024x1024xf32>, vector<256x1024xf32> -> vector<256x1024xf32>
      %get3A_84 = arith.constant 0 : index
      %get3A_85 = arith.constant 0 : index
      %get3A_86 = arith.constant 1024 : index
      %get3A_87 = vector.load %arg9[%get3A_84, %get3A_85, %get3A_86] : memref<1x1x4096xf32, #tpu.memory_space<vmem>>, vector<1x1x1024xf32>
      %get3A_88 = vector.shape_cast %get3A_87 : vector<1x1x1024xf32> to vector<1x1024xf32>
      %add3A_89 = vector.broadcast %get3A_88 : vector<1x1024xf32> to vector<256x1024xf32>
      %add3A_90 = arith.addf %dot_general3A_83, %add3A_89 : vector<256x1024xf32>
      %max3A_91 = arith.constant 0.000000e+00 : f32
      %max3A_92 = vector.broadcast %max3A_91 : f32 to vector<256x1024xf32>
      %max3A_93 = arith.maximumf %add3A_90, %max3A_92 : vector<256x1024xf32>
      %get3A_94 = arith.constant 0 : index
      %get3A_95 = arith.constant 0 : index
      %get3A_96 = arith.constant 1024 : index
      %get3A_97 = vector.load %arg10[%get3A_94, %get3A_95, %get3A_96] : memref<1x512x4096xf32, #tpu.memory_space<vmem>>, vector<1x512x1024xf32>
      %get3A_98 = vector.shape_cast %get3A_97 : vector<1x512x1024xf32> to vector<512x1024xf32>
      %dot_general3A_99 = arith.constant dense<0.000000e+00> : vector<256x512xf32>
      %dot_general3A_100 = tpu.matmul %max3A_93, %get3A_98, %dot_general3A_99 {dimension_numbers = #tpu.dot_dimension_numbers<[1], [1], [0], [0], [0, 0, 1, 0], [], []>, transpose_lhs_hint = false} : vector<256x1024xf32>, vector<512x1024xf32>, vector<256x512xf32> -> vector<256x512xf32>
      %add3A_101 = arith.addf %add3A_67, %dot_general3A_100 : vector<256x512xf32>
      %get3A_102 = arith.constant 0 : index
      %get3A_103 = arith.constant 0 : index
      %get3A_104 = arith.constant 1024 : index
      %get3A_105 = vector.load %arg11[%get3A_102, %get3A_103, %get3A_104] : memref<1x512x4096xf32, #tpu.memory_space<vmem>>, vector<1x512x1024xf32>
      %get3A_106 = vector.shape_cast %get3A_105 : vector<1x512x1024xf32> to vector<512x1024xf32>
      %dot_general3A_107 = arith.constant dense<0.000000e+00> : vector<256x512xf32>
      %dot_general3A_108 = tpu.matmul %max3A_93, %get3A_106, %dot_general3A_107 {dimension_numbers = #tpu.dot_dimension_numbers<[1], [1], [0], [0], [0, 0, 1, 0], [], []>, transpose_lhs_hint = false} : vector<256x1024xf32>, vector<512x1024xf32>, vector<256x512xf32> -> vector<256x512xf32>
      %add3A_109 = arith.addf %add3A_76, %dot_general3A_108 : vector<256x512xf32>
      %get3A_110 = arith.constant 0 : index
      %get3A_111 = arith.constant 2048 : index
      %get3A_112 = arith.constant 0 : index
      %get3A_113 = vector.load %arg8[%get3A_110, %get3A_111, %get3A_112] : memref<1x4096x1024xf32, #tpu.memory_space<vmem>>, vector<1x1024x1024xf32>
      %get3A_114 = vector.shape_cast %get3A_113 : vector<1x1024x1024xf32> to vector<1024x1024xf32>
      %dot_general3A_115 = arith.constant dense<0.000000e+00> : vector<256x1024xf32>
      %dot_general3A_116 = tpu.matmul %add3A_33, %get3A_114, %dot_general3A_115 {dimension_numbers = #tpu.dot_dimension_numbers<[1], [1], [0], [0], [0, 0, 1, 0], [], []>, transpose_lhs_hint = false} : vector<256x1024xf32>, vector<1024x1024xf32>, vector<256x1024xf32> -> vector<256x1024xf32>
      %get3A_117 = arith.constant 0 : index
      %get3A_118 = arith.constant 0 : index
      %get3A_119 = arith.constant 2048 : index
      %get3A_120 = vector.load %arg9[%get3A_117, %get3A_118, %get3A_119] : memref<1x1x4096xf32, #tpu.memory_space<vmem>>, vector<1x1x1024xf32>
      %get3A_121 = vector.shape_cast %get3A_120 : vector<1x1x1024xf32> to vector<1x1024xf32>
      %add3A_122 = vector.broadcast %get3A_121 : vector<1x1024xf32> to vector<256x1024xf32>
      %add3A_123 = arith.addf %dot_general3A_116, %add3A_122 : vector<256x1024xf32>
      %max3A_124 = arith.constant 0.000000e+00 : f32
      %max3A_125 = vector.broadcast %max3A_124 : f32 to vector<256x1024xf32>
      %max3A_126 = arith.maximumf %add3A_123, %max3A_125 : vector<256x1024xf32>
      %get3A_127 = arith.constant 0 : index
      %get3A_128 = arith.constant 0 : index
      %get3A_129 = arith.constant 2048 : index
      %get3A_130 = vector.load %arg10[%get3A_127, %get3A_128, %get3A_129] : memref<1x512x4096xf32, #tpu.memory_space<vmem>>, vector<1x512x1024xf32>
      %get3A_131 = vector.shape_cast %get3A_130 : vector<1x512x1024xf32> to vector<512x1024xf32>
      %dot_general3A_132 = arith.constant dense<0.000000e+00> : vector<256x512xf32>
      %dot_general3A_133 = tpu.matmul %max3A_126, %get3A_131, %dot_general3A_132 {dimension_numbers = #tpu.dot_dimension_numbers<[1], [1], [0], [0], [0, 0, 1, 0], [], []>, transpose_lhs_hint = false} : vector<256x1024xf32>, vector<512x1024xf32>, vector<256x512xf32> -> vector<256x512xf32>
      %add3A_134 = arith.addf %add3A_101, %dot_general3A_133 : vector<256x512xf32>
      %get3A_135 = arith.constant 0 : index
      %get3A_136 = arith.constant 0 : index
      %get3A_137 = arith.constant 2048 : index
      %get3A_138 = vector.load %arg11[%get3A_135, %get3A_136, %get3A_137] : memref<1x512x4096xf32, #tpu.memory_space<vmem>>, vector<1x512x1024xf32>
      %get3A_139 = vector.shape_cast %get3A_138 : vector<1x512x1024xf32> to vector<512x1024xf32>
      %dot_general3A_140 = arith.constant dense<0.000000e+00> : vector<256x512xf32>
      %dot_general3A_141 = tpu.matmul %max3A_126, %get3A_139, %dot_general3A_140 {dimension_numbers = #tpu.dot_dimension_numbers<[1], [1], [0], [0], [0, 0, 1, 0], [], []>, transpose_lhs_hint = false} : vector<256x1024xf32>, vector<512x1024xf32>, vector<256x512xf32> -> vector<256x512xf32>
      %add3A_142 = arith.addf %add3A_109, %dot_general3A_141 : vector<256x512xf32>
      %get3A_143 = arith.constant 0 : index
      %get3A_144 = arith.constant 3072 : index
      %get3A_145 = arith.constant 0 : index
      %get3A_146 = vector.load %arg8[%get3A_143, %get3A_144, %get3A_145] : memref<1x4096x1024xf32, #tpu.memory_space<vmem>>, vector<1x1024x1024xf32>
      %get3A_147 = vector.shape_cast %get3A_146 : vector<1x1024x1024xf32> to vector<1024x1024xf32>
      %dot_general3A_148 = arith.constant dense<0.000000e+00> : vector<256x1024xf32>
      %dot_general3A_149 = tpu.matmul %add3A_33, %get3A_147, %dot_general3A_148 {dimension_numbers = #tpu.dot_dimension_numbers<[1], [1], [0], [0], [0, 0, 1, 0], [], []>, transpose_lhs_hint = false} : vector<256x1024xf32>, vector<1024x1024xf32>, vector<256x1024xf32> -> vector<256x1024xf32>
      %get3A_150 = arith.constant 0 : index
      %get3A_151 = arith.constant 0 : index
      %get3A_152 = arith.constant 3072 : index
      %get3A_153 = vector.load %arg9[%get3A_150, %get3A_151, %get3A_152] : memref<1x1x4096xf32, #tpu.memory_space<vmem>>, vector<1x1x1024xf32>
      %get3A_154 = vector.shape_cast %get3A_153 : vector<1x1x1024xf32> to vector<1x1024xf32>
      %add3A_155 = vector.broadcast %get3A_154 : vector<1x1024xf32> to vector<256x1024xf32>
      %add3A_156 = arith.addf %dot_general3A_149, %add3A_155 : vector<256x1024xf32>
      %max3A_157 = arith.constant 0.000000e+00 : f32
      %max3A_158 = vector.broadcast %max3A_157 : f32 to vector<256x1024xf32>
      %max3A_159 = arith.maximumf %add3A_156, %max3A_158 : vector<256x1024xf32>
      %get3A_160 = arith.constant 0 : index
      %get3A_161 = arith.constant 0 : index
      %get3A_162 = arith.constant 3072 : index
      %get3A_163 = vector.load %arg10[%get3A_160, %get3A_161, %get3A_162] : memref<1x512x4096xf32, #tpu.memory_space<vmem>>, vector<1x512x1024xf32>
      %get3A_164 = vector.shape_cast %get3A_163 : vector<1x512x1024xf32> to vector<512x1024xf32>
      %dot_general3A_165 = arith.constant dense<0.000000e+00> : vector<256x512xf32>
      %dot_general3A_166 = tpu.matmul %max3A_159, %get3A_164, %dot_general3A_165 {dimension_numbers = #tpu.dot_dimension_numbers<[1], [1], [0], [0], [0, 0, 1, 0], [], []>, transpose_lhs_hint = false} : vector<256x1024xf32>, vector<512x1024xf32>, vector<256x512xf32> -> vector<256x512xf32>
      %add3A_167 = arith.addf %add3A_134, %dot_general3A_166 : vector<256x512xf32>
      %get3A_168 = arith.constant 0 : index
      %get3A_169 = arith.constant 0 : index
      %get3A_170 = arith.constant 3072 : index
      %get3A_171 = vector.load %arg11[%get3A_168, %get3A_169, %get3A_170] : memref<1x512x4096xf32, #tpu.memory_space<vmem>>, vector<1x512x1024xf32>
      %get3A_172 = vector.shape_cast %get3A_171 : vector<1x512x1024xf32> to vector<512x1024xf32>
      %dot_general3A_173 = arith.constant dense<0.000000e+00> : vector<256x512xf32>
      %dot_general3A_174 = tpu.matmul %max3A_159, %get3A_172, %dot_general3A_173 {dimension_numbers = #tpu.dot_dimension_numbers<[1], [1], [0], [0], [0, 0, 1, 0], [], []>, transpose_lhs_hint = false} : vector<256x1024xf32>, vector<512x1024xf32>, vector<256x512xf32> -> vector<256x512xf32>
      %add3A_175 = arith.addf %add3A_142, %dot_general3A_174 : vector<256x512xf32>
      %concatenate3A = tpu.concatenate %add3A_167, %add3A_175 in 1 : vector<256x512xf32>, vector<256x512xf32> -> vector<256x1024xf32>
      %get3A_176 = arith.constant 0 : index
      %get3A_177 = arith.constant 0 : index
      %get3A_178 = arith.constant 0 : index
      %get3A_179 = vector.load %arg5[%get3A_176, %get3A_177, %get3A_178] : memref<1x1x1024xf32, #tpu.memory_space<vmem>>, vector<1x1x1024xf32>
      %get3A_180 = vector.shape_cast %get3A_179 : vector<1x1x1024xf32> to vector<1x1024xf32>
      %mul3A_181 = vector.broadcast %get3A_180 : vector<1x1024xf32> to vector<256x1024xf32>
      %mul3A_182 = arith.mulf %get3A_5, %mul3A_181 : vector<256x1024xf32>
      %reduce_sum3A_183 = arith.constant dense<0.000000e+00> : vector<256xf32>
      %reduce_sum3A_184 = vector.multi_reduction <add>, %mul3A_182, %reduce_sum3A_183 [1] : vector<256x1024xf32> to vector<256xf32>
      %broadcast_in_dim3A_185 = vector.shape_cast %reduce_sum3A_184 : vector<256xf32> to vector<256x1xf32>
      %logistic3A = arith.negf %broadcast_in_dim3A_185 : vector<256x1xf32>
      %logistic3A_186 = math.exp %logistic3A : vector<256x1xf32>
      %logistic3A_187 = arith.constant 1.000000e+00 : f32
      %logistic3A_188 = vector.broadcast %logistic3A_187 : f32 to vector<256x1xf32>
      %logistic3A_189 = arith.addf %logistic3A_188, %logistic3A_186 : vector<256x1xf32>
      %logistic3A_190 = arith.divf %logistic3A_188, %logistic3A_189 : vector<256x1xf32>
      %mul3A_191 = vector.broadcast %logistic3A_190 : vector<256x1xf32> to vector<256x1024xf32>
      %mul3A_192 = arith.mulf %mul3A_191, %concatenate3A : vector<256x1024xf32>
      %add3A_193 = arith.addf %get3A_5, %mul3A_192 : vector<256x1024xf32>
      %swap3A = arith.constant 0 : index
      %swap3A_194 = arith.constant 0 : index
      %swap3A_195 = vector.load %arg13[%swap3A, %swap3A_194] : memref<256x1024xf32, #tpu.memory_space<vmem>>, vector<256x1024xf32>
      tpu.vector_store %arg13[%swap3A, %swap3A_194], %add3A_193 {strides = array<i32>} : memref<256x1024xf32, #tpu.memory_space<vmem>>, vector<256x1024xf32>,
    } else {
    }
    return
  }
  func.func @transform_0(%arg0: i32, %arg1: memref<16xi32, #tpu.memory_space<smem>>, %arg2: memref<16xi32, #tpu.memory_space<smem>>, %arg3: memref<16xi32, #tpu.memory_space<smem>>) -> (i32, i32) {
    %get3A = arith.index_cast %arg0 : i32 to index
    %get3A_0 = memref.load %arg2[%get3A] : memref<16xi32, #tpu.memory_space<smem>>
    %c0_i32 = arith.constant 0 : i32
    %c0_i32_1 = arith.constant 0 : i32
    return %get3A_0, %c0_i32 : i32, i32
  }
  func.func @transform_1(%arg0: i32, %arg1: memref<16xi32, #tpu.memory_space<smem>>, %arg2: memref<16xi32, #tpu.memory_space<smem>>, %arg3: memref<16xi32, #tpu.memory_space<smem>>) -> (i32, i32, i32) {
    %get3A = arith.index_cast %arg0 : i32 to index
    %get3A_0 = memref.load %arg1[%get3A] : memref<16xi32, #tpu.memory_space<smem>>
    %c0_i32 = arith.constant 0 : i32
    %c0_i32_1 = arith.constant 0 : i32
    %c0_i32_2 = arith.constant 0 : i32
    return %get3A_0, %c0_i32, %c0_i32_1 : i32, i32, i32
  }
  func.func @transform_2(%arg0: i32, %arg1: memref<16xi32, #tpu.memory_space<smem>>, %arg2: memref<16xi32, #tpu.memory_space<smem>>, %arg3: memref<16xi32, #tpu.memory_space<smem>>) -> (i32, i32, i32) {
    %get3A = arith.index_cast %arg0 : i32 to index
    %get3A_0 = memref.load %arg1[%get3A] : memref<16xi32, #tpu.memory_space<smem>>
    %c0_i32 = arith.constant 0 : i32
    %c0_i32_1 = arith.constant 0 : i32
    %c0_i32_2 = arith.constant 0 : i32
    return %get3A_0, %c0_i32, %c0_i32_1 : i32, i32, i32
  }
  func.func @transform_3(%arg0: i32, %arg1: memref<16xi32, #tpu.memory_space<smem>>, %arg2: memref<16xi32, #tpu.memory_space<smem>>, %arg3: memref<16xi32, #tpu.memory_space<smem>>) -> (i32, i32, i32) {
    %get3A = arith.index_cast %arg0 : i32 to index
    %get3A_0 = memref.load %arg1[%get3A] : memref<16xi32, #tpu.memory_space<smem>>
    %c0_i32 = arith.constant 0 : i32
    %c0_i32_1 = arith.constant 0 : i32
    %c0_i32_2 = arith.constant 0 : i32
    return %get3A_0, %c0_i32, %c0_i32_1 : i32, i32, i32
  }
  func.func @transform_4(%arg0: i32, %arg1: memref<16xi32, #tpu.memory_space<smem>>, %arg2: memref<16xi32, #tpu.memory_space<smem>>, %arg3: memref<16xi32, #tpu.memory_space<smem>>) -> (i32, i32, i32) {
    %get3A = arith.index_cast %arg0 : i32 to index
    %get3A_0 = memref.load %arg1[%get3A] : memref<16xi32, #tpu.memory_space<smem>>
    %c0_i32 = arith.constant 0 : i32
    %c0_i32_1 = arith.constant 0 : i32
    %c0_i32_2 = arith.constant 0 : i32
    return %get3A_0, %c0_i32, %c0_i32_1 : i32, i32, i32
  }
  func.func @transform_5(%arg0: i32, %arg1: memref<16xi32, #tpu.memory_space<smem>>, %arg2: memref<16xi32, #tpu.memory_space<smem>>, %arg3: memref<16xi32, #tpu.memory_space<smem>>) -> (i32, i32, i32) {
    %get3A = arith.index_cast %arg0 : i32 to index
    %get3A_0 = memref.load %arg1[%get3A] : memref<16xi32, #tpu.memory_space<smem>>
    %c0_i32 = arith.constant 0 : i32
    %c0_i32_1 = arith.constant 0 : i32
    %c0_i32_2 = arith.constant 0 : i32
    return %get3A_0, %c0_i32, %c0_i32_1 : i32, i32, i32
  }
  func.func @transform_6(%arg0: i32, %arg1: memref<16xi32, #tpu.memory_space<smem>>, %arg2: memref<16xi32, #tpu.memory_space<smem>>, %arg3: memref<16xi32, #tpu.memory_space<smem>>) -> (i32, i32, i32) {
    %get3A = arith.index_cast %arg0 : i32 to index
    %get3A_0 = memref.load %arg1[%get3A] : memref<16xi32, #tpu.memory_space<smem>>
    %c0_i32 = arith.constant 0 : i32
    %c0_i32_1 = arith.constant 0 : i32
    %c0_i32_2 = arith.constant 0 : i32
    return %get3A_0, %c0_i32, %c0_i32_1 : i32, i32, i32
  }
  func.func @transform_7(%arg0: i32, %arg1: memref<16xi32, #tpu.memory_space<smem>>, %arg2: memref<16xi32, #tpu.memory_space<smem>>, %arg3: memref<16xi32, #tpu.memory_space<smem>>) -> (i32, i32, i32) {
    %get3A = arith.index_cast %arg0 : i32 to index
    %get3A_0 = memref.load %arg1[%get3A] : memref<16xi32, #tpu.memory_space<smem>>
    %c1_i32 = arith.constant 1 : i32
    %c0_i32 = arith.constant 0 : i32
    %c0_i32_1 = arith.constant 0 : i32
    return %get3A_0, %c1_i32, %c0_i32 : i32, i32, i32
  }
  func.func @transform_8(%arg0: i32, %arg1: memref<16xi32, #tpu.memory_space<smem>>, %arg2: memref<16xi32, #tpu.memory_space<smem>>, %arg3: memref<16xi32, #tpu.memory_space<smem>>) -> (i32, i32, i32) {
    %get3A = arith.index_cast %arg0 : i32 to index
    %get3A_0 = memref.load %arg1[%get3A] : memref<16xi32, #tpu.memory_space<smem>>
    %c0_i32 = arith.constant 0 : i32
    %c0_i32_1 = arith.constant 0 : i32
    %c0_i32_2 = arith.constant 0 : i32
    return %get3A_0, %c0_i32, %c0_i32_1 : i32, i32, i32
  }
  func.func @transform_9(%arg0: i32, %arg1: memref<16xi32, #tpu.memory_space<smem>>, %arg2: memref<16xi32, #tpu.memory_space<smem>>, %arg3: memref<16xi32, #tpu.memory_space<smem>>) -> (i32, i32) {
    %get3A = arith.index_cast %arg0 : i32 to index
    %get3A_0 = memref.load %arg2[%get3A] : memref<16xi32, #tpu.memory_space<smem>>
    %c0_i32 = arith.constant 0 : i32
    %c0_i32_1 = arith.constant 0 : i32
    return %get3A_0, %c0_i32 : i32, i32
  }
}

module attributes {stable_mosaic.version = 14 : i64} {
  func.func @_assign_body(%arg0: i32, %arg1: memref<512x1024xf32, #tpu.memory_space<vmem>>, %arg2: memref<8x1024xf32, #tpu.memory_space<vmem>>, %arg3: memref<1x1x512xi32, #tpu.memory_space<vmem>>, %arg4: memref<1x8x16xi32, #tpu.memory_space<vmem>>) attributes {dimension_semantics = [#tpu.dimension_semantics<arbitrary>], iteration_bounds = array<i64: 4>, scalar_prefetch = 0 : i64, scratch_operands = 0 : i64, tpu.core_type = #tpu.core_type<tc>, window_params = [{transform_indices = @transform_0, window_bounds = array<i64: 512, 1024>}, {pipeline_mode = #tpu.pipeline_mode<synchronous>, transform_indices = @transform_1, window_bounds = array<i64: 8, 1024>}, {transform_indices = @transform_2, window_bounds = array<i64: 1, 1, 512>}, {transform_indices = @transform_3, window_bounds = array<i64: 1, 8, 16>}]} {
    %get3A = arith.constant 0 : index
    %get3A_0 = arith.constant 0 : index
    %get3A_1 = vector.load %arg1[%get3A, %get3A_0] : memref<512x1024xf32, #tpu.memory_space<vmem>>, vector<512x1024xf32>
    %get3A_2 = arith.constant 0 : index
    %get3A_3 = arith.constant 0 : index
    %get3A_4 = vector.load %arg2[%get3A_2, %get3A_3] : memref<8x1024xf32, #tpu.memory_space<vmem>>, vector<8x1024xf32>
    %dot_general3A = arith.constant dense<0.000000e+00> : vector<512x8xf32>
    %dot_general3A_5 = tpu.matmul %get3A_1, %get3A_4, %dot_general3A {dimension_numbers = #tpu.dot_dimension_numbers<[1], [1], [0], [0], [0, 0, 1, 0], [], []>, transpose_lhs_hint = false} : vector<512x1024xf32>, vector<8x1024xf32>, vector<512x8xf32> -> vector<512x8xf32>
    %reduce_max3A = arith.constant dense<0xFF800000> : vector<512xf32>
    %reduce_max3A_6 = vector.multi_reduction <maximumf>, %dot_general3A_5, %reduce_max3A [1] : vector<512x8xf32> to vector<512xf32>
    %broadcast_in_dim3A = vector.shape_cast %reduce_max3A_6 : vector<512xf32> to vector<512x1xf32>
    %iota3A = tpu.iota {dimensions = array<i32: 1>} : vector<512x8xi32>
    %ge3A = vector.broadcast %broadcast_in_dim3A : vector<512x1xf32> to vector<512x8xf32>
    %ge3A_7 = arith.cmpf oge, %dot_general3A_5, %ge3A : vector<512x8xf32>
    %jit3A = arith.constant 8 : i32
    %broadcast_in_dim3A_8 = vector.broadcast %jit3A : i32 to vector<512x8xi32>
    %select_n3A = arith.select %ge3A_7, %iota3A, %broadcast_in_dim3A_8 : vector<512x8xi1>, vector<512x8xi32>
    %reduce_min3A = arith.constant dense<2147483647> : vector<512xi32>
    %reduce_min3A_9 = vector.multi_reduction <minsi>, %select_n3A, %reduce_min3A [1] : vector<512x8xi32> to vector<512xi32>
    %swap3A = arith.constant 0 : index
    %swap3A_10 = arith.constant 0 : index
    %swap3A_11 = arith.constant 0 : index
    %swap3A_12 = vector.load %arg3[%swap3A, %swap3A_10, %swap3A_11] : memref<1x1x512xi32, #tpu.memory_space<vmem>>, vector<1x1x512xi32>
    %swap3A_13 = vector.shape_cast %swap3A_12 : vector<1x1x512xi32> to vector<512xi32>
    %swap3A_14 = vector.shape_cast %reduce_min3A_9 : vector<512xi32> to vector<1x1x512xi32>
    tpu.vector_store %arg3[%swap3A, %swap3A_10, %swap3A_11], %swap3A_14 {strides = array<i32>} : memref<1x1x512xi32, #tpu.memory_space<vmem>>, vector<1x1x512xi32>,
    %reshape3A = vector.shape_cast %reduce_min3A_9 : vector<512xi32> to vector<8x64xi32>
    %iota3A_15 = tpu.iota {dimensions = array<i32: 1>} : vector<8x16xi32>
    %broadcast_in_dim3A_16 = arith.constant 0 : i32
    %broadcast_in_dim3A_17 = vector.broadcast %broadcast_in_dim3A_16 : i32 to vector<8x16xi32>
    %eq3A = arith.constant 0 : i32
    %eq3A_18 = vector.broadcast %eq3A : i32 to vector<8x64xi32>
    %eq3A_19 = arith.cmpi eq, %reshape3A, %eq3A_18 : vector<8x64xi32>
    %jit3A_20 = arith.constant 1 : i32
    %jit3A_21 = arith.constant 0 : i32
    %broadcast_in_dim3A_22 = vector.broadcast %jit3A_20 : i32 to vector<8x64xi32>
    %broadcast_in_dim3A_23 = vector.broadcast %jit3A_21 : i32 to vector<8x64xi32>
    %select_n3A_24 = arith.select %eq3A_19, %broadcast_in_dim3A_22, %broadcast_in_dim3A_23 : vector<8x64xi1>, vector<8x64xi32>
    %reduce_sum3A = arith.constant dense<0> : vector<8xi32>
    %reduce_sum3A_25 = vector.multi_reduction <add>, %select_n3A_24, %reduce_sum3A [1] : vector<8x64xi32> to vector<8xi32>
    %broadcast_in_dim3A_26 = vector.shape_cast %reduce_sum3A_25 : vector<8xi32> to vector<8x1xi32>
    %eq3A_27 = arith.constant 0 : i32
    %eq3A_28 = vector.broadcast %eq3A_27 : i32 to vector<8x16xi32>
    %eq3A_29 = arith.cmpi eq, %iota3A_15, %eq3A_28 : vector<8x16xi32>
    %jit3A_30 = arith.constant 0 : i32
    %broadcast_in_dim3A_31 = vector.shape_cast %broadcast_in_dim3A_26 : vector<8x1xi32> to vector<8x1xi32>
    %broadcast_in_dim3A_32 = vector.broadcast %broadcast_in_dim3A_31 : vector<8x1xi32> to vector<8x16xi32>
    %broadcast_in_dim3A_33 = vector.broadcast %jit3A_30 : i32 to vector<8x16xi32>
    %select_n3A_34 = arith.select %eq3A_29, %broadcast_in_dim3A_32, %broadcast_in_dim3A_33 : vector<8x16xi1>, vector<8x16xi32>
    %add3A = arith.addi %broadcast_in_dim3A_17, %select_n3A_34 : vector<8x16xi32>
    %eq3A_35 = arith.constant 1 : i32
    %eq3A_36 = vector.broadcast %eq3A_35 : i32 to vector<8x64xi32>
    %eq3A_37 = arith.cmpi eq, %reshape3A, %eq3A_36 : vector<8x64xi32>
    %jit3A_38 = arith.constant 1 : i32
    %jit3A_39 = arith.constant 0 : i32
    %broadcast_in_dim3A_40 = vector.broadcast %jit3A_38 : i32 to vector<8x64xi32>
    %broadcast_in_dim3A_41 = vector.broadcast %jit3A_39 : i32 to vector<8x64xi32>
    %select_n3A_42 = arith.select %eq3A_37, %broadcast_in_dim3A_40, %broadcast_in_dim3A_41 : vector<8x64xi1>, vector<8x64xi32>
    %reduce_sum3A_43 = arith.constant dense<0> : vector<8xi32>
    %reduce_sum3A_44 = vector.multi_reduction <add>, %select_n3A_42, %reduce_sum3A_43 [1] : vector<8x64xi32> to vector<8xi32>
    %broadcast_in_dim3A_45 = vector.shape_cast %reduce_sum3A_44 : vector<8xi32> to vector<8x1xi32>
    %eq3A_46 = arith.constant 1 : i32
    %eq3A_47 = vector.broadcast %eq3A_46 : i32 to vector<8x16xi32>
    %eq3A_48 = arith.cmpi eq, %iota3A_15, %eq3A_47 : vector<8x16xi32>
    %jit3A_49 = arith.constant 0 : i32
    %broadcast_in_dim3A_50 = vector.shape_cast %broadcast_in_dim3A_45 : vector<8x1xi32> to vector<8x1xi32>
    %broadcast_in_dim3A_51 = vector.broadcast %broadcast_in_dim3A_50 : vector<8x1xi32> to vector<8x16xi32>
    %broadcast_in_dim3A_52 = vector.broadcast %jit3A_49 : i32 to vector<8x16xi32>
    %select_n3A_53 = arith.select %eq3A_48, %broadcast_in_dim3A_51, %broadcast_in_dim3A_52 : vector<8x16xi1>, vector<8x16xi32>
    %add3A_54 = arith.addi %add3A, %select_n3A_53 : vector<8x16xi32>
    %eq3A_55 = arith.constant 2 : i32
    %eq3A_56 = vector.broadcast %eq3A_55 : i32 to vector<8x64xi32>
    %eq3A_57 = arith.cmpi eq, %reshape3A, %eq3A_56 : vector<8x64xi32>
    %jit3A_58 = arith.constant 1 : i32
    %jit3A_59 = arith.constant 0 : i32
    %broadcast_in_dim3A_60 = vector.broadcast %jit3A_58 : i32 to vector<8x64xi32>
    %broadcast_in_dim3A_61 = vector.broadcast %jit3A_59 : i32 to vector<8x64xi32>
    %select_n3A_62 = arith.select %eq3A_57, %broadcast_in_dim3A_60, %broadcast_in_dim3A_61 : vector<8x64xi1>, vector<8x64xi32>
    %reduce_sum3A_63 = arith.constant dense<0> : vector<8xi32>
    %reduce_sum3A_64 = vector.multi_reduction <add>, %select_n3A_62, %reduce_sum3A_63 [1] : vector<8x64xi32> to vector<8xi32>
    %broadcast_in_dim3A_65 = vector.shape_cast %reduce_sum3A_64 : vector<8xi32> to vector<8x1xi32>
    %eq3A_66 = arith.constant 2 : i32
    %eq3A_67 = vector.broadcast %eq3A_66 : i32 to vector<8x16xi32>
    %eq3A_68 = arith.cmpi eq, %iota3A_15, %eq3A_67 : vector<8x16xi32>
    %jit3A_69 = arith.constant 0 : i32
    %broadcast_in_dim3A_70 = vector.shape_cast %broadcast_in_dim3A_65 : vector<8x1xi32> to vector<8x1xi32>
    %broadcast_in_dim3A_71 = vector.broadcast %broadcast_in_dim3A_70 : vector<8x1xi32> to vector<8x16xi32>
    %broadcast_in_dim3A_72 = vector.broadcast %jit3A_69 : i32 to vector<8x16xi32>
    %select_n3A_73 = arith.select %eq3A_68, %broadcast_in_dim3A_71, %broadcast_in_dim3A_72 : vector<8x16xi1>, vector<8x16xi32>
    %add3A_74 = arith.addi %add3A_54, %select_n3A_73 : vector<8x16xi32>
    %eq3A_75 = arith.constant 3 : i32
    %eq3A_76 = vector.broadcast %eq3A_75 : i32 to vector<8x64xi32>
    %eq3A_77 = arith.cmpi eq, %reshape3A, %eq3A_76 : vector<8x64xi32>
    %jit3A_78 = arith.constant 1 : i32
    %jit3A_79 = arith.constant 0 : i32
    %broadcast_in_dim3A_80 = vector.broadcast %jit3A_78 : i32 to vector<8x64xi32>
    %broadcast_in_dim3A_81 = vector.broadcast %jit3A_79 : i32 to vector<8x64xi32>
    %select_n3A_82 = arith.select %eq3A_77, %broadcast_in_dim3A_80, %broadcast_in_dim3A_81 : vector<8x64xi1>, vector<8x64xi32>
    %reduce_sum3A_83 = arith.constant dense<0> : vector<8xi32>
    %reduce_sum3A_84 = vector.multi_reduction <add>, %select_n3A_82, %reduce_sum3A_83 [1] : vector<8x64xi32> to vector<8xi32>
    %broadcast_in_dim3A_85 = vector.shape_cast %reduce_sum3A_84 : vector<8xi32> to vector<8x1xi32>
    %eq3A_86 = arith.constant 3 : i32
    %eq3A_87 = vector.broadcast %eq3A_86 : i32 to vector<8x16xi32>
    %eq3A_88 = arith.cmpi eq, %iota3A_15, %eq3A_87 : vector<8x16xi32>
    %jit3A_89 = arith.constant 0 : i32
    %broadcast_in_dim3A_90 = vector.shape_cast %broadcast_in_dim3A_85 : vector<8x1xi32> to vector<8x1xi32>
    %broadcast_in_dim3A_91 = vector.broadcast %broadcast_in_dim3A_90 : vector<8x1xi32> to vector<8x16xi32>
    %broadcast_in_dim3A_92 = vector.broadcast %jit3A_89 : i32 to vector<8x16xi32>
    %select_n3A_93 = arith.select %eq3A_88, %broadcast_in_dim3A_91, %broadcast_in_dim3A_92 : vector<8x16xi1>, vector<8x16xi32>
    %add3A_94 = arith.addi %add3A_74, %select_n3A_93 : vector<8x16xi32>
    %eq3A_95 = arith.constant 4 : i32
    %eq3A_96 = vector.broadcast %eq3A_95 : i32 to vector<8x64xi32>
    %eq3A_97 = arith.cmpi eq, %reshape3A, %eq3A_96 : vector<8x64xi32>
    %jit3A_98 = arith.constant 1 : i32
    %jit3A_99 = arith.constant 0 : i32
    %broadcast_in_dim3A_100 = vector.broadcast %jit3A_98 : i32 to vector<8x64xi32>
    %broadcast_in_dim3A_101 = vector.broadcast %jit3A_99 : i32 to vector<8x64xi32>
    %select_n3A_102 = arith.select %eq3A_97, %broadcast_in_dim3A_100, %broadcast_in_dim3A_101 : vector<8x64xi1>, vector<8x64xi32>
    %reduce_sum3A_103 = arith.constant dense<0> : vector<8xi32>
    %reduce_sum3A_104 = vector.multi_reduction <add>, %select_n3A_102, %reduce_sum3A_103 [1] : vector<8x64xi32> to vector<8xi32>
    %broadcast_in_dim3A_105 = vector.shape_cast %reduce_sum3A_104 : vector<8xi32> to vector<8x1xi32>
    %eq3A_106 = arith.constant 4 : i32
    %eq3A_107 = vector.broadcast %eq3A_106 : i32 to vector<8x16xi32>
    %eq3A_108 = arith.cmpi eq, %iota3A_15, %eq3A_107 : vector<8x16xi32>
    %jit3A_109 = arith.constant 0 : i32
    %broadcast_in_dim3A_110 = vector.shape_cast %broadcast_in_dim3A_105 : vector<8x1xi32> to vector<8x1xi32>
    %broadcast_in_dim3A_111 = vector.broadcast %broadcast_in_dim3A_110 : vector<8x1xi32> to vector<8x16xi32>
    %broadcast_in_dim3A_112 = vector.broadcast %jit3A_109 : i32 to vector<8x16xi32>
    %select_n3A_113 = arith.select %eq3A_108, %broadcast_in_dim3A_111, %broadcast_in_dim3A_112 : vector<8x16xi1>, vector<8x16xi32>
    %add3A_114 = arith.addi %add3A_94, %select_n3A_113 : vector<8x16xi32>
    %eq3A_115 = arith.constant 5 : i32
    %eq3A_116 = vector.broadcast %eq3A_115 : i32 to vector<8x64xi32>
    %eq3A_117 = arith.cmpi eq, %reshape3A, %eq3A_116 : vector<8x64xi32>
    %jit3A_118 = arith.constant 1 : i32
    %jit3A_119 = arith.constant 0 : i32
    %broadcast_in_dim3A_120 = vector.broadcast %jit3A_118 : i32 to vector<8x64xi32>
    %broadcast_in_dim3A_121 = vector.broadcast %jit3A_119 : i32 to vector<8x64xi32>
    %select_n3A_122 = arith.select %eq3A_117, %broadcast_in_dim3A_120, %broadcast_in_dim3A_121 : vector<8x64xi1>, vector<8x64xi32>
    %reduce_sum3A_123 = arith.constant dense<0> : vector<8xi32>
    %reduce_sum3A_124 = vector.multi_reduction <add>, %select_n3A_122, %reduce_sum3A_123 [1] : vector<8x64xi32> to vector<8xi32>
    %broadcast_in_dim3A_125 = vector.shape_cast %reduce_sum3A_124 : vector<8xi32> to vector<8x1xi32>
    %eq3A_126 = arith.constant 5 : i32
    %eq3A_127 = vector.broadcast %eq3A_126 : i32 to vector<8x16xi32>
    %eq3A_128 = arith.cmpi eq, %iota3A_15, %eq3A_127 : vector<8x16xi32>
    %jit3A_129 = arith.constant 0 : i32
    %broadcast_in_dim3A_130 = vector.shape_cast %broadcast_in_dim3A_125 : vector<8x1xi32> to vector<8x1xi32>
    %broadcast_in_dim3A_131 = vector.broadcast %broadcast_in_dim3A_130 : vector<8x1xi32> to vector<8x16xi32>
    %broadcast_in_dim3A_132 = vector.broadcast %jit3A_129 : i32 to vector<8x16xi32>
    %select_n3A_133 = arith.select %eq3A_128, %broadcast_in_dim3A_131, %broadcast_in_dim3A_132 : vector<8x16xi1>, vector<8x16xi32>
    %add3A_134 = arith.addi %add3A_114, %select_n3A_133 : vector<8x16xi32>
    %eq3A_135 = arith.constant 6 : i32
    %eq3A_136 = vector.broadcast %eq3A_135 : i32 to vector<8x64xi32>
    %eq3A_137 = arith.cmpi eq, %reshape3A, %eq3A_136 : vector<8x64xi32>
    %jit3A_138 = arith.constant 1 : i32
    %jit3A_139 = arith.constant 0 : i32
    %broadcast_in_dim3A_140 = vector.broadcast %jit3A_138 : i32 to vector<8x64xi32>
    %broadcast_in_dim3A_141 = vector.broadcast %jit3A_139 : i32 to vector<8x64xi32>
    %select_n3A_142 = arith.select %eq3A_137, %broadcast_in_dim3A_140, %broadcast_in_dim3A_141 : vector<8x64xi1>, vector<8x64xi32>
    %reduce_sum3A_143 = arith.constant dense<0> : vector<8xi32>
    %reduce_sum3A_144 = vector.multi_reduction <add>, %select_n3A_142, %reduce_sum3A_143 [1] : vector<8x64xi32> to vector<8xi32>
    %broadcast_in_dim3A_145 = vector.shape_cast %reduce_sum3A_144 : vector<8xi32> to vector<8x1xi32>
    %eq3A_146 = arith.constant 6 : i32
    %eq3A_147 = vector.broadcast %eq3A_146 : i32 to vector<8x16xi32>
    %eq3A_148 = arith.cmpi eq, %iota3A_15, %eq3A_147 : vector<8x16xi32>
    %jit3A_149 = arith.constant 0 : i32
    %broadcast_in_dim3A_150 = vector.shape_cast %broadcast_in_dim3A_145 : vector<8x1xi32> to vector<8x1xi32>
    %broadcast_in_dim3A_151 = vector.broadcast %broadcast_in_dim3A_150 : vector<8x1xi32> to vector<8x16xi32>
    %broadcast_in_dim3A_152 = vector.broadcast %jit3A_149 : i32 to vector<8x16xi32>
    %select_n3A_153 = arith.select %eq3A_148, %broadcast_in_dim3A_151, %broadcast_in_dim3A_152 : vector<8x16xi1>, vector<8x16xi32>
    %add3A_154 = arith.addi %add3A_134, %select_n3A_153 : vector<8x16xi32>
    %eq3A_155 = arith.constant 7 : i32
    %eq3A_156 = vector.broadcast %eq3A_155 : i32 to vector<8x64xi32>
    %eq3A_157 = arith.cmpi eq, %reshape3A, %eq3A_156 : vector<8x64xi32>
    %jit3A_158 = arith.constant 1 : i32
    %jit3A_159 = arith.constant 0 : i32
    %broadcast_in_dim3A_160 = vector.broadcast %jit3A_158 : i32 to vector<8x64xi32>
    %broadcast_in_dim3A_161 = vector.broadcast %jit3A_159 : i32 to vector<8x64xi32>
    %select_n3A_162 = arith.select %eq3A_157, %broadcast_in_dim3A_160, %broadcast_in_dim3A_161 : vector<8x64xi1>, vector<8x64xi32>
    %reduce_sum3A_163 = arith.constant dense<0> : vector<8xi32>
    %reduce_sum3A_164 = vector.multi_reduction <add>, %select_n3A_162, %reduce_sum3A_163 [1] : vector<8x64xi32> to vector<8xi32>
    %broadcast_in_dim3A_165 = vector.shape_cast %reduce_sum3A_164 : vector<8xi32> to vector<8x1xi32>
    %eq3A_166 = arith.constant 7 : i32
    %eq3A_167 = vector.broadcast %eq3A_166 : i32 to vector<8x16xi32>
    %eq3A_168 = arith.cmpi eq, %iota3A_15, %eq3A_167 : vector<8x16xi32>
    %jit3A_169 = arith.constant 0 : i32
    %broadcast_in_dim3A_170 = vector.shape_cast %broadcast_in_dim3A_165 : vector<8x1xi32> to vector<8x1xi32>
    %broadcast_in_dim3A_171 = vector.broadcast %broadcast_in_dim3A_170 : vector<8x1xi32> to vector<8x16xi32>
    %broadcast_in_dim3A_172 = vector.broadcast %jit3A_169 : i32 to vector<8x16xi32>
    %select_n3A_173 = arith.select %eq3A_168, %broadcast_in_dim3A_171, %broadcast_in_dim3A_172 : vector<8x16xi1>, vector<8x16xi32>
    %add3A_174 = arith.addi %add3A_154, %select_n3A_173 : vector<8x16xi32>
    %swap3A_175 = arith.constant 0 : index
    %swap3A_176 = arith.constant 0 : index
    %swap3A_177 = arith.constant 0 : index
    %swap3A_178 = vector.load %arg4[%swap3A_175, %swap3A_176, %swap3A_177] : memref<1x8x16xi32, #tpu.memory_space<vmem>>, vector<1x8x16xi32>
    %swap3A_179 = vector.shape_cast %swap3A_178 : vector<1x8x16xi32> to vector<8x16xi32>
    %swap3A_180 = vector.shape_cast %add3A_174 : vector<8x16xi32> to vector<1x8x16xi32>
    tpu.vector_store %arg4[%swap3A_175, %swap3A_176, %swap3A_177], %swap3A_180 {strides = array<i32>} : memref<1x8x16xi32, #tpu.memory_space<vmem>>, vector<1x8x16xi32>,
    return
  }
  func.func @transform_0(%arg0: i32) -> (i32, i32) {
    %c0_i32 = arith.constant 0 : i32
    %c0_i32_0 = arith.constant 0 : i32
    return %arg0, %c0_i32 : i32, i32
  }
  func.func @transform_1(%arg0: i32) -> (i32, i32) {
    %c0_i32 = arith.constant 0 : i32
    %c0_i32_0 = arith.constant 0 : i32
    %c0_i32_1 = arith.constant 0 : i32
    return %c0_i32, %c0_i32_0 : i32, i32
  }
  func.func @transform_2(%arg0: i32) -> (i32, i32, i32) {
    %c0_i32 = arith.constant 0 : i32
    %c0_i32_0 = arith.constant 0 : i32
    %c0_i32_1 = arith.constant 0 : i32
    return %arg0, %c0_i32, %c0_i32_0 : i32, i32, i32
  }
  func.func @transform_3(%arg0: i32) -> (i32, i32, i32) {
    %c0_i32 = arith.constant 0 : i32
    %c0_i32_0 = arith.constant 0 : i32
    %c0_i32_1 = arith.constant 0 : i32
    return %arg0, %c0_i32, %c0_i32_0 : i32, i32, i32
  }
}

</mosaic_0001>

<sc_bundles>
// kernel: kernel.6.cloned.1.call-start
scs
__scs_entry_jumppad:
0x0: {  	(pc) =	sbr.rel $0x88, $3  }
0x1: {  	(tag) =	ssettag $0x0;
	lr =	simm.s32 $0x1  }
0x2: {  	[smem:$0x3F99] =	sst lr;
	_ =	strace $0xD0000000  }
0x3: {  	_ = 	snop  }
0x4: {  	_ = 	snop  }
0x5: {  	_ = 	snop  }
0x6: {  	_ = 	snop  }
0x7: {  	_ = 	snop  }
__scs_overlays_trampoline_lowered:
0x8: {  	[smem:$0x3FA8] =	sst s0  }
0x9: {  	[smem:$0x3FA9] =	sst s1  }
0xa: {  	[smem:$0x3FAA] =	sst s2  }
0xb: {  	[smem:$0x3FAB] =	sst s3  }
0xc: {  	[smem:$0x3FAC] =	sst s4  }
0xd: {  	[smem:$0x3FAD] =	sst s5  }
0xe: {  	[smem:$0x3FAE] =	sst s6  }
0xf: {  	[smem:$0x3FAF] =	sst s7  }
0x10: {  	[smem:$0x3FB0] =	sst s8  }
0x11: {  	[smem:$0x3FB1] =	sst s9;
	s0 =	simm.s32 @!p0 $0x0  }
0x12: {  	s1 =	sld [smem:$0x3F97];
	s0 =	simm.s32 @p0 $0x1  }
0x13: {  	[smem:$0x3FB2] =	sst s0;
	s0 =	simm.s32 @!p1 $0x0  }
0x14: {  	s2 =	sld [smem:$0x3F96];
	s0 =	simm.s32 @p1 $0x1  }
0x15: {  	[smem:$0x3FB3] =	sst s0;
	s0 =	simm.s32 @!p2 $0x0  }
0x16: {  	s3 =	sld [smem:$0x3FDB];
	s0 =	simm.s32 @p2 $0x1  }
0x17: {  	s4 =	simm.s32 $0x1BF5;
	[smem:$0x3FB5] =	sst s0  }
0x18: {  	s0 =	sld [smem:$0x3F98];
	_ =	swait.ge [sflag:s4], $0x0  }
0x19: {  	s7 =	sld [smem:$0x3F99]  }
0x1a: {  	s8 =	sadd.s32 $0xFFFFE003, lr  }
0x1b: {  	s9 =	sadd.s32 $0xFFFFFEF7, lr;
	s5 =	simm.s32 $0xFFFFFFFF;
	p2 =	slt.u32 s8, $0xFFFFF086  }
0x1c: {  	p1 =	slt.u32 s9, $0xF7A;
	s5 =	simm.s32 @!p2 $0x0  }
0x1d: {  	s5 =	simm.s32 @p1 $0x1;
	p0 =	seq.s32 s7, s2  }
0x1e: {  	s7 =	smul.u32 @!p0 $0xF7A, s2;
	p2 =	seq.s32 @!p0 s5, $0x0  }
0x1f: {  	s9 =	smul.u32 $0xF7A, s1;
	s8 =	simm.s32 @!p0 $0x1BF5;
	p2 =	por !p2, p0  }
0x20: {  	[sflag:s8] =	ssyncset.s32 @!p0 $0xFFFFF086;
	s6 =	sadd.s32 @!p0 s3, s7;
	s7 =	simm.s32 @!p0 $0x108  }
0x21: {  	s3 =	sadd.s32 s3, s9;
	s6 =	sadd.s32 @!p0 $0x88, s6;
	s7 =	simm.s32 @p2 $0x1082  }
0x22: {  	[simem:s7], [sflag:s8] =	dma.local @!p0 [hbm:s6], $0xF7A  }
0x23: {  	s9 =	sor.u32 $0xD0000000, s2;
	s6 =	simm.s32 $0x108;
	_ =	swait.ge @!p0 [sflag:s8], $0x0  }
0x24: {  	s3 =	sadd.s32 $0x88, s3;
	s6 =	simm.s32 @!p1 $0x1082;
	[sflag:s4] =	ssyncset.s32 $0xFFFFF086  }
0x25: {  	[simem:s6], [sflag:s4] =	dma.local [hbm:s3], $0xF7A  }
0x26: {  	[smem:$0x3F99] =	sst s1;
	(tag) =	ssettag s2;
	_ =	strace s9  }
0x27: {  	s1 =	sld [smem:$0x3FA9]  }
0x28: {  	s2 =	sld [smem:$0x3FAA]  }
0x29: {  	s4 =	sld [smem:$0x3FAC]  }
0x2a: {  	p0 =	seq.s32 s5, $0x0;
	s5 =	sld [smem:$0x3FAD]  }
0x2b: {  	s6 =	sld [smem:$0x3FAE]  }
0x2c: {  	s7 =	sld [smem:$0x3FAF]  }
0x2d: {  	s3 =	simm.s32 $0x108;
	s8 =	sld [smem:$0x3FB0]  }
0x2e: {  	s3 =	simm.s32 @!p0 $0x1082;
	s9 =	sld [smem:$0x3FB1]  }
0x2f: {  	lr =	sadd.s32 s0, s3;
	s0 =	sld [smem:$0x3FA8]  }
0x30: {  	s3 =	sld [smem:$0x3FAB]  }
0x31: {  	[smem:$0x3FB4] =	sst s10  }
0x32: {  	s10 =	sld [smem:$0x3FB2];
	_ =	sdelay $0x3  }
0x33: {  	p0 =	seq.s32 s10, $0x1;
	s10 =	sld [smem:$0x3FB4];
	_ =	sdelay $0x3  }
0x34: {  	[smem:$0x3FB4] =	sst s10  }
0x35: {  	s10 =	sld [smem:$0x3FB3];
	_ =	sdelay $0x3  }
0x36: {  	p1 =	seq.s32 s10, $0x1;
	s10 =	sld [smem:$0x3FB4];
	_ =	sdelay $0x3  }
0x37: {  	[smem:$0x3FB4] =	sst s10  }
0x38: {  	s10 =	sld [smem:$0x3FB5]  }
0x39: {  	_ = 	snop;
	(pc) =	sbr.ind lr, $3  }
0x3a: {  	_ = 	snop  }
0x3b: {  	_ = 	snop  }
0x3c: {  	p2 =	seq.s32 s10, $0x1;
	s10 =	sld [smem:$0x3FB4]  }
0x3d: {  	_ =	shalt  }
0x3e: {  	_ =	shalt  }
0x3f: {  	_ =	shalt  }
0x40: {  	_ =	shalt  }
0x41: {  	_ =	shalt  }
0x42: {  	_ =	shalt  }
0x43: {  	_ =	shalt  }
0x44: {  	_ =	shalt  }
0x45: {  	_ =	shalt  }
0x46: {  	_ =	shalt  }
0x47: {  	_ =	shalt  }
0x48: {  	_ =	shalt  }
0x49: {  	_ =	shalt  }
0x4a: {  	_ =	shalt  }
0x4b: {  	_ =	shalt  }
0x4c: {  	_ =	shalt  }
0x4d: {  	_ =	shalt  }
0x4e: {  	_ =	shalt  }
0x4f: {  	_ =	shalt  }
0x50: {  	_ =	shalt  }
0x51: {  	_ =	shalt  }
0x52: {  	_ =	shalt  }
0x53: {  	_ =	shalt  }
0x54: {  	_ =	shalt  }
0x55: {  	_ =	shalt  }
0x56: {  	_ =	shalt  }
0x57: {  	_ =	shalt  }
0x58: {  	_ =	shalt  }
0x59: {  	_ =	shalt  }
0x5a: {  	_ =	shalt  }
0x5b: {  	_ =	shalt  }
0x5c: {  	_ =	shalt  }
0x5d: {  	_ =	shalt  }
0x5e: {  	_ =	shalt  }
0x5f: {  	_ =	shalt  }
0x60: {  	_ =	shalt  }
0x61: {  	_ =	shalt  }
0x62: {  	_ =	shalt  }
0x63: {  	_ =	shalt  }
0x64: {  	_ =	shalt  }
0x65: {  	_ =	shalt  }
0x66: {  	_ =	shalt  }
0x67: {  	_ =	shalt  }
0x68: {  	_ =	shalt  }
0x69: {  	_ =	shalt  }
0x6a: {  	_ =	shalt  }
0x6b: {  	_ =	shalt  }
0x6c: {  	_ =	shalt  }
0x6d: {  	_ =	shalt  }
0x6e: {  	_ =	shalt  }
0x6f: {  	_ =	shalt  }
0x70: {  	_ =	shalt  }
0x71: {  	_ =	shalt  }
0x72: {  	_ =	shalt  }
0x73: {  	_ =	shalt  }
0x74: {  	_ =	shalt  }
0x75: {  	_ =	shalt  }
0x76: {  	_ =	shalt  }
0x77: {  	_ =	shalt  }
0x78: {  	_ =	shalt  }
0x79: {  	_ =	shalt  }
0x7a: {  	_ =	shalt  }
0x7b: {  	_ =	shalt  }
0x7c: {  	_ =	shalt  }
0x7d: {  	_ =	shalt  }
0x7e: {  	_ =	shalt  }
0x7f: {  	_ =	shalt  }
0x80: {  	_ =	shalt  }
0x81: {  	_ =	shalt  }
0x82: {  	_ =	shalt  }
0x83: {  	_ =	shalt  }
0x84: {  	_ =	shalt  }
0x85: {  	_ =	shalt  }
0x86: {  	_ =	shalt  }
0x87: {  	_ =	shalt  }
.Lfunc_end0:
.L_simem_size_0:
called_computation_lowered:
.L_overlay_start_0:
0x88: {  	s2 =	sld [smem:$0x3FD9]  }
0x89: {  	s3 =	sld [smem:$0x3FFE];
	_ =	sdelay $0x1  }
0x8a: {  	s1 =	srdreg.scid  }
0x8b: {  	s0 =	sand.u32 $0x1, s1  }
0x8c: {  	s17 =	sshll.u32 s0, $0xA;
	s2 =	sadd.s32 s3, s2  }
0x8d: {  	s2 =	sadd.s32 s2, s17  }
0x8e: {  	[smem:$0x3FC0] =	sst s2  }
0x8f: {  	_ = 	snop  }
0x90: {  	s2 =	sld [smem:$0x3FC9];
	(tm) =	ssettm $0x1  }
0x91: {  	s18 =	sld [smem:$0x3FFB];
	_ =	sdelay $0x3  }
0x92: {  	_ =	strace s18  }
0x93: {  	s3 =	sld [smem:$0x3FFC];
	_ =	sdelay $0x3  }
0x94: {  	_ =	strace s3  }
0x95: {  	s3 =	sld [smem:$0x3FFD];
	_ =	sdelay $0x3  }
0x96: {  	_ =	strace s3  }
0x97: {  	_ =	strace $0x8FFFFFFF  }
0x98: {  	s19 =	sld [smem:$0x3FDB];
	_ =	sdelay $0x1  }
0x99: {  	s4 =	simm.s32 $_scs_section_size  }
0x9a: {  	s5 =	simm.s32 $_size__tile_overlayer_lowered;
	s6 =	simm.s32 $_tile_overlayer_lowered  }
0x9b: {  	s22 =	simm.s32 $0x1BFF;
	s21 =	sshll.u32 s6, $0x1;
	s3 =	sadd.s32 s4, s19  }
0x9c: {  	s7 =	simm.s32 $0x0;
	s20 =	sshll.u32 s5, $0x1;
	s5 =	sadd.s32 s21, s3  }
0x9d: {  	[timem:s7], [sflag:s22] =	dma.local [hbm:s5], s20  }
0x9e: {  	_ =	swait.ge [sflag:s22], s20  }
0x9f: {  	s4 =	ssub.s32 $0x0, s20;
	[sflag:s22] =	ssyncset.done $0x0  }
0xa0: {  	[sflag:s22] =	ssyncadd.s32 s4;
	_ =	sdelay $0x1  }
0xa1: {  	s23 =	simm.s32 $0x1B8B  }
0xa2: {  	_ =	swait.ge [sflag:s23], $0x1  }
0xa3: {  	[sflag:s23] =	ssyncset.done $0x0  }
0xa4: {  	s25 =	simm.s32 $0x1B8E;
	s24 =	sld [smem:$0x3FFE];
	[sflag:s23] =	ssyncadd.s32 $0xFFFFFFFF  }
0xa5: {  	s26 =	simm.s32 $execute0_lowered;
	[smem:$0x3FD2] =	sst s25  }
0xa6: {  	s5 =	sshll.u32 s26, $0x1;
	_ =	strace $0x80000046;
	[dreg:$0x1] =	wrdreg $0xFFFFFFFF  }
0xa7: {  	s28 =	simm.s32 $_size_execute0_lowered;
	s3 =	sadd.s32 s3, s5;
	[dreg:$0x0] =	wrdreg $0x0  }
0xa8: {  	s5 =	sshll.u32 s28, $0x1;
	[dreg:$0x2] =	wrdreg s3  }
0xa9: {  	[dreg:$0x3] =	wrdreg s5  }
0xaa: {  	[dreg:$0x4] =	wrdreg $0xC0  }
0xab: {  	_ =	task [dreg:s7], $0x5FFFF  }
0xac: {  	[dreg:$0x1] =	wrdreg $0xFFFFFFFF  }
0xad: {  	[dreg:$0x0] =	wrdreg $0x60  }
0xae: {  	[dreg:$0x2] =	wrdreg s24  }
0xaf: {  	[dreg:$0x3] =	wrdreg s2  }
0xb0: {  	[dreg:$0x4] =	wrdreg $0x9  }
0xb1: {  	_ =	task.clear_ibuf [dreg:s7], $0x5FFFF;
	_ =	strace $0x90000046  }
0xb2: {  	s29 =	simm.s32 $0x9;
	_ =	strace $0x80000048  }
0xb3: {  	_ =	swait.ge [sflag:s29], $0x1  }
0xb4: {  	[sflag:s29] =	ssyncadd.s32 $0xFFFFFFFF  }
0xb5: {  	_ =	strace $0x90000048  }
0xb6: {  	_ =	sfence  }
0xb7: {  	s30 =	sld [smem:$0x0];
	_ =	sdelay $0x2  }
0xb8: {  	s31 =	sshll.u32 s1, $0xD;
	s1 =	sshrl.u32 s1, $0x2  }
0xb9: {  	s3 =	sand.u32 $0x4000, s31;
	s1 =	sadd.s32 s1, s30  }
0xba: {  	s0 =	sor.u32 s3, s0;
	s1 =	sshll.u32 s1, $0x11  }
0xbb: {  	s0 =	sor.u32 s1, s0  }
0xbc: {  	s0 =	sadd.s32 $0x8F2B, s0  }
0xbd: {  	[sflag:s0] =	ssyncadd.remote.s32 $0x1  }
0xbe: {  	_ =	sfence.sel $0xFFFF  }
0xbf: {  	[dreg:$0x0] =	wrdreg $0xFFFFFFFF;
	(pc) =	sbr.abs _section_cstart, $3  }
0xc0: {  	[dreg:$0x1] =	wrdreg $0xFFFFFFFF  }
0xc1: {  	_ =	task.clear_ibuf [dreg:s7], $0x2FFFF;
	_ =	strace $0x9FFFFFFF  }
0xc2: {  	(tm) =	ssettm $0x7FFFFFFF  }
0xc3: {  	_ =	shalt  }
tec
execute0_lowered:
.L_overlay_start_1:
0x0: {  	(tag) =	ssettag $0x1  }
0x1: {  	s0 =	srdreg.scid  }
0x2: {  	s30 =	stileid.u32;
	s1 =	rddreg [dreg:$0x1]  }
0x3: {  	s10 =	simm.s32 $0x1;
	s14 =	simm.s32 $0x1;
	s13 =	simm.s32 $0x1  }
0x4: {  	s12 =	simm.s32 $0x1;
	s15 =	simm.s32 $0x1;
	s19 =	simm.s32 $0x1  }
0x5: {  	s24 =	simm.s32 $0x1;
	s23 =	simm.s32 $0x1;
	s21 =	simm.s32 $0x1  }
0x6: {  	s22 =	simm.s32 $0x1;
	s20 =	simm.s32 $0x1;
	s16 =	simm.s32 $0x1  }
0x7: {  	s18 =	simm.s32 $0x1;
	s2 =	sand.u32 $0x1, s0;
	s3 =	sshll.u32 s30, $0x1  }
0x8: {  	s9 =	simm.s32 $0x1;
	s8 =	simm.s32 $0x1;
	s3 =	sor.u32 s2, s3  }
0x9: {  	s7 =	simm.s32 $0x1;
	s25 =	simm.s32 $0x1;
	p1 =	sgt.u32 s3, $0x2  }
0xa: {  	s17 =	simm.s32 $0x1;
	s10 =	simm.s32 @!p1 $0x0;
	p1 =	sgt.u32 s30, $0x1  }
0xb: {  	s26 =	simm.s32 $0x1;
	s14 =	simm.s32 @!p1 $0x0;
	p1 =	sgt.u32 s3, $0x4  }
0xc: {  	s4 =	ssub.s32 $0x2, s2;
	s13 =	simm.s32 @!p1 $0x0;
	p1 =	sgt.u32 s30, $0x2  }
0xd: {  	s2 =	simm.s32 $0x1;
	s12 =	simm.s32 @!p1 $0x0;
	p1 =	sgt.u32 s3, $0x6  }
0xe: {  	s28 =	simm.s32 $0x1;
	s11 =	simm.s32 $0x1;
	s2 =	simm.s32 @!p1 $0x0  }
0xf: {  	p1 =	sgt.u32 s30, $0x3;
	[dreg:$0xa] =	wrdreg s2;
	s2 =	simm.s32 $0x1  }
0x10: {  	s29 =	simm.s32 $0x1;
	p0 =	sne.s32 s30, $0x0;
	s2 =	simm.s32 @!p1 $0x0  }
0x11: {  	p3 =	sgt.u32 s30, $0xB;
	p1 =	sgt.u32 s3, $0x8;
	[dreg:$0xb] =	wrdreg s2  }
0x12: {  	s15 =	simm.s32 @!p1 $0x0;
	p1 =	sgt.u32 s30, $0x4;
	s2 =	simm.s32 $0x1  }
0x13: {  	p4 =	sgt.u32 s30, $0xC;
	s0 =	simm.s32 $0x0;
	s2 =	simm.s32 @!p1 $0x0  }
0x14: {  	p1 =	sgt.u32 s3, $0xA;
	[dreg:$0xc] =	wrdreg s2;
	s2 =	simm.s32 $0x1  }
0x15: {  	p2 =	seq.s32 s30, $0xF;
	[smem:$0x7FF] =	sst s0;
	s2 =	simm.s32 @!p1 $0x0  }
0x16: {  	s8 =	simm.s32 @!p3 $0x0;
	p1 =	sgt.u32 s30, $0x5;
	[dreg:$0xd] =	wrdreg s2  }
0x17: {  	s19 =	simm.s32 @!p1 $0x0;
	p1 =	sgt.u32 s3, $0xC;
	s2 =	simm.s32 $0x1  }
0x18: {  	s28 =	simm.s32 @!p2 $0x0;
	s5 =	sshrl.u32 s4, $0x1;
	s2 =	simm.s32 @!p1 $0x0  }
0x19: {  	p1 =	sgt.u32 s30, $0x6;
	[dreg:$0xe] =	wrdreg s2;
	s2 =	simm.s32 $0x1  }
0x1a: {  	p3 =	sgt.u32 s3, $0x18;
	p2 =	seq.s32 s3, $0x1F;
	s2 =	simm.s32 @!p1 $0x0  }
0x1b: {  	s31 =	ssub.s32 s4, s5;
	p1 =	sgt.u32 s3, $0xE;
	[dreg:$0xf] =	wrdreg s2  }
0x1c: {  	s24 =	simm.s32 @!p1 $0x0;
	p1 =	sgt.u32 s30, $0x7;
	s2 =	simm.s32 $0x1  }
0x1d: {  	s7 =	simm.s32 @!p3 $0x0;
	s2 =	simm.s32 @!p1 $0x0;
	p1 =	sgt.u32 s3, $0x10  }
0x1e: {  	p3 =	sgt.u32 s3, $0x1A;
	s23 =	simm.s32 @!p1 $0x0;
	p1 =	sgt.u32 s30, $0x8  }
0x1f: {  	[dreg:$0x9] =	wrdreg s31;
	s21 =	simm.s32 @!p1 $0x0;
	p1 =	sgt.u32 s3, $0x12  }
0x20: {  	s31 =	simm.s32 $0x1;
	s22 =	simm.s32 @!p1 $0x0;
	p1 =	sgt.u32 s30, $0x9  }
0x21: {  	[dreg:$0x10] =	wrdreg s2;
	s20 =	simm.s32 @!p1 $0x0;
	p1 =	sgt.u32 s3, $0x14  }
0x22: {  	s2 =	sshll.u32 s3, $0xD;
	s16 =	simm.s32 @!p1 $0x0;
	p1 =	sgt.u32 s30, $0xA  }
0x23: {  	s1 =	sadd.s32 s1, s2;
	s18 =	simm.s32 @!p1 $0x0;
	p1 =	sgt.u32 s3, $0x16  }
0x24: {  	s9 =	simm.s32 @!p1 $0x0;
	p1 =	sgt.u32 s30, $0xD;
	s30 =	rddreg [dreg:$0x0]  }
0x25: {  	s31 =	simm.s32 @!p0 $0x0;
	[dreg:$0x3] =	wrdreg s1;
	s4 =	sadd.s32 $0x82400, s30  }
0x26: {  	v54 =	vmov s31;
	_ =	strace $0x80000047;
	s31 =	sadd.s32 $0x82600, s30;
	[dreg:$0x7] =	wrdreg s4  }
0x27: {  	s17 =	simm.s32 @!p1 $0x0;
	p1 =	sgt.u32 s3, $0x1C;
	[dreg:$0x8] =	wrdreg s31  }
0x28: {  	v31 =	vlaneseq.u32;
	v32 =	vimm.s32 $0x0;
	vm0 =	vmmov $0x1;
	s29 =	simm.s32 @!p2 $0x0;
	s26 =	simm.s32 @!p1 $0x0;
	s4 =	rddreg [dreg:$0xa]  }
0x29: {  	v63 =	vimm.s32 $0x0;
	vm8 =	vmmov $0xffff;
	v55 =	vmov s10;
	[tilespmem:$0x1FF60] =	vst v54;
	p1 =	sne.s32 s3, $0x0;
	s3 =	sshll.u32 s3, $0x3;
	s31 =	rddreg [dreg:$0xc]  }
0x2a: {  	v23 =	vmov s8;
	s25 =	simm.s32 @!p3 $0x0;
	v56 =	vmov s14;
	[tilespmem:$0x1FF70] =	vst v55;
	s3 =	sadd.s32 s3, s30;
	v59 =	vmov s4;
	s4 =	rddreg [dreg:$0xe]  }
0x2b: {  	v29 =	vmov s28;
	v57 =	vmov s13;
	s1 =	simm.s32 $0x1;
	[tilespmem:$0x1FF80] =	vst v56;
	v62 =	vmov s31;
	s31 =	rddreg [dreg:$0x10];
	s5 =	sadd.s32 $0x2000, s3  }
0x2c: {  	v24 =	vmov s7;
	v30 =	vmov s29;
	v58 =	vmov s12;
	s1 =	simm.s32 @!p4 $0x0;
	[tilespmem:$0x1FF90] =	vst v57;
	s6 =	sadd.s32 $0x82800, s3;
	[dreg:$0x4] =	wrdreg s5  }
0x2d: {  	v26 =	vmov s25;
	v61 =	vmov s15;
	v11 =	vmov s19;
	[tilespmem:$0x1FFA0] =	vst v58;
	s10 =	sadd.s32 $0x2300, s30;
	s3 =	sadd.s32 $0x82200, s30;
	[dreg:$0x5] =	wrdreg s6  }
0x2e: {  	v14 =	vmov s24;
	v16 =	vmov s23;
	v17 =	vmov s21;
	[tilespmem:$0x1FFD0] =	vst v61;
	s12 =	sadd.s32 $0x2500, s30;
	s11 =	simm.s32 @!p1 $0x0;
	[dreg:$0x6] =	wrdreg s3  }
.Ltmp0:
0x2f: {  	v18 =	vmov s22;
	v19 =	vmov s20;
	v0 =	vmov s11;
	s11 =	sadd.s32 $0x2400, s30;
	[tilespmem:$0x1FFB0] =	vst v59;
	s3 =	rddreg [dreg:$0x9];
	(pc) =	sbr.rel .LBB2_1-.Ltmp0, $4  }
0x30: {  	v25 =	vmov s1;
	v20 =	vmov s16;
	v21 =	vmov s18;
	[tilespmem:$0x1FFE0] =	vst v62;
	s5 =	sadd.s32 $0x1E00, s30;
	s6 =	sadd.s32 $0x2200, s30;
	s30 =	rddreg [dreg:$0xb]  }
0x31: {  	v22 =	vmov s9;
	v27 =	vmov s17;
	[tilespmem:$0x1FF50] =	vst v0;
	v0 =	vsel vm0, $0xFFFFFFFF, v63;
	s13 =	smax.u32 s3, $0x1;
	s3 =	rddreg [dreg:$0xd]  }
0x32: {  	v28 =	vmov s26;
	v12 =	vmov s4;
	v60 =	vmov s30;
	s30 =	rddreg [dreg:$0xf];
	[tilespmem:$0x1FFF0] =	vst v0  }
0x33: {  	s14 =	simm.s32 $0x1;
	s15 =	simm.s32 $0x2;
	s19 =	simm.s32 $0x1100;
	v15 =	vmov s31;
	[tilespmem:$0x1FFC0] =	vst v60;
	v10 =	vmov s3;
	v13 =	vmov s30  }
.LBB2_3:
0x34: {  	v2 =	vld [tilespmem:$0x1FF60]  }
0x35: {  	v3 =	vld [tilespmem:$0x1FF70];
	_ =	sdelay $0x1  }
0x36: {  	v1 =	vld [tilespmem:$0x1FF50];
	_ =	sdelay $0x1  }
0x37: {  	v2 =	vmul.u32 v2, v62;
	v62 =	vld [tilespmem:$0x1FF80]  }
0x38: {  	v3 =	vmul.u32 v3, v63;
	v63 =	vld [tilespmem:$0x1FF90];
	_ =	sdelay $0x1  }
0x39: {  	v7 =	vld [tilespmem:$0x1FFB0];
	v1 =	vmul.u32 v1, v61;
	_ =	sdelay $0x1  }
0x3a: {  	v1 =	vadd.s32 v1, v2;
	v2 =	vmul.u32 v62, v60  }
0x3b: {  	v6 =	vld [tilespmem:$0x1FFA0];
	v1 =	vadd.s32 v3, v1;
	v3 =	vmul.u32 v63, v59  }
0x3c: {  	v1 =	vadd.s32 v2, v1  }
0x3d: {  	v1 =	vadd.s32 v3, v1;
	v3 =	vmul.u32 v7, v33;
	v33 =	vld [tilespmem:$0x1FFC0];
	_ =	sdelay $0x2  }
0x3e: {  	v2 =	vmul.u32 v6, v58;
	_ =	sdelay $0x1  }
0x3f: {  	v1 =	vadd.s32 v2, v1;
	v2 =	vmul.u32 v33, v34;
	v34 =	vld [tilespmem:$0x1FFD0];
	_ =	sdelay $0x4  }
0x40: {  	v1 =	vadd.s32 v3, v1;
	v3 =	vmul.u32 v34, v35;
	v35 =	vld [tilespmem:$0x1FFE0];
	_ =	sdelay $0x4  }
0x41: {  	v1 =	vadd.s32 v2, v1;
	v2 =	vmul.u32 v35, v36  }
0x42: {  	v37 =	vmul.u32 v10, v37;
	v1 =	vadd.s32 v3, v1  }
0x43: {  	v38 =	vmul.u32 v11, v38;
	v1 =	vadd.s32 v2, v1  }
0x44: {  	v39 =	vmul.u32 v12, v39;
	v1 =	vadd.s32 v37, v1  }
0x45: {  	v40 =	vmul.u32 v13, v40;
	v1 =	vadd.s32 v38, v1  }
0x46: {  	v41 =	vmul.u32 v14, v41;
	v1 =	vadd.s32 v39, v1  }
0x47: {  	v42 =	vmul.u32 v15, v42;
	v1 =	vadd.s32 v40, v1  }
0x48: {  	v43 =	vmul.u32 v16, v43;
	v1 =	vadd.s32 v41, v1  }
0x49: {  	v44 =	vmul.u32 v17, v44;
	v1 =	vadd.s32 v42, v1  }
0x4a: {  	v45 =	vmul.u32 v18, v45;
	v1 =	vadd.s32 v43, v1  }
0x4b: {  	v46 =	vmul.u32 v19, v46;
	v1 =	vadd.s32 v44, v1  }
0x4c: {  	v47 =	vmul.u32 v20, v47;
	v1 =	vadd.s32 v45, v1  }
0x4d: {  	v58 =	vmul.u32 v21, v48;
	v1 =	vadd.s32 v46, v1  }
0x4e: {  	vm13 =	vcmask $0x308;
	v59 =	vmul.u32 v22, v49;
	v1 =	vadd.s32 v47, v1  }
0x4f: {  	vm14 =	vcmask $0x70C;
	v60 =	vmul.u32 v23, v50;
	v1 =	vadd.s32 v58, v1  }
0x50: {  	vm15 =	vcmask $0xB10;
	v61 =	vmul.u32 v24, v51;
	v1 =	vadd.s32 v59, v1  }
0x51: {  	vm4 =	vcmask $0xF14;
	v62 =	vmul.u32 v25, v52;
	v35 =	vld [tilespmem:$0x1FFF0];
	v1 =	vadd.s32 v60, v1  }
0x52: {  	vm5 =	vcmask $0x1318;
	v63 =	vmul.u32 v26, v53;
	v38 =	vld [tilespmem:$0x0];
	v1 =	vadd.s32 v61, v1  }
0x53: {  	vm12 =	vcmask $0x171C;
	v6 =	vmul.u32 v27, v54;
	v1 =	vadd.s32 v62, v1  }
0x54: {  	v5 =	vimm.s32 $0x0;
	v7 =	vmul.u32 v28, v55;
	v1 =	vadd.s32 v63, v1  }
0x55: {  	v8 =	vimm.s32 $0x0;
	v33 =	vmul.u32 v29, v56;
	v1 =	vadd.s32 v6, v1  }
0x56: {  	v9 =	vimm.s32 $0x0;
	v34 =	vmul.u32 v30, v57;
	v1 =	vadd.s32 v7, v1  }
0x57: {  	vm0 =	vnez.u8 v35;
	vm1 =	veq.s32 v38, $0x0;
	v1 =	vadd.s32 v33, v1  }
0x58: {  	vm6 =	veq.s32 v38, $0x1;
	vm7 =	veq.s32 v38, $0x4;
	v1 =	vadd.s32 v34, v1  }
0x59: {  	vm9 =	veq.s32 v38, $0x5;
	v49 =	vsel vm1, $0x1, v32;
	v0 =	vadd.s32 v0, v1  }
0x5a: {  	v50 =	vsel vm6, $0x1, v32;
	v58 =	vsel vm7, $0x1, v32;
	v1 =	vnsel vm0, $0x0, v0  }
0x5b: {  	v59 =	vsel vm9, $0x1, v32;
	v60 =	vimm.s32 $0x0;
	v36 =	vsel vm13, $0x0, v0;
	(xrf0) =	vadd.scan.msk.s32 $0xffff, v1  }
0x5c: {  	v62 =	vimm.s32 $0x0;
	v6 =	vimm.s32 $0x0;
	v37 =	vsel vm14, $0x0, v0;
	(xrf0) =	vadd.scan.msk.s32 $0xffff, v36  }
0x5d: {  	v45 =	vsel vm15, $0x0, v0;
	v46 =	vsel vm4, $0x0, v0;
	v47 =	vsel vm5, $0x0, v0;
	(xrf0) =	vadd.scan.msk.s32 $0xffff, v37  }
0x5e: {  	v48 =	vsel vm12, $0x0, v0;
	vm13 =	vcmask $0x1B20;
	vm5 =	veq.s32 v38, $0x2;
	v1 =	vld [tilespmem:$0x10];
	(xrf0) =	vadd.scan.msk.s32 $0xffff, v45  }
0x5f: {  	vm4 =	veq.s32 v38, $0x3;
	vm14 =	veq.s32 v38, $0x6;
	vm15 =	veq.s32 v38, $0x7;
	(xrf0) =	vadd.scan.msk.s32 $0xffff, v46  }
0x60: {  	v0 =	vsel vm13, $0x0, v0;
	v56 =	vsel vm5, $0x1, v32;
	v57 =	vsel vm4, $0x1, v32;
	(xrf0) =	vadd.scan.msk.s32 $0xffff, v47  }
0x61: {  	v3 =	vsel vm14, $0xFFFFFFFF, v60;
	v61 =	vsel vm14, $0x1, v32;
	v2 =	vsel vm15, $0xFFFFFFFF, v62;
	v46, _, _ =	vpop (xrf0);
	(xrf0) =	vadd.scan.msk.s32 $0xffff, v48  }
0x62: {  	[tilespmem:$0x1FED0] =	vst v3;
	v45 =	vsel vm15, $0x1, v32;
	(v2sf) =	vpush v46, $0xF;
	v35, _, _ =	vpop (xrf0);
	(xrf0) =	vadd.scan.msk.s32 $0xffff, v0  }
0x63: {  	vm2 =	veq.s32 v1, $0x0;
	vm3 =	veq.s32 v1, $0x1;
	(v2sf) =	vpush v35, $0xF;
	v41, _, _ =	vpop (xrf0);
	(xrf0) =	vadd.scan.msk.s32 $0xffff, v49  }
0x64: {  	vm12 =	veq.s32 v1, $0x2;
	vm13 =	veq.s32 v1, $0x3;
	(v2sf) =	vpush v41, $0xF;
	v52, _, _ =	vpop (xrf0);
	(xrf0) =	vadd.scan.msk.s32 $0xffff, v50  }
0x65: {  	vm14 =	veq.s32 v1, $0x4;
	vm15 =	veq.s32 v1, $0x5;
	(v2sf) =	vpush v52, $0xF;
	v44, _, _ =	vpop (xrf0);
	(xrf0) =	vadd.scan.msk.s32 $0xffff, v56  }
0x66: {  	v47 =	vsel vm2, $0x1, v32;
	v48 =	vsel vm3, $0x1, v32;
	(v2sf) =	vpush v44, $0xF;
	v42, _, _ =	vpop (xrf0);
	(xrf0) =	vadd.scan.msk.s32 $0xffff, v57  }
0x67: {  	v5 =	vsel vm12, $0xFFFFFFFF, v5;
	v6 =	vsel vm13, $0xFFFFFFFF, v6;
	(v2sf) =	vpush v42, $0xF;
	v33, _, _ =	vpop (xrf0);
	(xrf0) =	vadd.scan.msk.s32 $0xffff, v58  }
0x68: {  	v8 =	vsel vm14, $0xFFFFFFFF, v8;
	[tilespmem:$0x1FEB0] =	vst v5;
	(v2sf) =	vpush v33, $0xF;
	v34, _, _ =	vpop (xrf0);
	(xrf0) =	vadd.scan.msk.s32 $0xffff, v59  }
0x69: {  	[tilespmem:$0x1FEE0] =	vst v8;
	v8 =	vsel vm14, $0x1, v32;
	(v2sf) =	vpush v34, $0xF;
	v63, _, _ =	vpop (xrf0);
	(xrf0) =	vadd.scan.msk.s32 $0xffff, v61  }
0x6a: {  	v49 =	vsel vm12, $0x1, v32;
	vm12 =	veq.s32 v1, $0x6;
	(v2sf) =	vpush v63, $0xF;
	v3, _, _ =	vpop (xrf0);
	(xrf0) =	vadd.scan.msk.s32 $0xffff, v45  }
0x6b: {  	v9 =	vsel vm12, $0xFFFFFFFF, v9;
	v57 =	vimm.s32 $0x0;
	(v2sf) =	vpush v3, $0xF;
	v4, _, _ =	vpop (xrf0);
	(xrf0) =	vadd.scan.msk.s32 $0xffff, v47  }
0x6c: {  	v50 =	vld [tilespmem:$0x20];
	v56 =	vsel vm13, $0x1, v32;
	v0 =	vsel vm15, $0xFFFFFFFF, v57;
	(v2sf) =	vpush v4, $0xF;
	v5, _, _ =	vpop (xrf0);
	(xrf0) =	vadd.scan.msk.s32 $0xffff, v48  }
0x6d: {  	vm13 =	veq.s32 v1, $0x7;
	v58 =	vimm.s32 $0x0;
	(v2sf) =	vpush v5, $0xF;
	v7, _, _ =	vpop (xrf0);
	(xrf0) =	vadd.scan.msk.s32 $0xffff, v49  }
0x6e: {  	[tilespmem:$0x1FF10] =	vst v9;
	v1 =	vsel vm13, $0xFFFFFFFF, v58;
	(v2sf) =	vpush v7, $0xF;
	v53, _, _ =	vpop (xrf0);
	(xrf0) =	vadd.scan.msk.s32 $0xffff, v56  }
0x6f: {  	[tilespmem:$0x1FF00] =	vst v0;
	(v2sf) =	vpush v53, $0xF;
	v0, _, _ =	vpop (xrf0);
	(xrf0) =	vadd.scan.msk.s32 $0xffff, v8;
	v8 =	vsel vm15, $0x1, v32  }
0x70: {  	[tilespmem:$0x1FF20] =	vst v1;
	(v2sf) =	vpush v0, $0xF;
	v36, _, _ =	vpop (xrf0);
	(xrf0) =	vadd.scan.msk.s32 $0xffff, v8;
	v8 =	vsel vm12, $0x1, v32  }
0x71: {  	vm15 =	veq.s32 v50, $0x0;
	s23 =	spop (v2sf);
	(v2sf) =	vpush v36, $0xF;
	v1, _, _ =	vpop (xrf0);
	(xrf0) =	vadd.scan.msk.s32 $0xffff, v8;
	v8 =	vsel vm13, $0x1, v32  }
0x72: {  	vm11 =	veq.s32 v50, $0x1;
	s24 =	spop (v2sf);
	(v2sf) =	vpush v1, $0xF;
	v9, _, _ =	vpop (xrf0);
	(xrf0) =	vadd.scan.msk.s32 $0xffff, v8;
	v8 =	vsel vm15, $0x1, v32  }
0x73: {  	vm12 =	veq.s32 v50, $0x2;
	s20 =	spop (v2sf);
	(v2sf) =	vpush v9, $0xF;
	v43, _, _ =	vpop (xrf0);
	(xrf0) =	vadd.scan.msk.s32 $0xffff, v8;
	v8 =	vsel vm11, $0x1, v32  }
0x74: {  	v59 =	vimm.s32 $0x0;
	vm14 =	veq.s32 v50, $0x5;
	s21 =	spop (v2sf);
	v45, _, _ =	vpop (xrf0);
	(xrf0) =	vadd.scan.msk.s32 $0xffff, v8;
	v8 =	vsel vm12, $0x1, v32  }
0x75: {  	v37 =	vsel vm14, $0xFFFFFFFF, v59;
	vm13 =	veq.s32 v50, $0x3;
	(v2sf) =	vpush v43, $0xF;
	s22 =	spop (v2sf);
	v39, _, _ =	vpop (xrf0);
	(xrf0) =	vadd.scan.msk.s32 $0xffff, v8  }
0x76: {  	vm10 =	veq.s32 v50, $0x4;
	(v2sf) =	vpush v45, $0xF;
	v8 =	vsel vm13, $0x1, v32;
	s9 =	spop (v2sf);
	v40, _, _ =	vpop (xrf0)  }
0x77: {  	[tilespmem:$0x1FF30] =	vst v37;
	(v2sf) =	vpush v39, $0xF;
	(xrf0) =	vadd.scan.msk.s32 $0xffff, v8;
	v8 =	vsel vm10, $0x1, v32;
	v38, _, _ =	vpop (xrf0);
	s18 =	spop (v2sf)  }
0x78: {  	(v2sf) =	vpush v40, $0xF;
	(xrf0) =	vadd.scan.msk.s32 $0xffff, v8;
	v8 =	vsel vm14, $0x1, v32;
	vm14 =	veq.s32 v50, $0x6;
	s16 =	spop (v2sf);
	v37, _, _ =	vpop (xrf0)  }
0x79: {  	vm0 =	veq.s32 v50, $0x7;
	(v2sf) =	vpush v38, $0xF;
	s25 =	spop (v2sf);
	v47, _, _ =	vpop (xrf0);
	(xrf0) =	vadd.scan.msk.s32 $0xffff, v8;
	v8 =	vsel vm14, $0x1, v32  }
0x7a: {  	(v2sf) =	vpush v37, $0xF;
	s26 =	spop (v2sf);
	v50, _, _ =	vpop (xrf0);
	(xrf0) =	vadd.scan.msk.s32 $0xffff, v8;
	v8 =	vsel vm0, $0x1, v32  }
0x7b: {  	(v2sf) =	vpush v47, $0xF;
	s29 =	spop (v2sf);
	v51, _, _ =	vpop (xrf0);
	(xrf0) =	vadd.scan.msk.s32 $0xffff, v8  }
0x7c: {  	(v2sf) =	vpush v50, $0xF;
	s30 =	spop (v2sf)  }
0x7d: {  	v61 =	vadd.s32 $0xFFFFFFFF, v46;
	(v2sf) =	vpush v51, $0xF;
	v46, _, _ =	vpop (xrf0);
	s31 =	spop (v2sf)  }
0x7e: {  	(v2sf) =	vpush v46, $0xF;
	v48, _, _ =	vpop (xrf0);
	s28 =	spop (v2sf)  }
0x7f: {  	(v2sf) =	vpush v48, $0xF;
	s1 =	spop (v2sf);
	v49, _, _ =	vpop (xrf0)  }
0x80: {  	v8 =	vadd.s32 $0xFFFFFFFF, v41;
	s17 =	spop (v2sf);
	(v2sf) =	vpush v49, $0xF;
	v41, _, _ =	vpop (xrf0)  }
0x81: {  	v62 =	vadd.s32 $0xFFFFFFFF, v35;
	s7 =	spop (v2sf);
	(v2sf) =	vpush v41, $0xF;
	v35, _, _ =	vpop (xrf0)  }
0x82: {  	v60 =	vimm.s32 $0x0;
	s8 =	spop (v2sf);
	(v2sf) =	vpush v35, $0xF  }
0x83: {  	[tilespmem:$0x1FEC0] =	vst v6;
	v6 =	vsel vm0, $0xFFFFFFFF, v60  }
0x84: {  	[tilespmem:$0x1FF40] =	vst v6;
	v6 =	vbroadcast v61, $0xF;
	s2 =	spop (v2sf)  }
0x85: {  	s23 =	sadd.s32 s23, s25;
	s25 =	spop (v2sf)  }
0x86: {  	[tilespmem:$0x1FEF0] =	vst v2;
	v2 =	vadd.s32 v63, v6;
	v6 =	vbroadcast v62, $0xF;
	v63 =	vadd.s32 $0xFFFFFFFF, v52;
	s24 =	sadd.s32 s24, s26;
	s26 =	spop (v2sf)  }
0x87: {  	v34 =	vadd.s32 $0xFFFFFFFF, v34;
	v52 =	vbroadcast v63, $0xF;
	s3 =	spop (v2sf)  }
0x88: {  	v59 =	vadd.s32 $0xFFFFFFFF, v42;
	v3 =	vadd.s32 v3, v6;
	v58 =	vmov s24;
	s4 =	spop (v2sf)  }
0x89: {  	v6 =	vbroadcast v59, $0xF;
	v55 =	vadd.s32 v5, v52;
	s20 =	sadd.s32 s20, s29;
	v5 =	vadd.s32 $0xFFFFFFFF, v58;
	s29 =	spop (v2sf)  }
0x8a: {  	v2 =	vnsel vm1, $0x0, v2;
	v56 =	vadd.s32 $0xFFFFFFFF, v44;
	v5 =	vbroadcast v5, $0x0;
	s22 =	sadd.s32 s22, s31;
	s31 =	spop (v2sf)  }
0x8b: {  	v2 =	vsel vm6, v3, v2;
	v3 =	vbroadcast v56, $0xF;
	v60 =	vadd.s32 v53, v6;
	s21 =	sadd.s32 s21, s30;
	s7 =	sadd.s32 s23, s7;
	s30 =	spop (v2sf)  }
0x8c: {  	v8 =	vbroadcast v8, $0xF;
	v61 =	vadd.s32 v9, v5;
	v5 =	vmov s7;
	s7 =	sadd.s32 s7, s31;
	s31 =	spop (v2sf)  }
0x8d: {  	v3 =	vadd.s32 v7, v3;
	v57 =	vmov s23;
	v62 =	vmov s20;
	s8 =	sadd.s32 s24, s8;
	s24 =	spop (v2sf)  }
0x8e: {  	v54 =	vadd.s32 v4, v8;
	v4 =	vadd.s32 $0xFFFFFFFF, v57;
	v63 =	vmov s21;
	s9 =	sadd.s32 s9, s28;
	s28 =	spop (v2sf)  }
0x8f: {  	v2 =	vsel vm5, v54, v2;
	v4 =	vbroadcast v4, $0x0;
	s2 =	sadd.s32 s20, s2;
	v6 =	vmov s8;
	s8 =	sadd.s32 s8, s30;
	s30 =	spop (v2sf)  }
0x90: {  	v52 =	vmov s22;
	v2 =	vsel vm4, v55, v2;
	v7 =	vmov s2;
	s2 =	sadd.s32 s2, s31;
	s31 =	spop (v2sf)  }
0x91: {  	s1 =	sadd.s32 s18, s1;
	v54 =	vmov s9;
	v2 =	vsel vm7, v3, v2;
	v1 =	vadd.s32 v1, v4;
	s3 =	sadd.s32 s9, s3;
	s9 =	spop (v2sf);
	[tilespmem:$0x1FEA0] =	vst v0  }
0x92: {  	v55 =	vmov s1;
	v3 =	vadd.s32 $0xFFFFFFFF, v62;
	v4 =	vadd.s32 $0xFFFFFFFF, v63;
	v0 =	vld [tilespmem:$0x1FEB0]  }
0x93: {  	v1 =	vnsel vm2, $0x0, v1;
	v2 =	vsel vm9, v60, v2;
	v3 =	vbroadcast v3, $0x0  }
0x94: {  	v4 =	vbroadcast v4, $0x0;
	v1 =	vsel vm3, v61, v1;
	v5 =	vadd.s32 $0xFFFFFFFF, v5  }
0x95: {  	v3 =	vadd.s32 v43, v3;
	s21 =	sadd.s32 s21, s25;
	s25 =	sadd.s32 s16, s17;
	v5 =	vbroadcast v5, $0x0;
	v6 =	vadd.s32 $0xFFFFFFFF, v6;
	s26 =	sadd.s32 s22, s26  }
0x96: {  	v9 =	vmov s21;
	v56 =	vmov s25;
	v57 =	vmov s26  }
0x97: {  	v5 =	vadd.s32 v47, v5;
	v47 =	vadd.s32 $0xFFFFFFFF, v7;
	vm5 =	vnez.u8 v0;
	v0 =	vld [tilespmem:$0x1FEA0]  }
0x98: {  	s1 =	sadd.s32 s1, s4;
	v1 =	vsel vm5, v3, v1;
	v3 =	vadd.s32 v45, v4;
	v45 =	vadd.s32 $0xFFFFFFFF, v52;
	v52 =	vld [tilespmem:$0x1FEC0]  }
0x99: {  	v58 =	vmov s3;
	v5 =	vnsel vm15, $0x0, v5;
	v59 =	vmov s1  }
0x9a: {  	v4 =	vadd.s32 $0xFFFFFFFF, v33;
	v33 =	vbroadcast v45, $0x0;
	v45 =	vadd.s32 $0xFFFFFFFF, v54  }
0x9b: {  	v8 =	vmov s7;
	s7 =	sadd.s32 s21, s24;
	v44 =	vmov s2;
	s2 =	sadd.s32 s25, s29;
	v54 =	vbroadcast v45, $0x0;
	v45 =	vld [tilespmem:$0x1FEE0]  }
0x9c: {  	v42 =	vmov s8;
	v53 =	vmov s7;
	s7 =	sadd.s32 s26, s28;
	v60 =	vmov s2  }
0x9d: {  	v61 =	vmov s7;
	s3 =	sadd.s32 s3, s30;
	s1 =	sadd.s32 s1, s31;
	s2 =	sadd.s32 s2, s9;
	vm4 =	vnez.u8 v52;
	v52 =	vadd.s32 v39, v33;
	v39 =	vld [tilespmem:$0x1FED0]  }
0x9e: {  	v62 =	vmov s3;
	v43 =	vmov s1;
	v63 =	vmov s2  }
0x9f: {  	v4 =	vbroadcast v4, $0xF;
	v54 =	vadd.s32 v40, v54;
	v40 =	vld [tilespmem:$0x1FF00];
	v33 =	vadd.s32 $0xFFFFFFFF, v57  }
0xa0: {  	v1 =	vsel vm4, v3, v1;
	v3 =	vbroadcast v34, $0xF;
	vm4 =	vnez.u8 v45  }
0xa1: {  	v45 =	vbroadcast v6, $0x0;
	v6 =	vbroadcast v47, $0x0;
	v1 =	vsel vm4, v52, v1  }
0xa2: {  	v52 =	vadd.s32 v36, v3;
	v36 =	vadd.s32 $0xFFFFFFFF, v55;
	vm5 =	vnez.u8 v39;
	v39 =	vld [tilespmem:$0x1FEF0]  }
0xa3: {  	v0 =	vadd.s32 v0, v4;
	v34 =	vbroadcast v33, $0x0;
	v4 =	vbroadcast v36, $0x0  }
0xa4: {  	v3 =	vld [tilespmem:$0x30];
	vm4 =	vnez.u8 v40;
	v55 =	vadd.s32 v51, v6;
	v40 =	vadd.s32 $0xFFFFFFFF, v59  }
0xa5: {  	v1 =	vsel vm4, v54, v1;
	v54 =	vadd.s32 $0xFFFFFFFF, v56;
	v56 =	vadd.s32 $0xFFFFFFFF, v9  }
0xa6: {  	v9 =	vadd.s32 $0xFFFFFFFF, v63;
	v0 =	vsel vm5, v0, v2;
	v4 =	vadd.s32 v38, v4  }
0xa7: {  	v2 =	vadd.s32 v50, v45;
	v6 =	vbroadcast v56, $0x0;
	vm5 =	vnez.u8 v39  }
0xa8: {  	v2 =	vsel vm11, v2, v5;
	v5 =	vadd.s32 v48, v34;
	v0 =	vsel vm5, v52, v0;
	v52 =	vld [tilespmem:$0x1FF10]  }
0xa9: {  	vm1 =	veq.s32 v3, $0x0;
	v2 =	vsel vm12, v55, v2;
	v6 =	vadd.s32 v46, v6  }
0xaa: {  	v46 =	vadd.s32 $0xFFFFFFFF, v8;
	vm3 =	veq.s32 v3, $0x2;
	vm4 =	veq.s32 v3, $0x3  }
0xab: {  	v8 =	vld [tilespmem:$0x1FF30];
	vm12 =	veq.s32 v3, $0x4;
	v55 =	vadd.s32 $0xFFFFFFFF, v44;
	vm6 =	veq.s32 v3, $0x5  }
0xac: {  	v36 =	vsel vm1, $0x1, v32;
	v2 =	vsel vm13, v6, v2;
	v6 =	vbroadcast v46, $0x0  }
0xad: {  	v48 =	vsel vm3, $0x1, v32;
	v50 =	vsel vm4, $0x1, v32;
	v39 =	vld [tilespmem:$0x1FF20];
	vm5 =	vnez.u8 v52  }
0xae: {  	v56 =	vbroadcast v55, $0x0;
	v1 =	vsel vm5, v4, v1;
	vm5 =	veq.s32 v3, $0x1  }
0xaf: {  	v57 =	vsel vm6, $0x1, v32;
	(xrf0) =	vadd.scan.msk.s32 $0xffff, v36;
	v4 =	vbroadcast v54, $0x0;
	v47 =	vsel vm5, $0x1, v32  }
0xb0: {  	v2 =	vsel vm10, v5, v2;
	vm15 =	vnez.u8 v8;
	v8 =	vadd.s32 $0xFFFFFFFF, v53;
	(xrf0) =	vadd.scan.msk.s32 $0xffff, v47  }
0xb1: {  	v8 =	vbroadcast v8, $0x0;
	v4 =	vadd.s32 v37, v4;
	v37 =	vadd.s32 $0xFFFFFFFF, v58;
	(xrf0) =	vadd.scan.msk.s32 $0xffff, v48  }
0xb2: {  	vm13 =	vnez.u8 v39;
	v52 =	vadd.s32 $0xFFFFFFFF, v42;
	v38 =	vbroadcast v37, $0x0  }
0xb3: {  	v42 =	vadd.s32 $0xFFFFFFFF, v62;
	v1 =	vsel vm13, v4, v1;
	v4 =	vbroadcast v40, $0x0  }
0xb4: {  	v54 =	vsel vm12, $0x1, v32;
	v5 =	vbroadcast v52, $0x0;
	(xrf0) =	vadd.scan.msk.s32 $0xffff, v50;
	v45 =	vadd.s32 v49, v38  }
0xb5: {  	vm13 =	veq.s32 v3, $0x6;
	v4 =	vadd.s32 v41, v4;
	v49, _, _ =	vpop (xrf0);
	(xrf0) =	vadd.scan.msk.s32 $0xffff, v54;
	v2 =	vsel vm15, v45, v2  }
0xb6: {  	v59 =	vsel vm13, $0x1, v32;
	(xrf0) =	vadd.scan.msk.s32 $0xffff, v57;
	v2 =	vsel vm14, v4, v2;
	vm14 =	veq.s32 v3, $0x7;
	v58, _, _ =	vpop (xrf0)  }
0xb7: {  	v44 =	vbroadcast v42, $0x0;
	v38 =	vadd.s32 $0xFFFFFFFF, v61;
	v34 =	vsel vm14, $0x1, v32;
	v33, _, _ =	vpop (xrf0);
	(xrf0) =	vadd.scan.msk.s32 $0xffff, v59  }
0xb8: {  	v41 =	vadd.s32 $0xFFFFFFFF, v60;
	v51 =	vadd.s32 v49, v6;
	v39 =	vbroadcast v38, $0x0;
	(xrf0) =	vadd.scan.msk.s32 $0xffff, v34  }
0xb9: {  	v45 =	vadd.s32 $0xFFFFFFFF, v43;
	v4 =	vnsel vm1, $0x0, v51;
	v51 =	vld [tilespmem:$0x1FF40];
	v5 =	vadd.s32 v58, v5  }
0xba: {  	v6 =	vbroadcast v41, $0x0;
	v4 =	vsel vm5, v5, v4;
	v36 =	vadd.s32 v33, v56;
	v37, _, _ =	vpop (xrf0)  }
0xbb: {  	v7 =	vbroadcast v45, $0x0;
	v4 =	vsel vm3, v36, v4;
	v3 =	vadd.s32 v37, v8;
	v40, _, _ =	vpop (xrf0)  }
0xbc: {  	v48 =	vadd.s32 v35, v6;
	v3 =	vsel vm4, v3, v4;
	v4 =	vadd.s32 v40, v39;
	v8, _, _ =	vpop (xrf0)  }
0xbd: {  	v3 =	vsel vm12, v4, v3;
	v46 =	vadd.s32 v8, v44;
	v8 =	vbroadcast v9, $0x0;
	v47, _, _ =	vpop (xrf0)  }
0xbe: {  	[tilespmem:$0x1080] =	vst v0;
	vm15 =	vnez.u8 v51;
	v3 =	vsel vm6, v46, v3;
	v49 =	vadd.s32 v47, v7;
	v50, _, _ =	vpop (xrf0)  }
0xbf: {  	[tilespmem:$0x1090] =	vst v1;
	v0 =	vsel vm15, v48, v2;
	v52 =	vsel vm13, v49, v3;
	v53 =	vadd.s32 v50, v8  }
0xc0: {  	[tilespmem:$0x10A0] =	vst v0;
	v54 =	vsel vm14, v53, v52  }
0xc1: {  	s17 =	simm.s32 $0x1080;
	s16 =	rddreg [dreg:$0x5];
	[tilespmem:$0x10B0] =	vst v54  }
0xc2: {  	[hbm4b:s16+s0] =	stream.linear.scatter [tilespmem:s17], [sflag:$0x2], $0x40, $0x38;
	[tilespmem:$0x11180] =	vst v63  }
0xc3: {  	_ =	swait.ge [sflag:s15], $0x40  }
0xc4: {  	[sflag:s15] =	ssyncset.done $0x0  }
0xc5: {  	s18 =	rddreg [dreg:$0x3];
	[sflag:s15] =	ssyncadd.s32 $0xFFFFFFC0  }
0xc6: {  	[tilespmem:s19], [sflag:$0x2] =	stream.linear.gather [hbm4b:s18+s0], $0x10000, $0x38;
	[tilespmem:$0x11180] =	vst v63  }
0xc7: {  	_ =	swait.ge [sflag:s15], $0x10000  }
0xc8: {  	[sflag:s15] =	ssyncset.done $0x0  }
0xc9: {  	[sflag:s15] =	ssyncadd.s32 $0xFFFF0000  }
0xca: {  	v55 =	vld [tilespmem:$0x1080];
	_ =	sdelay $0x4  }
0xcb: {  	v56 =	vshll.u32 v55, $0x3  }
0xcc: {  	v0 =	vand.u32 $0x7, v55;
	v1 =	vand.u32 $0xFFFFFFC0, v56  }
0xcd: {  	v57 =	vand.u32 $0x7, v31;
	v58 =	vshrl.u32 v31, $0x3;
	v0 =	vor.u32 v0, v1  }
0xce: {  	v2 =	vmul.u32 $0x8, v58;
	v59 =	vperm.xlane v0, v57;
	_ =	sdelay $0x1  }
0xcf: {  	v3 =	vadd.s32 v2, v59;
	_ =	sdelay $0x4  }
0xd0: {  	v60 =	vor.u32 $0x8, v31;
	[hbm4b:s6+s0] =	stream.indirect_vreg.scatter [tilespmem:s19], [sflag:$0x1], $0x80, v3, vm8, $0xb8;
	[tilespmem:$0x11180] =	vst v63  }
0xd1: {  	s20 =	simm.s32 $0x1900;
	v0 =	vperm.xlane v0, v60  }
0xd2: {  	[hbm4b:s10+s0] =	stream.indirect_vreg.scatter [tilespmem:s20], [sflag:$0x1], $0x80, v3, vm8, $0xb8;
	[tilespmem:$0x11180] =	vst v63  }
0xd3: {  	s21 =	simm.s32 $0x2100;
	v0 =	vadd.s32 v2, v0  }
0xd4: {  	[hbm4b:s11+s0] =	stream.indirect_vreg.scatter [tilespmem:s21], [sflag:$0x1], $0x80, v3, vm8, $0xb8;
	[tilespmem:$0x11180] =	vst v63  }
0xd5: {  	s22 =	simm.s32 $0x2900  }
0xd6: {  	[hbm4b:s12+s0] =	stream.indirect_vreg.scatter [tilespmem:s22], [sflag:$0x1], $0x80, v3, vm8, $0xb8;
	[tilespmem:$0x11180] =	vst v63  }
0xd7: {  	s23 =	simm.s32 $0x3100  }
0xd8: {  	[hbm4b:s6+s0] =	stream.indirect_vreg.scatter [tilespmem:s23], [sflag:$0x1], $0x80, v0, vm8, $0xb8;
	[tilespmem:$0x11180] =	vst v63  }
0xd9: {  	s24 =	simm.s32 $0x3900  }
0xda: {  	[hbm4b:s10+s0] =	stream.indirect_vreg.scatter [tilespmem:s24], [sflag:$0x1], $0x80, v0, vm8, $0xb8;
	[tilespmem:$0x11180] =	vst v63  }
0xdb: {  	s25 =	simm.s32 $0x4100  }
0xdc: {  	[hbm4b:s11+s0] =	stream.indirect_vreg.scatter [tilespmem:s25], [sflag:$0x1], $0x80, v0, vm8, $0xb8;
	[tilespmem:$0x11180] =	vst v63  }
0xdd: {  	s26 =	simm.s32 $0x4900  }
0xde: {  	[hbm4b:s12+s0] =	stream.indirect_vreg.scatter [tilespmem:s26], [sflag:$0x1], $0x80, v0, vm8, $0xb8;
	[tilespmem:$0x11180] =	vst v63  }
0xdf: {  	v0 =	vld [tilespmem:$0x1090];
	_ =	sdelay $0x4  }
0xe0: {  	v61 =	vshll.u32 v0, $0x3  }
0xe1: {  	v0 =	vand.u32 $0x7, v0;
	v3 =	vand.u32 $0xFFFFFFC0, v61  }
0xe2: {  	v0 =	vor.u32 v0, v3  }
0xe3: {  	v3 =	vperm.xlane v0, v57;
	_ =	sdelay $0x1  }
0xe4: {  	v3 =	vadd.s32 v2, v3;
	_ =	sdelay $0x3  }
0xe5: {  	s28 =	simm.s32 $0x5100  }
0xe6: {  	[hbm4b:s6+s0] =	stream.indirect_vreg.scatter [tilespmem:s28], [sflag:$0x1], $0x80, v3, vm8, $0xb8;
	[tilespmem:$0x11180] =	vst v63  }
0xe7: {  	s29 =	simm.s32 $0x5900;
	v0 =	vperm.xlane v0, v60  }
0xe8: {  	[hbm4b:s10+s0] =	stream.indirect_vreg.scatter [tilespmem:s29], [sflag:$0x1], $0x80, v3, vm8, $0xb8;
	[tilespmem:$0x11180] =	vst v63  }
0xe9: {  	s30 =	simm.s32 $0x6100;
	v0 =	vadd.s32 v2, v0  }
0xea: {  	[hbm4b:s11+s0] =	stream.indirect_vreg.scatter [tilespmem:s30], [sflag:$0x1], $0x80, v3, vm8, $0xb8;
	[tilespmem:$0x11180] =	vst v63  }
0xeb: {  	s31 =	simm.s32 $0x6900  }
0xec: {  	[hbm4b:s12+s0] =	stream.indirect_vreg.scatter [tilespmem:s31], [sflag:$0x1], $0x80, v3, vm8, $0xb8;
	[tilespmem:$0x11180] =	vst v63  }
0xed: {  	s2 =	simm.s32 $0x7100  }
0xee: {  	[hbm4b:s6+s0] =	stream.indirect_vreg.scatter [tilespmem:s2], [sflag:$0x1], $0x80, v0, vm8, $0xb8;
	[tilespmem:$0x11180] =	vst v63  }
0xef: {  	s3 =	simm.s32 $0x7900  }
0xf0: {  	[hbm4b:s10+s0] =	stream.indirect_vreg.scatter [tilespmem:s3], [sflag:$0x1], $0x80, v0, vm8, $0xb8;
	[tilespmem:$0x11180] =	vst v63  }
0xf1: {  	s4 =	simm.s32 $0x8100  }
0xf2: {  	[hbm4b:s11+s0] =	stream.indirect_vreg.scatter [tilespmem:s4], [sflag:$0x1], $0x80, v0, vm8, $0xb8;
	[tilespmem:$0x11180] =	vst v63  }
0xf3: {  	s7 =	simm.s32 $0x8900  }
0xf4: {  	[hbm4b:s12+s0] =	stream.indirect_vreg.scatter [tilespmem:s7], [sflag:$0x1], $0x80, v0, vm8, $0xb8;
	[tilespmem:$0x11180] =	vst v63  }
0xf5: {  	v0 =	vld [tilespmem:$0x10A0];
	_ =	sdelay $0x4  }
0xf6: {  	v62 =	vshll.u32 v0, $0x3  }
0xf7: {  	v0 =	vand.u32 $0x7, v0;
	v3 =	vand.u32 $0xFFFFFFC0, v62  }
0xf8: {  	v0 =	vor.u32 v0, v3  }
0xf9: {  	v3 =	vperm.xlane v0, v57;
	_ =	sdelay $0x1  }
0xfa: {  	v3 =	vadd.s32 v2, v3;
	_ =	sdelay $0x3  }
0xfb: {  	s8 =	simm.s32 $0x9100  }
0xfc: {  	[hbm4b:s6+s0] =	stream.indirect_vreg.scatter [tilespmem:s8], [sflag:$0x1], $0x80, v3, vm8, $0xb8;
	[tilespmem:$0x11180] =	vst v63  }
0xfd: {  	s9 =	simm.s32 $0x9900;
	v0 =	vperm.xlane v0, v60  }
0xfe: {  	[hbm4b:s10+s0] =	stream.indirect_vreg.scatter [tilespmem:s9], [sflag:$0x1], $0x80, v3, vm8, $0xb8;
	[tilespmem:$0x11180] =	vst v63  }
0xff: {  	s16 =	simm.s32 $0xA100;
	v0 =	vadd.s32 v2, v0  }
0x100: {  	[hbm4b:s11+s0] =	stream.indirect_vreg.scatter [tilespmem:s16], [sflag:$0x1], $0x80, v3, vm8, $0xb8;
	[tilespmem:$0x11180] =	vst v63  }
0x101: {  	s17 =	simm.s32 $0xA900  }
0x102: {  	[hbm4b:s12+s0] =	stream.indirect_vreg.scatter [tilespmem:s17], [sflag:$0x1], $0x80, v3, vm8, $0xb8;
	[tilespmem:$0x11180] =	vst v63  }
0x103: {  	s18 =	simm.s32 $0xB100  }
0x104: {  	[hbm4b:s6+s0] =	stream.indirect_vreg.scatter [tilespmem:s18], [sflag:$0x1], $0x80, v0, vm8, $0xb8;
	[tilespmem:$0x11180] =	vst v63  }
0x105: {  	s20 =	simm.s32 $0xB900  }
0x106: {  	[hbm4b:s10+s0] =	stream.indirect_vreg.scatter [tilespmem:s20], [sflag:$0x1], $0x80, v0, vm8, $0xb8;
	[tilespmem:$0x11180] =	vst v63  }
0x107: {  	s21 =	simm.s32 $0xC100  }
0x108: {  	[hbm4b:s11+s0] =	stream.indirect_vreg.scatter [tilespmem:s21], [sflag:$0x1], $0x80, v0, vm8, $0xb8;
	[tilespmem:$0x11180] =	vst v63  }
0x109: {  	s22 =	simm.s32 $0xC900  }
0x10a: {  	[hbm4b:s12+s0] =	stream.indirect_vreg.scatter [tilespmem:s22], [sflag:$0x1], $0x80, v0, vm8, $0xb8;
	[tilespmem:$0x11180] =	vst v63  }
0x10b: {  	v0 =	vld [tilespmem:$0x10B0];
	_ =	sdelay $0x4  }
0x10c: {  	v63 =	vshll.u32 v0, $0x3  }
0x10d: {  	v0 =	vand.u32 $0x7, v0;
	v3 =	vand.u32 $0xFFFFFFC0, v63  }
0x10e: {  	v0 =	vor.u32 v0, v3  }
0x10f: {  	v1 =	vperm.xlane v0, v57;
	_ =	sdelay $0x1  }
0x110: {  	v1 =	vadd.s32 v2, v1;
	_ =	sdelay $0x3  }
0x111: {  	s23 =	simm.s32 $0xD100  }
0x112: {  	[hbm4b:s6+s0] =	stream.indirect_vreg.scatter [tilespmem:s23], [sflag:$0x1], $0x80, v1, vm8, $0xb8;
	[tilespmem:$0x11180] =	vst v63  }
0x113: {  	s24 =	simm.s32 $0xD900;
	v0 =	vperm.xlane v0, v60  }
0x114: {  	[hbm4b:s10+s0] =	stream.indirect_vreg.scatter [tilespmem:s24], [sflag:$0x1], $0x80, v1, vm8, $0xb8;
	[tilespmem:$0x11180] =	vst v63  }
0x115: {  	s25 =	simm.s32 $0xE100;
	v0 =	vadd.s32 v2, v0  }
0x116: {  	[hbm4b:s11+s0] =	stream.indirect_vreg.scatter [tilespmem:s25], [sflag:$0x1], $0x80, v1, vm8, $0xb8;
	[tilespmem:$0x11180] =	vst v63  }
0x117: {  	s26 =	simm.s32 $0xE900  }
0x118: {  	[hbm4b:s12+s0] =	stream.indirect_vreg.scatter [tilespmem:s26], [sflag:$0x1], $0x80, v1, vm8, $0xb8;
	[tilespmem:$0x11180] =	vst v63  }
0x119: {  	s28 =	simm.s32 $0xF100  }
0x11a: {  	[hbm4b:s6+s0] =	stream.indirect_vreg.scatter [tilespmem:s28], [sflag:$0x1], $0x80, v0, vm8, $0xb8;
	[tilespmem:$0x11180] =	vst v63  }
0x11b: {  	s13 =	sadd.s32 $0xFFFFFFFF, s13;
	s29 =	simm.s32 $0xF900  }
0x11c: {  	[hbm4b:s10+s0] =	stream.indirect_vreg.scatter [tilespmem:s29], [sflag:$0x1], $0x80, v0, vm8, $0xb8;
	[tilespmem:$0x11180] =	vst v63  }
0x11d: {  	p2 =	sne.s32 s13, $0x0;
	s30 =	simm.s32 $0x10100  }
0x11e: {  	[hbm4b:s11+s0] =	stream.indirect_vreg.scatter [tilespmem:s30], [sflag:$0x1], $0x80, v0, vm8, $0xb8;
	[tilespmem:$0x11180] =	vst v63  }
.Ltmp1:
0x11f: {  	s31 =	simm.s32 $0x10900;
	(pc) =	sbr.rel @!p2 .LBB2_4-.Ltmp1, $4  }
0x120: {  	[hbm4b:s12+s0] =	stream.indirect_vreg.scatter [tilespmem:s31], [sflag:$0x1], $0x80, v0, vm8, $0xb8;
	[tilespmem:$0x11180] =	vst v63  }
0x121: {  	_ =	swait.ge [sflag:s14], $0x10000  }
0x122: {  	[sflag:s14] =	ssyncset.done $0x0  }
0x123: {  	[sflag:s14] =	ssyncadd.s32 $0xFFFF0000  }
.LBB2_1:
0x124: {  	s1 =	rddreg [dreg:$0x4]  }
0x125: {  	[tilespmem:s0], [sflag:$0x2] =	stream.linear.gather [hbm4b:s1+s0], $0x40, $0x38;
	[tilespmem:$0x11180] =	vst v63  }
0x126: {  	_ =	swait.ge [sflag:s15], $0x40  }
0x127: {  	[sflag:s15] =	ssyncset.done $0x0  }
0x128: {  	s31 =	simm.s32 $0x80;
	[sflag:s15] =	ssyncadd.s32 $0xFFFFFFC0  }
0x129: {  	[tilespmem:s31], [sflag:$0x2] =	stream.linear.gather [hbm4b:s5+s0], $0x1000, $0x38;
	[tilespmem:$0x11180] =	vst v63  }
0x12a: {  	_ =	swait.ge [sflag:s15], $0x1000  }
0x12b: {  	[sflag:s15] =	ssyncset.done $0x0  }
0x12c: {  	[sflag:s15] =	ssyncadd.s32 $0xFFFFF000  }
0x12d: {  	v61 =	vld [tilespmem:$0x80]  }
0x12e: {  	v62 =	vld [tilespmem:$0x100]  }
0x12f: {  	v63 =	vld [tilespmem:$0x180]  }
0x130: {  	v60 =	vld [tilespmem:$0x200]  }
0x131: {  	v59 =	vld [tilespmem:$0x280]  }
0x132: {  	v58 =	vld [tilespmem:$0x300]  }
0x133: {  	v33 =	vld [tilespmem:$0x380];
	v0 =	vadd.s32 v62, v61  }
0x134: {  	v34 =	vld [tilespmem:$0x400];
	v0 =	vadd.s32 v63, v0  }
0x135: {  	v35 =	vld [tilespmem:$0x480];
	v0 =	vadd.s32 v60, v0  }
0x136: {  	v36 =	vld [tilespmem:$0x500];
	v0 =	vadd.s32 v59, v0  }
0x137: {  	v37 =	vld [tilespmem:$0x580];
	v0 =	vadd.s32 v58, v0  }
0x138: {  	v38 =	vld [tilespmem:$0x600];
	v0 =	vadd.s32 v33, v0  }
0x139: {  	v39 =	vld [tilespmem:$0x680];
	v0 =	vadd.s32 v34, v0  }
0x13a: {  	v40 =	vld [tilespmem:$0x700];
	v0 =	vadd.s32 v35, v0  }
0x13b: {  	v41 =	vld [tilespmem:$0x780];
	v0 =	vadd.s32 v36, v0  }
0x13c: {  	v42 =	vld [tilespmem:$0x800];
	v0 =	vadd.s32 v37, v0  }
0x13d: {  	v43 =	vld [tilespmem:$0x880];
	v0 =	vadd.s32 v38, v0  }
0x13e: {  	v44 =	vld [tilespmem:$0x900];
	v0 =	vadd.s32 v39, v0  }
0x13f: {  	v45 =	vld [tilespmem:$0x980];
	v0 =	vadd.s32 v40, v0  }
0x140: {  	v46 =	vld [tilespmem:$0xA00];
	v0 =	vadd.s32 v41, v0  }
0x141: {  	v47 =	vld [tilespmem:$0xA80];
	v0 =	vadd.s32 v42, v0  }
0x142: {  	v48 =	vld [tilespmem:$0xB00];
	v0 =	vadd.s32 v43, v0  }
0x143: {  	v49 =	vld [tilespmem:$0xB80];
	v0 =	vadd.s32 v44, v0  }
0x144: {  	v50 =	vld [tilespmem:$0xC00];
	v0 =	vadd.s32 v45, v0  }
0x145: {  	v51 =	vld [tilespmem:$0xC80];
	v0 =	vadd.s32 v46, v0  }
0x146: {  	v52 =	vld [tilespmem:$0xD00];
	v0 =	vadd.s32 v47, v0  }
0x147: {  	v53 =	vld [tilespmem:$0xD80];
	v0 =	vadd.s32 v48, v0  }
0x148: {  	v54 =	vld [tilespmem:$0xE00];
	v0 =	vadd.s32 v49, v0  }
0x149: {  	v55 =	vld [tilespmem:$0xE80];
	v0 =	vadd.s32 v50, v0  }
0x14a: {  	v56 =	vld [tilespmem:$0xF00];
	v0 =	vadd.s32 v51, v0  }
0x14b: {  	v57 =	vld [tilespmem:$0xF80];
	v0 =	vadd.s32 v52, v0  }
0x14c: {  	v1 =	vld [tilespmem:$0x1000];
	v0 =	vadd.s32 v53, v0  }
0x14d: {  	v0 =	vadd.s32 v54, v0  }
0x14e: {  	v0 =	vadd.s32 v55, v0  }
0x14f: {  	v0 =	vadd.s32 v56, v0  }
0x150: {  	v0 =	vadd.s32 v57, v0  }
0x151: {  	v0 =	vadd.s32 v1, v0  }
0x152: {  	v1 =	vadd.s32 $0xFF, v0  }
0x153: {  	v0 =	vand.u32 $0xFFFFFF00, v1  }
0x154: {  	(xrf0) =	vadd.scan.msk.s32 $0xffff, v0;
	_ =	sdelay $0x2  }
.Ltmp2:
0x155: {  	_ = 	snop;
	(pc) =	sbr.rel @p1 .LBB2_3-.Ltmp2, $3  }
0x156: {  	_ =	sdelay $0x1  }
0x157: {  	v2, _, _ =	vpop (xrf0)  }
0x158: {  	v0 =	vsub.s32 v2, v0  }
0x159: {  	v1 =	vshra.s32 v1, $0x8;
	v2 =	vshra.s32 v0, $0x8;
	vm0 =	vcmask $0x308  }
0x15a: {  	(xrf0) =	vadd.scan.msk.s32 $0xffff, v1;
	v3 =	vsel vm0, $0x0, v2  }
0x15b: {  	vm13 =	vcmask $0x70C;
	(xrf0) =	vadd.scan.msk.s32 $0xffff, v3;
	v3 =	vsel vm0, $0x0, v1  }
0x15c: {  	(xrf0) =	vadd.scan.msk.s32 $0xffff, v3;
	v3 =	vsel vm13, $0x0, v2  }
0x15d: {  	vm14 =	vcmask $0xB10;
	(xrf0) =	vadd.scan.msk.s32 $0xffff, v3;
	v3 =	vsel vm13, $0x0, v1  }
0x15e: {  	(xrf0) =	vadd.scan.msk.s32 $0xffff, v3;
	v3 =	vsel vm14, $0x0, v2  }
0x15f: {  	vm15 =	vcmask $0xF14;
	(xrf0) =	vadd.scan.msk.s32 $0xffff, v3;
	v3 =	vsel vm14, $0x0, v1  }
0x160: {  	v4, _, _ =	vpop (xrf0);
	(xrf0) =	vadd.scan.msk.s32 $0xffff, v3;
	v3 =	vsel vm15, $0x0, v2  }
0x161: {  	vm4 =	vcmask $0x1318;
	(v2sf) =	vpush v4, $0xF;
	v5, _, _ =	vpop (xrf0);
	(xrf0) =	vadd.scan.msk.s32 $0xffff, v3;
	v3 =	vsel vm15, $0x0, v1  }
0x162: {  	(v2sf) =	vpush v5, $0xF;
	v6, _, _ =	vpop (xrf0);
	(xrf0) =	vadd.scan.msk.s32 $0xffff, v3;
	v3 =	vsel vm4, $0x0, v2  }
0x163: {  	vm5 =	vcmask $0x171C;
	(v2sf) =	vpush v6, $0xF;
	v6, _, _ =	vpop (xrf0);
	(xrf0) =	vadd.scan.msk.s32 $0xffff, v3;
	v3 =	vsel vm4, $0x0, v1  }
0x164: {  	(v2sf) =	vpush v6, $0xF;
	v7, _, _ =	vpop (xrf0);
	(xrf0) =	vadd.scan.msk.s32 $0xffff, v3;
	v3 =	vsel vm5, $0x0, v2  }
0x165: {  	vm12 =	vcmask $0x1B20;
	(v2sf) =	vpush v7, $0xF;
	v7, _, _ =	vpop (xrf0);
	(xrf0) =	vadd.scan.msk.s32 $0xffff, v3;
	v3 =	vsel vm5, $0x0, v1  }
0x166: {  	v2 =	vsel vm12, $0x0, v2  }
0x167: {  	v1 =	vsel vm12, $0x0, v1;
	(v2sf) =	vpush v7, $0xF;
	v8, _, _ =	vpop (xrf0);
	(xrf0) =	vadd.scan.msk.s32 $0xffff, v3  }
0x168: {  	(v2sf) =	vpush v8, $0xF;
	v3, _, _ =	vpop (xrf0);
	(xrf0) =	vadd.scan.msk.s32 $0xffff, v2  }
0x169: {  	(v2sf) =	vpush v3, $0xF;
	v2, _, _ =	vpop (xrf0);
	(xrf0) =	vadd.scan.msk.s32 $0xffff, v1  }
0x16a: {  	v1, _, _ =	vpop (xrf0);
	(v2sf) =	vpush v2, $0xF  }
0x16b: {  	v2, _, _ =	vpop (xrf0);
	(v2sf) =	vpush v1, $0xF  }
0x16c: {  	v8, _, _ =	vpop (xrf0);
	(v2sf) =	vpush v2, $0xF  }
0x16d: {  	v2, _, _ =	vpop (xrf0);
	(v2sf) =	vpush v8, $0xF  }
0x16e: {  	v9, _, _ =	vpop (xrf0);
	(v2sf) =	vpush v2, $0xF  }
0x16f: {  	(v2sf) =	vpush v9, $0xF;
	v2, _, _ =	vpop (xrf0)  }
0x170: {  	(v2sf) =	vpush v2, $0xF  }
0x171: {  	s1 =	spop (v2sf)  }
0x172: {  	s9 =	spop (v2sf)  }
0x173: {  	s16 =	spop (v2sf)  }
0x174: {  	s1 =	sadd.s32 $0xFFFFFFFF, s1;
	s17 =	spop (v2sf)  }
0x175: {  	v2 =	vmov s1;
	s18 =	spop (v2sf)  }
0x176: {  	vm13 =	vlt.s32 v2, v31;
	v2 =	vbroadcast v5, $0xF;
	s20 =	spop (v2sf)  }
0x177: {  	v6 =	vbroadcast v6, $0xF;
	v3 =	vbroadcast v3, $0xF;
	s4 =	sadd.s32 s16, s9;
	v5 =	vsel vm13, s1, v31;
	s8 =	spop (v2sf)  }
0x178: {  	v1 =	vbroadcast v1, $0xF;
	s7 =	sadd.s32 s18, s17;
	vm0 =	vlt.s32 v5, s4;
	vm1 =	vge.s32 v5, v2;
	s17 =	spop (v2sf)  }
0x179: {  	vm14 =	vge.s32 v5, v6;
	v2 =	vbroadcast v7, $0xF;
	vm12 =	vge.s32 v5, v3;
	s18 =	sadd.s32 s8, s20;
	s20 =	spop (v2sf)  }
0x17a: {  	v3 =	vbroadcast v9, $0xF;
	vm2 =	vlt.s32 v5, s7;
	vm0 =	vmand vm1, vm0;
	s21 =	spop (v2sf)  }
0x17b: {  	vm1 =	vmand vm14, vm2;
	v6 =	vsel vm0, $0x1, v32;
	vm4 =	vge.s32 v5, v2;
	s22 =	spop (v2sf)  }
0x17c: {  	vm14 =	vge.s32 v5, v1;
	v1 =	vbroadcast v8, $0xF;
	vm15 =	vlt.s32 v5, s18;
	s1 =	sadd.s32 s20, s17;
	s23 =	spop (v2sf)  }
0x17d: {  	v2 =	vsel vm1, $0x2, v6;
	vm0 =	vmand vm4, vm15;
	vm5 =	vlt.s32 v5, s1;
	s24 =	spop (v2sf)  }
0x17e: {  	v2 =	vsel vm0, $0x3, v2;
	s9 =	sadd.s32 s22, s21;
	vm0 =	vmand vm12, vm5;
	s25 =	spop (v2sf)  }
0x17f: {  	vm5 =	vge.s32 v5, v1;
	vm12 =	vge.s32 v5, v3;
	vm13 =	vlt.s32 v5, s9;
	s1 =	sadd.s32 s24, s23;
	s26 =	spop (v2sf)  }
0x180: {  	v2 =	vsel vm0, $0x4, v2;
	vm15 =	vmand vm14, vm13;
	vm4 =	vlt.s32 v5, s1;
	s28 =	sadd.s32 s26, s25  }
0x181: {  	v2 =	vsel vm15, $0x5, v2;
	vm0 =	vmand vm5, vm4;
	vm13 =	vlt.s32 v5, s28  }
0x182: {  	v1 =	vsel vm0, $0x6, v2;
	vm14 =	vmand vm12, vm13  }
0x183: {  	v1 =	vsel vm14, $0x7, v1  }
0x184: {  	s29 =	rddreg [dreg:$0x6];
	s2 =	simm.s32 $0x11100;
	[tilespmem:$0x11100] =	vst v1  }
0x185: {  	[hbm4b:s29+s0] =	stream.linear.scatter [tilespmem:s2], [sflag:$0x2], $0x80, $0x38;
	[tilespmem:$0x11180] =	vst v63  }
0x186: {  	_ =	swait.ge [sflag:s15], $0x80  }
0x187: {  	[sflag:s15] =	ssyncset.done $0x0  }
0x188: {  	[sflag:s15] =	ssyncadd.s32 $0xFFFFFF80  }
0x189: {  	s30 =	rddreg [dreg:$0x7];
	[tilespmem:$0x11100] =	vst v5  }
0x18a: {  	v1 =	vbroadcast v4, $0xF;
	[hbm4b:s30+s0] =	stream.linear.scatter [tilespmem:s2], [sflag:$0x2], $0x80, $0x38;
	[tilespmem:$0x11180] =	vst v63  }
0x18b: {  	_ =	swait.ge [sflag:s15], $0x80  }
0x18c: {  	vm15 =	vgt.s32 v1, v31;
	[sflag:s15] =	ssyncset.done $0x0  }
0x18d: {  	v1 =	vsel vm15, $0x1, v32;
	[sflag:s15] =	ssyncadd.s32 $0xFFFFFF80  }
.Ltmp3:
0x18e: {  	s31 =	rddreg [dreg:$0x8];
	[tilespmem:$0x11100] =	vst v1;
	(pc) =	sbr.rel .LBB2_3-.Ltmp3, $4  }
0x18f: {  	[hbm4b:s31+s0] =	stream.linear.scatter [tilespmem:s2], [sflag:$0x2], $0x80, $0x38;
	[tilespmem:$0x11180] =	vst v63  }
0x190: {  	_ =	swait.ge [sflag:s15], $0x80  }
0x191: {  	[sflag:s15] =	ssyncset.done $0x0  }
0x192: {  	[sflag:s15] =	ssyncadd.s32 $0xFFFFFF80  }
.LBB2_4:
0x193: {  	_ =	sfence.sel $0x180000  }
0x194: {  	[bflag:$0x0] =	sbarrier.arrive $0xFFFF  }
0x195: {  	_ =	strace $0x90000047  }
0x196: {  	[bflag:$0x2] =	sbarrier.arrive $0xFFFF  }
0x197: {  	s0 =	rddreg [dreg:$0x2]  }
0x198: {  	s0 =	sadd.s32 @!p0 $0x100000, s0  }
0x199: {  	[sflag:s0] =	ssyncadd.tile.s32 @!p0 $0x1;
	_ =	shalt  }
.Lfunc_end2:
_tile_overlayer_lowered:
.L_overlay_start_2:
0x19a: {  	(tag) =	ssettag $0x2  }
0x19b: {  	s0 =	rddreg [dreg:$0x0];
	s2 =	stileid.u32  }
0x19c: {  	s1 =	rddreg [dreg:$0x1];
	p0 =	sne.s32 s2, $0x0  }
0x19d: {  	s3 =	rddreg [dreg:$0x2];
	[bflag:$0x3] =	sbarrier.arrive $0xFFFF;
	s2 =	simm.s32 @!p0 $0x1C02  }
0x19e: {  	[timem:s3], [sflag:s2] =	dma.local @!p0 [hbm:s0], s1  }
0x19f: {  	s0 =	simm.s32 @!p0 $0x2  }
0x1a0: {  	_ =	swait.ge @!p0 [sflag:s0], s1  }
0x1a1: {  	s1 =	ssub.s32 @!p0 $0x0, s1;
	[sflag:s0] =	ssyncset.done @!p0 $0x0  }
0x1a2: {  	[sflag:s0] =	ssyncadd.s32 @!p0 s1  }
0x1a3: {  	[bflag:$0x3] =	sbarrier.arrive $0xFFFF  }
0x1a4: {  	_ =	shalt  }

// kernel: kernel.9.cloned.1.call-start
scs
__scs_entry_jumppad:
0x0: {  	(pc) =	sbr.rel $0x88, $3  }
0x1: {  	(tag) =	ssettag $0x0;
	lr =	simm.s32 $0x1  }
0x2: {  	[smem:$0x3F99] =	sst lr;
	_ =	strace $0xD0000000  }
0x3: {  	_ = 	snop  }
0x4: {  	_ = 	snop  }
0x5: {  	_ = 	snop  }
0x6: {  	_ = 	snop  }
0x7: {  	_ = 	snop  }
__scs_overlays_trampoline_lowered:
0x8: {  	[smem:$0x3FA8] =	sst s0  }
0x9: {  	[smem:$0x3FA9] =	sst s1  }
0xa: {  	[smem:$0x3FAA] =	sst s2  }
0xb: {  	[smem:$0x3FAB] =	sst s3  }
0xc: {  	[smem:$0x3FAC] =	sst s4  }
0xd: {  	[smem:$0x3FAD] =	sst s5  }
0xe: {  	[smem:$0x3FAE] =	sst s6  }
0xf: {  	[smem:$0x3FAF] =	sst s7  }
0x10: {  	[smem:$0x3FB0] =	sst s8  }
0x11: {  	[smem:$0x3FB1] =	sst s9;
	s0 =	simm.s32 @!p0 $0x0  }
0x12: {  	s1 =	sld [smem:$0x3F97];
	s0 =	simm.s32 @p0 $0x1  }
0x13: {  	[smem:$0x3FB2] =	sst s0;
	s0 =	simm.s32 @!p1 $0x0  }
0x14: {  	s2 =	sld [smem:$0x3F96];
	s0 =	simm.s32 @p1 $0x1  }
0x15: {  	[smem:$0x3FB3] =	sst s0;
	s0 =	simm.s32 @!p2 $0x0  }
0x16: {  	s3 =	sld [smem:$0x3FDB];
	s0 =	simm.s32 @p2 $0x1  }
0x17: {  	s4 =	simm.s32 $0x1BF5;
	[smem:$0x3FB5] =	sst s0  }
0x18: {  	s0 =	sld [smem:$0x3F98];
	_ =	swait.ge [sflag:s4], $0x0  }
0x19: {  	s7 =	sld [smem:$0x3F99]  }
0x1a: {  	s8 =	sadd.s32 $0xFFFFE003, lr  }
0x1b: {  	s9 =	sadd.s32 $0xFFFFFEF7, lr;
	s5 =	simm.s32 $0xFFFFFFFF;
	p2 =	slt.u32 s8, $0xFFFFF086  }
0x1c: {  	p1 =	slt.u32 s9, $0xF7A;
	s5 =	simm.s32 @!p2 $0x0  }
0x1d: {  	s5 =	simm.s32 @p1 $0x1;
	p0 =	seq.s32 s7, s2  }
0x1e: {  	s7 =	smul.u32 @!p0 $0xF7A, s2;
	p2 =	seq.s32 @!p0 s5, $0x0  }
0x1f: {  	s9 =	smul.u32 $0xF7A, s1;
	s8 =	simm.s32 @!p0 $0x1BF5;
	p2 =	por !p2, p0  }
0x20: {  	[sflag:s8] =	ssyncset.s32 @!p0 $0xFFFFF086;
	s6 =	sadd.s32 @!p0 s3, s7;
	s7 =	simm.s32 @!p0 $0x108  }
0x21: {  	s3 =	sadd.s32 s3, s9;
	s6 =	sadd.s32 @!p0 $0x88, s6;
	s7 =	simm.s32 @p2 $0x1082  }
0x22: {  	[simem:s7], [sflag:s8] =	dma.local @!p0 [hbm:s6], $0xF7A  }
0x23: {  	s9 =	sor.u32 $0xD0000000, s2;
	s6 =	simm.s32 $0x108;
	_ =	swait.ge @!p0 [sflag:s8], $0x0  }
0x24: {  	s3 =	sadd.s32 $0x88, s3;
	s6 =	simm.s32 @!p1 $0x1082;
	[sflag:s4] =	ssyncset.s32 $0xFFFFF086  }
0x25: {  	[simem:s6], [sflag:s4] =	dma.local [hbm:s3], $0xF7A  }
0x26: {  	[smem:$0x3F99] =	sst s1;
	(tag) =	ssettag s2;
	_ =	strace s9  }
0x27: {  	s1 =	sld [smem:$0x3FA9]  }
0x28: {  	s2 =	sld [smem:$0x3FAA]  }
0x29: {  	s4 =	sld [smem:$0x3FAC]  }
0x2a: {  	p0 =	seq.s32 s5, $0x0;
	s5 =	sld [smem:$0x3FAD]  }
0x2b: {  	s6 =	sld [smem:$0x3FAE]  }
0x2c: {  	s7 =	sld [smem:$0x3FAF]  }
0x2d: {  	s3 =	simm.s32 $0x108;
	s8 =	sld [smem:$0x3FB0]  }
0x2e: {  	s3 =	simm.s32 @!p0 $0x1082;
	s9 =	sld [smem:$0x3FB1]  }
0x2f: {  	lr =	sadd.s32 s0, s3;
	s0 =	sld [smem:$0x3FA8]  }
0x30: {  	s3 =	sld [smem:$0x3FAB]  }
0x31: {  	[smem:$0x3FB4] =	sst s10  }
0x32: {  	s10 =	sld [smem:$0x3FB2];
	_ =	sdelay $0x3  }
0x33: {  	p0 =	seq.s32 s10, $0x1;
	s10 =	sld [smem:$0x3FB4];
	_ =	sdelay $0x3  }
0x34: {  	[smem:$0x3FB4] =	sst s10  }
0x35: {  	s10 =	sld [smem:$0x3FB3];
	_ =	sdelay $0x3  }
0x36: {  	p1 =	seq.s32 s10, $0x1;
	s10 =	sld [smem:$0x3FB4];
	_ =	sdelay $0x3  }
0x37: {  	[smem:$0x3FB4] =	sst s10  }
0x38: {  	s10 =	sld [smem:$0x3FB5]  }
0x39: {  	_ = 	snop;
	(pc) =	sbr.ind lr, $3  }
0x3a: {  	_ = 	snop  }
0x3b: {  	_ = 	snop  }
0x3c: {  	p2 =	seq.s32 s10, $0x1;
	s10 =	sld [smem:$0x3FB4]  }
0x3d: {  	_ =	shalt  }
0x3e: {  	_ =	shalt  }
0x3f: {  	_ =	shalt  }
0x40: {  	_ =	shalt  }
0x41: {  	_ =	shalt  }
0x42: {  	_ =	shalt  }
0x43: {  	_ =	shalt  }
0x44: {  	_ =	shalt  }
0x45: {  	_ =	shalt  }
0x46: {  	_ =	shalt  }
0x47: {  	_ =	shalt  }
0x48: {  	_ =	shalt  }
0x49: {  	_ =	shalt  }
0x4a: {  	_ =	shalt  }
0x4b: {  	_ =	shalt  }
0x4c: {  	_ =	shalt  }
0x4d: {  	_ =	shalt  }
0x4e: {  	_ =	shalt  }
0x4f: {  	_ =	shalt  }
0x50: {  	_ =	shalt  }
0x51: {  	_ =	shalt  }
0x52: {  	_ =	shalt  }
0x53: {  	_ =	shalt  }
0x54: {  	_ =	shalt  }
0x55: {  	_ =	shalt  }
0x56: {  	_ =	shalt  }
0x57: {  	_ =	shalt  }
0x58: {  	_ =	shalt  }
0x59: {  	_ =	shalt  }
0x5a: {  	_ =	shalt  }
0x5b: {  	_ =	shalt  }
0x5c: {  	_ =	shalt  }
0x5d: {  	_ =	shalt  }
0x5e: {  	_ =	shalt  }
0x5f: {  	_ =	shalt  }
0x60: {  	_ =	shalt  }
0x61: {  	_ =	shalt  }
0x62: {  	_ =	shalt  }
0x63: {  	_ =	shalt  }
0x64: {  	_ =	shalt  }
0x65: {  	_ =	shalt  }
0x66: {  	_ =	shalt  }
0x67: {  	_ =	shalt  }
0x68: {  	_ =	shalt  }
0x69: {  	_ =	shalt  }
0x6a: {  	_ =	shalt  }
0x6b: {  	_ =	shalt  }
0x6c: {  	_ =	shalt  }
0x6d: {  	_ =	shalt  }
0x6e: {  	_ =	shalt  }
0x6f: {  	_ =	shalt  }
0x70: {  	_ =	shalt  }
0x71: {  	_ =	shalt  }
0x72: {  	_ =	shalt  }
0x73: {  	_ =	shalt  }
0x74: {  	_ =	shalt  }
0x75: {  	_ =	shalt  }
0x76: {  	_ =	shalt  }
0x77: {  	_ =	shalt  }
0x78: {  	_ =	shalt  }
0x79: {  	_ =	shalt  }
0x7a: {  	_ =	shalt  }
0x7b: {  	_ =	shalt  }
0x7c: {  	_ =	shalt  }
0x7d: {  	_ =	shalt  }
0x7e: {  	_ =	shalt  }
0x7f: {  	_ =	shalt  }
0x80: {  	_ =	shalt  }
0x81: {  	_ =	shalt  }
0x82: {  	_ =	shalt  }
0x83: {  	_ =	shalt  }
0x84: {  	_ =	shalt  }
0x85: {  	_ =	shalt  }
0x86: {  	_ =	shalt  }
0x87: {  	_ =	shalt  }
.Lfunc_end0:
.L_simem_size_0:
called_computation.1_lowered:
.L_overlay_start_0:
0x88: {  	s2 =	sld [smem:$0x3FD9]  }
0x89: {  	s3 =	sld [smem:$0x3FFE];
	_ =	sdelay $0x1  }
0x8a: {  	s1 =	srdreg.scid  }
0x8b: {  	s0 =	sand.u32 $0x1, s1  }
0x8c: {  	s17 =	sshll.u32 s0, $0xA;
	s2 =	sadd.s32 s3, s2  }
0x8d: {  	s2 =	sadd.s32 s2, s17  }
0x8e: {  	[smem:$0x3FC0] =	sst s2  }
0x8f: {  	_ = 	snop  }
0x90: {  	s2 =	sld [smem:$0x3FD0];
	(tm) =	ssettm $0x1  }
0x91: {  	s18 =	sld [smem:$0x3FFB];
	_ =	sdelay $0x3  }
0x92: {  	_ =	strace s18  }
0x93: {  	s3 =	sld [smem:$0x3FFC];
	_ =	sdelay $0x3  }
0x94: {  	_ =	strace s3  }
0x95: {  	s3 =	sld [smem:$0x3FFD];
	_ =	sdelay $0x3  }
0x96: {  	_ =	strace s3  }
0x97: {  	_ =	strace $0x8FFFFFFF  }
0x98: {  	s19 =	sld [smem:$0x3FDB];
	_ =	sdelay $0x1  }
0x99: {  	s4 =	simm.s32 $_scs_section_size  }
0x9a: {  	s5 =	simm.s32 $_size__tile_overlayer_lowered;
	s6 =	simm.s32 $_tile_overlayer_lowered  }
0x9b: {  	s22 =	simm.s32 $0x1BFF;
	s21 =	sshll.u32 s6, $0x1;
	s3 =	sadd.s32 s4, s19  }
0x9c: {  	s7 =	simm.s32 $0x0;
	s20 =	sshll.u32 s5, $0x1;
	s5 =	sadd.s32 s21, s3  }
0x9d: {  	[timem:s7], [sflag:s22] =	dma.local [hbm:s5], s20  }
0x9e: {  	_ =	swait.ge [sflag:s22], s20  }
0x9f: {  	s4 =	ssub.s32 $0x0, s20;
	[sflag:s22] =	ssyncset.done $0x0  }
0xa0: {  	[sflag:s22] =	ssyncadd.s32 s4;
	_ =	sdelay $0x1  }
0xa1: {  	s23 =	simm.s32 $0x1B8B  }
0xa2: {  	_ =	swait.ge [sflag:s23], $0x1  }
0xa3: {  	[sflag:s23] =	ssyncset.done $0x0  }
0xa4: {  	s25 =	simm.s32 $0x1B8E;
	s24 =	sld [smem:$0x3FFE];
	[sflag:s23] =	ssyncadd.s32 $0xFFFFFFFF  }
0xa5: {  	s26 =	simm.s32 $execute0_lowered;
	[smem:$0x3FD2] =	sst s25  }
0xa6: {  	s5 =	sshll.u32 s26, $0x1;
	_ =	strace $0x80000049;
	[dreg:$0x1] =	wrdreg $0xFFFFFFFF  }
0xa7: {  	s28 =	simm.s32 $_size_execute0_lowered;
	s3 =	sadd.s32 s3, s5;
	[dreg:$0x0] =	wrdreg $0x0  }
0xa8: {  	s5 =	sshll.u32 s28, $0x1;
	[dreg:$0x2] =	wrdreg s3  }
0xa9: {  	[dreg:$0x3] =	wrdreg s5  }
0xaa: {  	[dreg:$0x4] =	wrdreg $0xC0  }
0xab: {  	_ =	task [dreg:s7], $0x5FFFF  }
0xac: {  	[dreg:$0x1] =	wrdreg $0xFFFFFFFF  }
0xad: {  	[dreg:$0x0] =	wrdreg $0x60  }
0xae: {  	[dreg:$0x2] =	wrdreg s24  }
0xaf: {  	[dreg:$0x3] =	wrdreg s2  }
0xb0: {  	[dreg:$0x4] =	wrdreg $0x9  }
0xb1: {  	_ =	task.clear_ibuf [dreg:s7], $0x5FFFF;
	_ =	strace $0x90000049  }
0xb2: {  	s29 =	simm.s32 $0x9;
	_ =	strace $0x8000004B  }
0xb3: {  	_ =	swait.ge [sflag:s29], $0x1  }
0xb4: {  	[sflag:s29] =	ssyncadd.s32 $0xFFFFFFFF  }
0xb5: {  	_ =	strace $0x9000004B  }
0xb6: {  	_ =	sfence  }
0xb7: {  	s30 =	sld [smem:$0x0];
	_ =	sdelay $0x2  }
0xb8: {  	s31 =	sshll.u32 s1, $0xD;
	s1 =	sshrl.u32 s1, $0x2  }
0xb9: {  	s3 =	sand.u32 $0x4000, s31;
	s1 =	sadd.s32 s1, s30  }
0xba: {  	s0 =	sor.u32 s3, s0;
	s1 =	sshll.u32 s1, $0x11  }
0xbb: {  	s0 =	sor.u32 s1, s0  }
0xbc: {  	s0 =	sadd.s32 $0x8F2B, s0  }
0xbd: {  	[sflag:s0] =	ssyncadd.remote.s32 $0x1  }
0xbe: {  	_ =	sfence.sel $0xFFFF  }
0xbf: {  	[dreg:$0x0] =	wrdreg $0xFFFFFFFF;
	(pc) =	sbr.abs _section_cstart, $3  }
0xc0: {  	[dreg:$0x1] =	wrdreg $0xFFFFFFFF  }
0xc1: {  	_ =	task.clear_ibuf [dreg:s7], $0x2FFFF;
	_ =	strace $0x9FFFFFFF  }
0xc2: {  	(tm) =	ssettm $0x7FFFFFFF  }
0xc3: {  	_ =	shalt  }
tec
execute0_lowered:
.L_overlay_start_1:
0x0: {  	(tag) =	ssettag $0x1  }
0x1: {  	s1 =	srdreg.scid  }
0x2: {  	s0 =	stileid.u32;
	s6 =	rddreg [dreg:$0x0]  }
0x3: {  	s4 =	rddreg [dreg:$0x1];
	s18 =	simm.s32 $0x880;
	s19 =	simm.s32 $0x1080  }
0x4: {  	s20 =	simm.s32 $0x1880;
	s22 =	simm.s32 $0x2080;
	s23 =	simm.s32 $0x2880  }
0x5: {  	s7 =	simm.s32 $0x3080;
	s24 =	simm.s32 $0x3880;
	s8 =	simm.s32 $0x4080  }
0x6: {  	s25 =	simm.s32 $0x4880;
	s26 =	simm.s32 $0x5080;
	s1 =	sand.u32 $0x1, s1  }
0x7: {  	s9 =	simm.s32 $0x80;
	s2 =	sshll.u32 s0, $0x7;
	s3 =	sshll.u32 s1, $0x6  }
0x8: {  	s11 =	simm.s32 $0x6080;
	s3 =	sor.u32 s3, s2;
	s2 =	simm.s32 $0x0  }
0x9: {  	s12 =	simm.s32 $0x6880;
	s13 =	simm.s32 $0x7080;
	[smem:$0x7FF] =	sst s2  }
0xa: {  	s14 =	simm.s32 $0x7880;
	_ =	strace $0x8000004A;
	[dreg:$0x5] =	wrdreg s18  }
0xb: {  	s15 =	simm.s32 $0x8080;
	s16 =	simm.s32 $0x8880;
	[dreg:$0x6] =	wrdreg s19  }
0xc: {  	s17 =	simm.s32 $0x9080;
	s28 =	simm.s32 $0xE080;
	[dreg:$0x7] =	wrdreg s20  }
0xd: {  	s29 =	simm.s32 $0xE880;
	s30 =	simm.s32 $0xF080;
	[dreg:$0x8] =	wrdreg s22  }
0xe: {  	s31 =	simm.s32 $0xF880;
	s1 =	ssub.s32 $0x2, s1;
	[dreg:$0x9] =	wrdreg s23  }
0xf: {  	s21 =	sshrl.u32 s1, $0x1;
	s5 =	sshrl.u32 s3, $0x3;
	[dreg:$0xa] =	wrdreg s7  }
0x10: {  	s3 =	sshll.u32 s3, $0x7;
	s1 =	ssub.s32 s1, s21;
	[dreg:$0xb] =	wrdreg s24  }
0x11: {  	s21 =	simm.s32 $0xB080;
	s5 =	sadd.s32 s5, s6;
	[dreg:$0xc] =	wrdreg s8  }
0x12: {  	s3 =	sadd.s32 s4, s3;
	s4 =	sadd.s32 $0x83B00, s6;
	[dreg:$0xd] =	wrdreg s25  }
0x13: {  	s7 =	smax.u32 s1, $0x1;
	s8 =	simm.s32 $0x2;
	[dreg:$0xe] =	wrdreg s26  }
0x14: {  	s18 =	simm.s32 $0x9880;
	s19 =	simm.s32 $0xA080;
	s20 =	simm.s32 $0xA880  }
0x15: {  	s22 =	simm.s32 $0xB880;
	s23 =	simm.s32 $0xC080;
	s24 =	simm.s32 $0xC880  }
0x16: {  	v2 =	vlaneseq.u32;
	s25 =	simm.s32 $0xD080;
	s26 =	simm.s32 $0xD880;
	s1 =	simm.s32 $0x1  }
0x17: {  	vm0 =	vmmov $0xffff;
	v1 =	vshrl.u32 v2, $0x3;
	s5 =	sadd.s32 $0x82800, s5;
	[dreg:$0x4] =	wrdreg s3;
	s3 =	sadd.s32 $0x83A00, s6  }
0x18: {  	v0 =	vand.u32 $0x7, v2;
	v2 =	vor.u32 $0x8, v2;
	v1 =	vmul.u32 $0x8, v1;
	[dreg:$0x3] =	wrdreg s5;
	s5 =	sadd.s32 $0x83C00, s6;
	s6 =	sadd.s32 $0x83D00, s6  }
.LBB2_1:
0x19: {  	s0 =	rddreg [dreg:$0x3]  }
0x1a: {  	[tilespmem:s2], [sflag:$0x2] =	stream.linear.gather [hbm4b:s0+s2], $0x40, $0x38;
	[tilespmem:$0x10080] =	vst v63  }
0x1b: {  	_ =	swait.ge [sflag:s8], $0x40  }
0x1c: {  	[sflag:s8] =	ssyncset.done $0x0  }
0x1d: {  	[sflag:s8] =	ssyncadd.s32 $0xFFFFFFC0  }
0x1e: {  	v3 =	vld [tilespmem:$0x0];
	_ =	sdelay $0x4  }
0x1f: {  	v4 =	vshll.u32 v3, $0x3  }
0x20: {  	v3 =	vand.u32 $0x7, v3;
	v4 =	vand.u32 $0xFFFFFFC0, v4  }
0x21: {  	v3 =	vor.u32 v3, v4  }
0x22: {  	v4 =	vperm.xlane v3, v0;
	_ =	sdelay $0x1  }
0x23: {  	v4 =	vadd.s32 v1, v4;
	_ =	sdelay $0x4  }
0x24: {  	[tilespmem:s9], [sflag:$0x1] =	stream.indirect_vreg.gather [hbm4b:s3+s2], $0x80, v4, vm0, $0xb8;
	[tilespmem:$0x10080] =	vst v63  }
0x25: {  	s0 =	rddreg [dreg:$0x5];
	v3 =	vperm.xlane v3, v2  }
0x26: {  	[tilespmem:s0], [sflag:$0x1] =	stream.indirect_vreg.gather [hbm4b:s4+s2], $0x80, v4, vm0, $0xb8;
	[tilespmem:$0x10080] =	vst v63  }
0x27: {  	s10 =	rddreg [dreg:$0x6];
	v3 =	vadd.s32 v1, v3  }
0x28: {  	[tilespmem:s10], [sflag:$0x1] =	stream.indirect_vreg.gather [hbm4b:s5+s2], $0x80, v4, vm0, $0xb8;
	[tilespmem:$0x10080] =	vst v63  }
0x29: {  	s0 =	rddreg [dreg:$0x7]  }
0x2a: {  	[tilespmem:s0], [sflag:$0x1] =	stream.indirect_vreg.gather [hbm4b:s6+s2], $0x80, v4, vm0, $0xb8;
	[tilespmem:$0x10080] =	vst v63  }
0x2b: {  	s10 =	rddreg [dreg:$0x8]  }
0x2c: {  	[tilespmem:s10], [sflag:$0x1] =	stream.indirect_vreg.gather [hbm4b:s3+s2], $0x80, v3, vm0, $0xb8;
	[tilespmem:$0x10080] =	vst v63  }
0x2d: {  	s0 =	rddreg [dreg:$0x9]  }
0x2e: {  	[tilespmem:s0], [sflag:$0x1] =	stream.indirect_vreg.gather [hbm4b:s4+s2], $0x80, v3, vm0, $0xb8;
	[tilespmem:$0x10080] =	vst v63  }
0x2f: {  	s10 =	rddreg [dreg:$0xa]  }
0x30: {  	[tilespmem:s10], [sflag:$0x1] =	stream.indirect_vreg.gather [hbm4b:s5+s2], $0x80, v3, vm0, $0xb8;
	[tilespmem:$0x10080] =	vst v63  }
0x31: {  	s0 =	rddreg [dreg:$0xb]  }
0x32: {  	[tilespmem:s0], [sflag:$0x1] =	stream.indirect_vreg.gather [hbm4b:s6+s2], $0x80, v3, vm0, $0xb8;
	[tilespmem:$0x10080] =	vst v63  }
0x33: {  	v3 =	vld [tilespmem:$0x10];
	_ =	sdelay $0x4  }
0x34: {  	v61 =	vshll.u32 v3, $0x3  }
0x35: {  	v3 =	vand.u32 $0x7, v3;
	v4 =	vand.u32 $0xFFFFFFC0, v61  }
0x36: {  	v3 =	vor.u32 v3, v4  }
0x37: {  	v4 =	vperm.xlane v3, v0;
	_ =	sdelay $0x1  }
0x38: {  	v4 =	vadd.s32 v1, v4;
	_ =	sdelay $0x3  }
0x39: {  	s0 =	rddreg [dreg:$0xc]  }
0x3a: {  	[tilespmem:s0], [sflag:$0x1] =	stream.indirect_vreg.gather [hbm4b:s3+s2], $0x80, v4, vm0, $0xb8;
	[tilespmem:$0x10080] =	vst v63  }
0x3b: {  	s10 =	rddreg [dreg:$0xd];
	v3 =	vperm.xlane v3, v2  }
0x3c: {  	[tilespmem:s10], [sflag:$0x1] =	stream.indirect_vreg.gather [hbm4b:s4+s2], $0x80, v4, vm0, $0xb8;
	[tilespmem:$0x10080] =	vst v63  }
0x3d: {  	v3 =	vadd.s32 v1, v3;
	s0 =	rddreg [dreg:$0xe]  }
0x3e: {  	[tilespmem:s0], [sflag:$0x1] =	stream.indirect_vreg.gather [hbm4b:s5+s2], $0x80, v4, vm0, $0xb8;
	[tilespmem:$0x10080] =	vst v63  }
0x3f: {  	s10 =	simm.s32 $0x5880  }
0x40: {  	[tilespmem:s10], [sflag:$0x1] =	stream.indirect_vreg.gather [hbm4b:s6+s2], $0x80, v4, vm0, $0xb8;
	[tilespmem:$0x10080] =	vst v63  }
0x41: {  	_ = 	snop  }
0x42: {  	[tilespmem:s11], [sflag:$0x1] =	stream.indirect_vreg.gather [hbm4b:s3+s2], $0x80, v3, vm0, $0xb8;
	[tilespmem:$0x10080] =	vst v63  }
0x43: {  	_ = 	snop  }
0x44: {  	[tilespmem:s12], [sflag:$0x1] =	stream.indirect_vreg.gather [hbm4b:s4+s2], $0x80, v3, vm0, $0xb8;
	[tilespmem:$0x10080] =	vst v63  }
0x45: {  	_ = 	snop  }
0x46: {  	[tilespmem:s13], [sflag:$0x1] =	stream.indirect_vreg.gather [hbm4b:s5+s2], $0x80, v3, vm0, $0xb8;
	[tilespmem:$0x10080] =	vst v63  }
0x47: {  	_ = 	snop  }
0x48: {  	[tilespmem:s14], [sflag:$0x1] =	stream.indirect_vreg.gather [hbm4b:s6+s2], $0x80, v3, vm0, $0xb8;
	[tilespmem:$0x10080] =	vst v63  }
0x49: {  	v3 =	vld [tilespmem:$0x20];
	_ =	sdelay $0x4  }
0x4a: {  	v62 =	vshll.u32 v3, $0x3  }
0x4b: {  	v3 =	vand.u32 $0x7, v3;
	v4 =	vand.u32 $0xFFFFFFC0, v62  }
0x4c: {  	v3 =	vor.u32 v3, v4  }
0x4d: {  	v4 =	vperm.xlane v3, v0;
	_ =	sdelay $0x1  }
0x4e: {  	v4 =	vadd.s32 v1, v4;
	_ =	sdelay $0x4  }
0x4f: {  	[tilespmem:s15], [sflag:$0x1] =	stream.indirect_vreg.gather [hbm4b:s3+s2], $0x80, v4, vm0, $0xb8;
	[tilespmem:$0x10080] =	vst v63  }
0x50: {  	v3 =	vperm.xlane v3, v2  }
0x51: {  	[tilespmem:s16], [sflag:$0x1] =	stream.indirect_vreg.gather [hbm4b:s4+s2], $0x80, v4, vm0, $0xb8;
	[tilespmem:$0x10080] =	vst v63  }
0x52: {  	v3 =	vadd.s32 v1, v3  }
0x53: {  	[tilespmem:s17], [sflag:$0x1] =	stream.indirect_vreg.gather [hbm4b:s5+s2], $0x80, v4, vm0, $0xb8;
	[tilespmem:$0x10080] =	vst v63  }
0x54: {  	_ = 	snop  }
0x55: {  	[tilespmem:s18], [sflag:$0x1] =	stream.indirect_vreg.gather [hbm4b:s6+s2], $0x80, v4, vm0, $0xb8;
	[tilespmem:$0x10080] =	vst v63  }
0x56: {  	_ = 	snop  }
0x57: {  	[tilespmem:s19], [sflag:$0x1] =	stream.indirect_vreg.gather [hbm4b:s3+s2], $0x80, v3, vm0, $0xb8;
	[tilespmem:$0x10080] =	vst v63  }
0x58: {  	_ = 	snop  }
0x59: {  	[tilespmem:s20], [sflag:$0x1] =	stream.indirect_vreg.gather [hbm4b:s4+s2], $0x80, v3, vm0, $0xb8;
	[tilespmem:$0x10080] =	vst v63  }
0x5a: {  	_ = 	snop  }
0x5b: {  	[tilespmem:s21], [sflag:$0x1] =	stream.indirect_vreg.gather [hbm4b:s5+s2], $0x80, v3, vm0, $0xb8;
	[tilespmem:$0x10080] =	vst v63  }
0x5c: {  	_ = 	snop  }
0x5d: {  	[tilespmem:s22], [sflag:$0x1] =	stream.indirect_vreg.gather [hbm4b:s6+s2], $0x80, v3, vm0, $0xb8;
	[tilespmem:$0x10080] =	vst v63  }
0x5e: {  	v3 =	vld [tilespmem:$0x30];
	_ =	sdelay $0x4  }
0x5f: {  	v63 =	vshll.u32 v3, $0x3  }
0x60: {  	v3 =	vand.u32 $0x7, v3;
	v4 =	vand.u32 $0xFFFFFFC0, v63  }
0x61: {  	v3 =	vor.u32 v3, v4  }
0x62: {  	v4 =	vperm.xlane v3, v0;
	_ =	sdelay $0x1  }
0x63: {  	v4 =	vadd.s32 v1, v4;
	_ =	sdelay $0x4  }
0x64: {  	[tilespmem:s23], [sflag:$0x1] =	stream.indirect_vreg.gather [hbm4b:s3+s2], $0x80, v4, vm0, $0xb8;
	[tilespmem:$0x10080] =	vst v63  }
0x65: {  	v3 =	vperm.xlane v3, v2  }
0x66: {  	[tilespmem:s24], [sflag:$0x1] =	stream.indirect_vreg.gather [hbm4b:s4+s2], $0x80, v4, vm0, $0xb8;
	[tilespmem:$0x10080] =	vst v63  }
0x67: {  	v3 =	vadd.s32 v1, v3  }
0x68: {  	[tilespmem:s25], [sflag:$0x1] =	stream.indirect_vreg.gather [hbm4b:s5+s2], $0x80, v4, vm0, $0xb8;
	[tilespmem:$0x10080] =	vst v63  }
0x69: {  	_ = 	snop  }
0x6a: {  	[tilespmem:s26], [sflag:$0x1] =	stream.indirect_vreg.gather [hbm4b:s6+s2], $0x80, v4, vm0, $0xb8;
	[tilespmem:$0x10080] =	vst v63  }
0x6b: {  	_ = 	snop  }
0x6c: {  	[tilespmem:s28], [sflag:$0x1] =	stream.indirect_vreg.gather [hbm4b:s3+s2], $0x80, v3, vm0, $0xb8;
	[tilespmem:$0x10080] =	vst v63  }
0x6d: {  	_ = 	snop  }
0x6e: {  	[tilespmem:s29], [sflag:$0x1] =	stream.indirect_vreg.gather [hbm4b:s4+s2], $0x80, v3, vm0, $0xb8;
	[tilespmem:$0x10080] =	vst v63  }
0x6f: {  	_ = 	snop  }
0x70: {  	[tilespmem:s30], [sflag:$0x1] =	stream.indirect_vreg.gather [hbm4b:s5+s2], $0x80, v3, vm0, $0xb8;
	[tilespmem:$0x10080] =	vst v63  }
0x71: {  	_ = 	snop  }
0x72: {  	[tilespmem:s31], [sflag:$0x1] =	stream.indirect_vreg.gather [hbm4b:s6+s2], $0x80, v3, vm0, $0xb8;
	[tilespmem:$0x10080] =	vst v63  }
0x73: {  	_ =	swait.ge [sflag:s1], $0x10000  }
0x74: {  	p0 =	sne.s32 s7, $0x1;
	[sflag:s1] =	ssyncset.done $0x0  }
.Ltmp0:
0x75: {  	s10 =	rddreg [dreg:$0x4];
	[sflag:s1] =	ssyncadd.s32 $0xFFFF0000;
	(pc) =	sbr.rel @p0 .LBB2_1-.Ltmp0, $4  }
0x76: {  	[hbm4b:s10+s2] =	stream.linear.scatter [tilespmem:s9], [sflag:$0x2], $0x10000, $0x38;
	[tilespmem:$0x10080] =	vst v63  }
0x77: {  	_ =	swait.ge [sflag:s8], $0x10000  }
0x78: {  	[sflag:s8] =	ssyncset.done $0x0  }
0x79: {  	s7 =	sadd.s32 $0xFFFFFFFF, s7;
	[sflag:s8] =	ssyncadd.s32 $0xFFFF0000  }
0x7a: {  	_ =	sfence.sel $0x180000  }
0x7b: {  	[bflag:$0x0] =	sbarrier.arrive $0xFFFF  }
0x7c: {  	_ =	strace $0x9000004A  }
0x7d: {  	s0 =	stileid.u32;
	[bflag:$0x2] =	sbarrier.arrive $0xFFFF  }
0x7e: {  	p0 =	sne.s32 s0, $0x0;
	s0 =	rddreg [dreg:$0x2]  }
0x7f: {  	s0 =	sadd.s32 @!p0 $0x100000, s0  }
0x80: {  	[sflag:s0] =	ssyncadd.tile.s32 @!p0 $0x1;
	_ =	shalt  }
.Lfunc_end2:
_tile_overlayer_lowered:
.L_overlay_start_2:
0x81: {  	(tag) =	ssettag $0x2  }
0x82: {  	s0 =	rddreg [dreg:$0x0];
	s2 =	stileid.u32  }
0x83: {  	s1 =	rddreg [dreg:$0x1];
	p0 =	sne.s32 s2, $0x0  }
0x84: {  	s3 =	rddreg [dreg:$0x2];
	[bflag:$0x3] =	sbarrier.arrive $0xFFFF;
	s2 =	simm.s32 @!p0 $0x1C02  }
0x85: {  	[timem:s3], [sflag:s2] =	dma.local @!p0 [hbm:s0], s1  }
0x86: {  	s0 =	simm.s32 @!p0 $0x2  }
0x87: {  	_ =	swait.ge @!p0 [sflag:s0], s1  }
0x88: {  	s1 =	ssub.s32 @!p0 $0x0, s1;
	[sflag:s0] =	ssyncset.done @!p0 $0x0  }
0x89: {  	[sflag:s0] =	ssyncadd.s32 @!p0 s1  }
0x8a: {  	[bflag:$0x3] =	sbarrier.arrive $0xFFFF  }
0x8b: {  	_ =	shalt  }

</sc_bundles>
